<compile_context>
chip_gen: v7x
topology: tpu7x:2x2x1
jax: 0.10.2.dev20260603
libtpu: 0.0.44.dev20260713+nightly
codegen_flags: <defaults>
</compile_context>

<pallas_src>
import jax
import jax.numpy as jnp
from jax.experimental import pallas as pl
from jax.experimental.pallas import tpu as pltpu
from jax.experimental.pallas import tpu_sc as plsc

_ROWS = 16
_LANES = 16


def kernel(inputs, pos_table):
    batch, seq, emb = inputs.shape
    x = inputs.reshape(batch * seq, emb)
    nseq = seq // _ROWS
    mesh = plsc.VectorSubcoreMesh(core_axis_name="c", subcore_axis_name="s")

    @pl.kernel(
        out_type=jax.ShapeDtypeStruct((batch * seq, emb), inputs.dtype),
        mesh=mesh,
    )
    def sc_kernel(x_hbm, p_hbm, o_hbm):
        def body(x_vmem, p_vmem, o_vmem):
            @pl.loop(0, _ROWS)
            def _(r):
                for c in range(0, emb, _LANES):
                    slc = (pl.ds(r, 1), pl.ds(c, _LANES))
                    o_vmem.at[*slc][...] = (
                        x_vmem.at[*slc][...] + p_vmem.at[*slc][...]
                    )

        pltpu.emit_pipeline(
            body,
            grid=(nseq, batch),
            in_specs=[
                pl.BlockSpec((_ROWS, emb), index_map=lambda i, j: (j * nseq + i, 0)),
                pl.BlockSpec((_ROWS, emb), index_map=lambda i, j: (i, 0)),
            ],
            out_specs=[
                pl.BlockSpec((_ROWS, emb), index_map=lambda i, j: (j * nseq + i, 0)),
            ],
            core_axis_name=("c", "s"),
            dimension_semantics=(pltpu.PARALLEL, pltpu.ARBITRARY),
        )(x_hbm, p_hbm, o_hbm)

    out = sc_kernel(x, pos_table)
    return out.reshape(batch, seq, emb)

# --- scband reference (transcript-rebuilt; emitter-appended) ---
"""Pipeline reference for scband-position-embedd-22497038696871 (READ-ONLY COPY).

The authoritative reference and input builder live on the scoring server;
editing this copy changes nothing except your own understanding.
"""

import jax, jax.numpy as jnp
import numpy as np

SEQ_SIZE = 8192
EMBED_DIM = 768
BATCH = 4

def setup_inputs(seed: int = 0) -> dict:
    key = jax.random.key(seed)
    k1, k2 = jax.random.split(key)
    inputs = jax.random.normal(k1, (BATCH, SEQ_SIZE, EMBED_DIM), dtype=jnp.float32)
    # Embedding table for positions, Keras default uniform init ~ U(-0.05, 0.05)
    pos_table = jax.random.uniform(k2, (SEQ_SIZE, EMBED_DIM), dtype=jnp.float32, minval=-0.05, maxval=0.05)
    return {"inputs": inputs, "pos_table": pos_table}

def reference(inputs, pos_table):
    # positions = range(0, seq_size)
    positions = jnp.arange(SEQ_SIZE)
    # embedding lookup (gather)
    x_positions = jnp.take(pos_table, positions, axis=0)  # [SEQ_SIZE, EMBED_DIM]
    # broadcast add over batch
    x_token = inputs + x_positions[None, :, :]
    return x_token

if __name__ == "__main__":
    import jax
    _d = setup_inputs()
    print(jax.jit(kernel)(*tuple(_d.values())))

</pallas_src>

<mosaic_0001>
#map = affine_map<(d0, d1) -> (0, 0)>
module attributes {stable_mosaic.version = 14 : i64} {
  func.func @sc_kernel(%arg0: i32, %arg1: i32, %arg2: memref<32768x768xf32, #tpu.memory_space<hbm>>, %arg3: memref<8192x768xf32, #tpu.memory_space<hbm>>, %arg4: memref<32768x768xf32, #tpu.memory_space<hbm>>) attributes {dimension_semantics = [#tpu.dimension_semantics<core_parallel>, #tpu.dimension_semantics<subcore_parallel>], iteration_bounds = array<i64: 2, 16>, scalar_prefetch = 0 : i64, scratch_operands = 0 : i64, tpu.core_type = #tpu.core_type<sc_vector_subcore>, window_params = [{transform_indices = #map}, {transform_indices = #map}, {transform_indices = #map}]} {
    %mul3A = arith.constant 1 : i32
    %mul3A_0 = arith.muli %arg1, %mul3A : i32
    %add3A = arith.constant 0 : i32
    %add3A_1 = arith.addi %add3A, %mul3A_0 : i32
    %mul3A_2 = arith.constant 16 : i32
    %mul3A_3 = arith.muli %arg0, %mul3A_2 : i32
    %add3A_4 = arith.addi %add3A_1, %mul3A_3 : i32
    %mul3A_5 = arith.constant 16 : i32
    %mul3A_6 = arith.muli %add3A_4, %mul3A_5 : i32
    "tpu.region"() ({
      %run_scoped3A = memref.alloca() : memref<2x16x768xf32, #tpu.memory_space<vmem>>
      %run_scoped3A_7 = tpu.sem_alloc : memref<2x!tpu.dma_semaphore, #tpu.memory_space<semaphore_mem>>
      %run_scoped3A_8 = memref.alloca() : memref<2x16x768xf32, #tpu.memory_space<vmem>>
      %run_scoped3A_9 = tpu.sem_alloc : memref<2x!tpu.dma_semaphore, #tpu.memory_space<semaphore_mem>>
      %run_scoped3A_10 = memref.alloca() : memref<2x16x768xf32, #tpu.memory_space<vmem>>
      %run_scoped3A_11 = tpu.sem_alloc : memref<2x!tpu.dma_semaphore, #tpu.memory_space<semaphore_mem>>
      %add3A_12 = arith.constant 0 : i32
      %add3A_13 = arith.addi %add3A_12, %mul3A_6 : i32
      %select_n3A = arith.constant true
      %select_n3A_14 = arith.constant 0 : i32
      %select_n3A_15 = arith.constant -1 : i32
      %select_n3A_16 = arith.select %select_n3A, %select_n3A_15, %select_n3A_14 : i32
      %eq3A = arith.constant -1 : i32
      %eq3A_17 = arith.cmpi eq, %select_n3A_16, %eq3A : i32
      %select_n3A_18 = arith.constant 3 : i32
      %select_n3A_19 = arith.select %eq3A_17, %select_n3A_18, %select_n3A_16 : i32
      %select_n3A_20 = arith.constant 0 : i32
      %select_n3A_21 = arith.constant -1 : i32
      %select_n3A_22 = arith.select %eq3A_17, %select_n3A_21, %select_n3A_20 : i32
      %eq3A_23 = arith.constant -1 : i32
      %eq3A_24 = arith.cmpi eq, %select_n3A_22, %eq3A_23 : i32
      %select_n3A_25 = arith.constant 15 : i32
      %select_n3A_26 = arith.select %eq3A_24, %select_n3A_25, %select_n3A_22 : i32
      %add3A_27 = arith.addi %select_n3A_26, %mul3A_6 : i32
      %add3A_28 = arith.constant 0 : i32
      %add3A_29 = arith.addi %select_n3A_19, %add3A_28 : i32
      %select_n3A_30 = arith.constant true
      %select_n3A_31 = arith.constant 0 : i32
      %select_n3A_32 = arith.constant 1 : i32
      %select_n3A_33 = arith.select %select_n3A_30, %select_n3A_32, %select_n3A_31 : i32
      %eq3A_34 = arith.constant 4 : i32
      %eq3A_35 = arith.cmpi eq, %select_n3A_33, %eq3A_34 : i32
      %select_n3A_36 = arith.constant 0 : i32
      %select_n3A_37 = arith.select %eq3A_35, %select_n3A_36, %select_n3A_33 : i32
      %select_n3A_38 = arith.constant 0 : i32
      %select_n3A_39 = arith.constant 1 : i32
      %select_n3A_40 = arith.select %eq3A_35, %select_n3A_39, %select_n3A_38 : i32
      %eq3A_41 = arith.constant 16 : i32
      %eq3A_42 = arith.cmpi eq, %select_n3A_40, %eq3A_41 : i32
      %select_n3A_43 = arith.constant 0 : i32
      %select_n3A_44 = arith.select %eq3A_42, %select_n3A_43, %select_n3A_40 : i32
      %add3A_45 = arith.addi %select_n3A_44, %mul3A_6 : i32
      %add3A_46 = arith.constant 0 : i32
      %add3A_47 = arith.addi %select_n3A_37, %add3A_46 : i32
      %add3A_48 = arith.constant 1 : i32
      %add3A_49 = arith.addi %select_n3A_37, %add3A_48 : i32
      %select_n3A_50 = arith.constant true
      %select_n3A_51 = arith.select %select_n3A_50, %add3A_49, %select_n3A_37 : i32
      %eq3A_52 = arith.constant 4 : i32
      %eq3A_53 = arith.cmpi eq, %select_n3A_51, %eq3A_52 : i32
      %select_n3A_54 = arith.constant 0 : i32
      %select_n3A_55 = arith.select %eq3A_53, %select_n3A_54, %select_n3A_51 : i32
      %add3A_56 = arith.constant 1 : i32
      %add3A_57 = arith.addi %select_n3A_44, %add3A_56 : i32
      %select_n3A_58 = arith.select %eq3A_53, %add3A_57, %select_n3A_44 : i32
      %eq3A_59 = arith.constant 16 : i32
      %eq3A_60 = arith.cmpi eq, %select_n3A_58, %eq3A_59 : i32
      %select_n3A_61 = arith.constant 0 : i32
      %select_n3A_62 = arith.select %eq3A_60, %select_n3A_61, %select_n3A_58 : i32
      %add3A_63 = arith.addi %select_n3A_62, %mul3A_6 : i32
      %add3A_64 = arith.constant 0 : i32
      %add3A_65 = arith.addi %select_n3A_55, %add3A_64 : i32
      "tpu.trace_start"() <{level = 10 : i32, message = "ep_initialize_0"}> : () -> ()
      %rem3A = arith.constant 0 : i32
      %rem3A_66 = arith.constant 2 : i32
      %rem3A_67 = arith.remui %rem3A, %rem3A_66 : i32
      %add3A_68 = arith.constant 0 : i32
      %add3A_69 = arith.addi %add3A_68, %add3A_13 : i32
      %mul3A_70 = arith.constant 16 : i32
      %mul3A_71 = arith.muli %mul3A_70, %add3A_69 : i32
      %dma_start3A = arith.constant 0 : i32
      %dma_start3A_72 = arith.constant 0 : i32
      %dma_start3A_73 = tpu.memref_slice %run_scoped3A[%rem3A_67, %dma_start3A, %dma_start3A_72] : memref<2x16x768xf32, #tpu.memory_space<vmem>> -> memref<1x16x768xf32, #tpu.memory_space<vmem>>
      %dma_start3A_74 = tpu.memref_squeeze %dma_start3A_73 : memref<1x16x768xf32, #tpu.memory_space<vmem>> -> memref<16x768xf32, #tpu.memory_space<vmem>>
      %dma_start3A_75 = arith.constant 0 : i32
      %dma_start3A_76 = tpu.memref_slice %arg2[%mul3A_71, %dma_start3A_75] : memref<32768x768xf32, #tpu.memory_space<hbm>> -> memref<16x768xf32, #tpu.memory_space<hbm>>
      %dma_start3A_77 = tpu.memref_slice %run_scoped3A_7[%rem3A_67] : memref<2x!tpu.dma_semaphore, #tpu.memory_space<semaphore_mem>> -> memref<1x!tpu.dma_semaphore, #tpu.memory_space<semaphore_mem>>
      %dma_start3A_78 = tpu.memref_squeeze %dma_start3A_77 : memref<1x!tpu.dma_semaphore, #tpu.memory_space<semaphore_mem>> -> memref<!tpu.dma_semaphore, #tpu.memory_space<semaphore_mem>>
      %dma_start3A_79 = arith.constant 0 : i32
      %dma_start3A_80 = arith.constant 0 : i32
      %dma_start3A_81 = tpu.memref_slice %run_scoped3A[%rem3A_67, %dma_start3A_79, %dma_start3A_80] : memref<2x16x768xf32, #tpu.memory_space<vmem>> -> memref<1x16x768xf32, #tpu.memory_space<vmem>>
      %dma_start3A_82 = tpu.memref_squeeze %dma_start3A_81 : memref<1x16x768xf32, #tpu.memory_space<vmem>> -> memref<16x768xf32, #tpu.memory_space<vmem>>
      %dma_start3A_83 = arith.constant 0 : i32
      %dma_start3A_84 = tpu.memref_slice %arg2[%mul3A_71, %dma_start3A_83] : memref<32768x768xf32, #tpu.memory_space<hbm>> -> memref<16x768xf32, #tpu.memory_space<hbm>>
      tpu.enqueue_dma source(%dma_start3A_84 : memref<16x768xf32, #tpu.memory_space<hbm>>) target(%dma_start3A_82 : memref<16x768xf32, #tpu.memory_space<vmem>>) target_semaphore(%dma_start3A_78 : memref<!tpu.dma_semaphore, #tpu.memory_space<semaphore_mem>>)
      %add3A_85 = arith.constant 0 : i32
      %add3A_86 = arith.constant 1 : i32
      %add3A_87 = arith.addi %add3A_85, %add3A_86 : i32
      %select_n3A_88 = arith.constant true
      %select_n3A_89 = arith.constant 0 : i32
      %select_n3A_90 = arith.select %select_n3A_88, %add3A_87, %select_n3A_89 : i32
      %rem3A_91 = arith.constant 0 : i32
      %rem3A_92 = arith.constant 2 : i32
      %rem3A_93 = arith.remui %rem3A_91, %rem3A_92 : i32
      %mul3A_94 = arith.constant 16 : i32
      %mul3A_95 = arith.muli %mul3A_94, %add3A_13 : i32
      %dma_start3A_96 = arith.constant 0 : i32
      %dma_start3A_97 = arith.constant 0 : i32
      %dma_start3A_98 = tpu.memref_slice %run_scoped3A_8[%rem3A_93, %dma_start3A_96, %dma_start3A_97] : memref<2x16x768xf32, #tpu.memory_space<vmem>> -> memref<1x16x768xf32, #tpu.memory_space<vmem>>
      %dma_start3A_99 = tpu.memref_squeeze %dma_start3A_98 : memref<1x16x768xf32, #tpu.memory_space<vmem>> -> memref<16x768xf32, #tpu.memory_space<vmem>>
      %dma_start3A_100 = arith.constant 0 : i32
      %dma_start3A_101 = tpu.memref_slice %arg3[%mul3A_95, %dma_start3A_100] : memref<8192x768xf32, #tpu.memory_space<hbm>> -> memref<16x768xf32, #tpu.memory_space<hbm>>
      %dma_start3A_102 = tpu.memref_slice %run_scoped3A_9[%rem3A_93] : memref<2x!tpu.dma_semaphore, #tpu.memory_space<semaphore_mem>> -> memref<1x!tpu.dma_semaphore, #tpu.memory_space<semaphore_mem>>
      %dma_start3A_103 = tpu.memref_squeeze %dma_start3A_102 : memref<1x!tpu.dma_semaphore, #tpu.memory_space<semaphore_mem>> -> memref<!tpu.dma_semaphore, #tpu.memory_space<semaphore_mem>>
      %dma_start3A_104 = arith.constant 0 : i32
      %dma_start3A_105 = arith.constant 0 : i32
      %dma_start3A_106 = tpu.memref_slice %run_scoped3A_8[%rem3A_93, %dma_start3A_104, %dma_start3A_105] : memref<2x16x768xf32, #tpu.memory_space<vmem>> -> memref<1x16x768xf32, #tpu.memory_space<vmem>>
      %dma_start3A_107 = tpu.memref_squeeze %dma_start3A_106 : memref<1x16x768xf32, #tpu.memory_space<vmem>> -> memref<16x768xf32, #tpu.memory_space<vmem>>
      %dma_start3A_108 = arith.constant 0 : i32
      %dma_start3A_109 = tpu.memref_slice %arg3[%mul3A_95, %dma_start3A_108] : memref<8192x768xf32, #tpu.memory_space<hbm>> -> memref<16x768xf32, #tpu.memory_space<hbm>>
      tpu.enqueue_dma source(%dma_start3A_109 : memref<16x768xf32, #tpu.memory_space<hbm>>) target(%dma_start3A_107 : memref<16x768xf32, #tpu.memory_space<vmem>>) target_semaphore(%dma_start3A_103 : memref<!tpu.dma_semaphore, #tpu.memory_space<semaphore_mem>>)
      %add3A_110 = arith.constant 0 : i32
      %add3A_111 = arith.constant 1 : i32
      %add3A_112 = arith.addi %add3A_110, %add3A_111 : i32
      %select_n3A_113 = arith.constant true
      %select_n3A_114 = arith.constant 0 : i32
      %select_n3A_115 = arith.select %select_n3A_113, %add3A_112, %select_n3A_114 : i32
      "tpu.trace_stop"() : () -> ()
      %scan3A = arith.constant 0 : i32
      %scan3A_116 = arith.constant 0 : i32
      %scan3A_117 = arith.constant 0 : i32
      %scan3A_118 = arith.constant 0 : i32
      %scan3A_119 = arith.constant 0 : i32
      %scan3A_120 = arith.constant 0 : i32
      %scan3A_121 = arith.constant 0 : i32
      %scan3A_122 = arith.constant 64 : i32
      %scan3A_123 = arith.addi %scan3A_121, %scan3A_122 : i32
      %scan3A_124 = arith.constant 1 : i32
      %scan3A_125:8 = scf.for %scan3A_218 = %scan3A_121 to %scan3A_123 step %scan3A_124 iter_args(%scan3A_219 = %select_n3A_90, %scan3A_220 = %scan3A, %scan3A_221 = %select_n3A_115, %scan3A_222 = %scan3A_116, %scan3A_223 = %scan3A_117, %scan3A_224 = %scan3A_118, %scan3A_225 = %scan3A_119, %scan3A_226 = %scan3A_120) -> (i32, i32, i32, i32, i32, i32, i32, i32)  : i32 {
        %eq3A_227 = arith.constant 0 : i32
        %eq3A_228 = arith.cmpi eq, %scan3A_218, %eq3A_227 : i32
        %eq3A_229 = arith.constant 63 : i32
        %eq3A_230 = arith.cmpi eq, %scan3A_218, %eq3A_229 : i32
        %add3A_231 = arith.addi %scan3A_225, %mul3A_6 : i32
        %add3A_232 = arith.constant 0 : i32
        %add3A_233 = arith.addi %scan3A_226, %add3A_232 : i32
        %sub3A_234 = arith.constant 1 : i32
        %sub3A_235 = arith.subi %scan3A_226, %sub3A_234 : i32
        %select_n3A_236 = arith.constant true
        %select_n3A_237 = arith.select %select_n3A_236, %sub3A_235, %scan3A_226 : i32
        %eq3A_238 = arith.constant -1 : i32
        %eq3A_239 = arith.cmpi eq, %select_n3A_237, %eq3A_238 : i32
        %select_n3A_240 = arith.constant 3 : i32
        %select_n3A_241 = arith.select %eq3A_239, %select_n3A_240, %select_n3A_237 : i32
        %sub3A_242 = arith.constant 1 : i32
        %sub3A_243 = arith.subi %scan3A_225, %sub3A_242 : i32
        %select_n3A_244 = arith.select %eq3A_239, %sub3A_243, %scan3A_225 : i32
        %eq3A_245 = arith.constant -1 : i32
        %eq3A_246 = arith.cmpi eq, %select_n3A_244, %eq3A_245 : i32
        %select_n3A_247 = arith.constant 15 : i32
        %select_n3A_248 = arith.select %eq3A_246, %select_n3A_247, %select_n3A_244 : i32
        %add3A_249 = arith.addi %select_n3A_248, %mul3A_6 : i32
        %add3A_250 = arith.constant 0 : i32
        %add3A_251 = arith.addi %select_n3A_241, %add3A_250 : i32
        %add3A_252 = arith.constant 1 : i32
        %add3A_253 = arith.addi %scan3A_226, %add3A_252 : i32
        %select_n3A_254 = arith.constant true
        %select_n3A_255 = arith.select %select_n3A_254, %add3A_253, %scan3A_226 : i32
        %eq3A_256 = arith.constant 4 : i32
        %eq3A_257 = arith.cmpi eq, %select_n3A_255, %eq3A_256 : i32
        %select_n3A_258 = arith.constant 0 : i32
        %select_n3A_259 = arith.select %eq3A_257, %select_n3A_258, %select_n3A_255 : i32
        %add3A_260 = arith.constant 1 : i32
        %add3A_261 = arith.addi %scan3A_225, %add3A_260 : i32
        %select_n3A_262 = arith.select %eq3A_257, %add3A_261, %scan3A_225 : i32
        %eq3A_263 = arith.constant 16 : i32
        %eq3A_264 = arith.cmpi eq, %select_n3A_262, %eq3A_263 : i32
        %select_n3A_265 = arith.constant 0 : i32
        %select_n3A_266 = arith.select %eq3A_264, %select_n3A_265, %select_n3A_262 : i32
        %add3A_267 = arith.addi %select_n3A_266, %mul3A_6 : i32
        %add3A_268 = arith.constant 0 : i32
        %add3A_269 = arith.addi %select_n3A_259, %add3A_268 : i32
        %add3A_270 = arith.constant 1 : i32
        %add3A_271 = arith.addi %select_n3A_259, %add3A_270 : i32
        %select_n3A_272 = arith.constant true
        %select_n3A_273 = arith.select %select_n3A_272, %add3A_271, %select_n3A_259 : i32
        %eq3A_274 = arith.constant 4 : i32
        %eq3A_275 = arith.cmpi eq, %select_n3A_273, %eq3A_274 : i32
        %select_n3A_276 = arith.constant 0 : i32
        %select_n3A_277 = arith.select %eq3A_275, %select_n3A_276, %select_n3A_273 : i32
        %add3A_278 = arith.constant 1 : i32
        %add3A_279 = arith.addi %select_n3A_266, %add3A_278 : i32
        %select_n3A_280 = arith.select %eq3A_275, %add3A_279, %select_n3A_266 : i32
        %eq3A_281 = arith.constant 16 : i32
        %eq3A_282 = arith.cmpi eq, %select_n3A_280, %eq3A_281 : i32
        %select_n3A_283 = arith.constant 0 : i32
        %select_n3A_284 = arith.select %eq3A_282, %select_n3A_283, %select_n3A_280 : i32
        %add3A_285 = arith.addi %select_n3A_284, %mul3A_6 : i32
        %add3A_286 = arith.constant 0 : i32
        %add3A_287 = arith.addi %select_n3A_277, %add3A_286 : i32
        %mul3A_288 = arith.constant 512 : i32
        %mul3A_289 = arith.muli %add3A_233, %mul3A_288 : i32
        %add3A_290 = arith.addi %mul3A_289, %add3A_231 : i32
        %mul3A_291 = arith.constant 512 : i32
        %mul3A_292 = arith.muli %add3A_269, %mul3A_291 : i32
        %add3A_293 = arith.addi %mul3A_292, %add3A_267 : i32
        %ne3A = arith.cmpi ne, %add3A_290, %add3A_293 : i32
        %or3A = arith.constant false
        %or3A_294 = arith.ori %or3A, %ne3A : i1
        %or3A_295 = arith.constant false
        %or3A_296 = arith.ori %or3A_294, %or3A_295 : i1
        %ge3A = arith.constant 63 : i32
        %ge3A_297 = arith.cmpi sge, %scan3A_218, %ge3A : i32
        %not3A = arith.constant true
        %not3A_298 = arith.xori %ge3A_297, %not3A : i1
        %and3A = arith.andi %or3A_296, %not3A_298 : i1
        %convert_element_type3A = arith.extui %and3A : i1 to i32
        %cond3A = arith.constant 0 : i32
        %cond3A_299 = arith.cmpi ne, %convert_element_type3A, %cond3A : i32
        scf.if %cond3A_299 {
          "tpu.trace_start"() <{level = 10 : i32, message = "ep_copy_in"}> : () -> ()
          %rem3A_530 = arith.constant 2 : i32
          %rem3A_531 = arith.remui %scan3A_219, %rem3A_530 : i32
          %mul3A_532 = arith.constant 512 : i32
          %mul3A_533 = arith.muli %add3A_269, %mul3A_532 : i32
          %add3A_534 = arith.addi %mul3A_533, %add3A_267 : i32
          %mul3A_535 = arith.constant 16 : i32
          %mul3A_536 = arith.muli %mul3A_535, %add3A_534 : i32
          %dma_start3A_537 = arith.constant 0 : i32
          %dma_start3A_538 = arith.constant 0 : i32
          %dma_start3A_539 = tpu.memref_slice %run_scoped3A[%rem3A_531, %dma_start3A_537, %dma_start3A_538] : memref<2x16x768xf32, #tpu.memory_space<vmem>> -> memref<1x16x768xf32, #tpu.memory_space<vmem>>
          %dma_start3A_540 = tpu.memref_squeeze %dma_start3A_539 : memref<1x16x768xf32, #tpu.memory_space<vmem>> -> memref<16x768xf32, #tpu.memory_space<vmem>>
          %dma_start3A_541 = arith.constant 0 : i32
          %dma_start3A_542 = tpu.memref_slice %arg2[%mul3A_536, %dma_start3A_541] : memref<32768x768xf32, #tpu.memory_space<hbm>> -> memref<16x768xf32, #tpu.memory_space<hbm>>
          %dma_start3A_543 = tpu.memref_slice %run_scoped3A_7[%rem3A_531] : memref<2x!tpu.dma_semaphore, #tpu.memory_space<semaphore_mem>> -> memref<1x!tpu.dma_semaphore, #tpu.memory_space<semaphore_mem>>
          %dma_start3A_544 = tpu.memref_squeeze %dma_start3A_543 : memref<1x!tpu.dma_semaphore, #tpu.memory_space<semaphore_mem>> -> memref<!tpu.dma_semaphore, #tpu.memory_space<semaphore_mem>>
          %dma_start3A_545 = arith.constant 0 : i32
          %dma_start3A_546 = arith.constant 0 : i32
          %dma_start3A_547 = tpu.memref_slice %run_scoped3A[%rem3A_531, %dma_start3A_545, %dma_start3A_546] : memref<2x16x768xf32, #tpu.memory_space<vmem>> -> memref<1x16x768xf32, #tpu.memory_space<vmem>>
          %dma_start3A_548 = tpu.memref_squeeze %dma_start3A_547 : memref<1x16x768xf32, #tpu.memory_space<vmem>> -> memref<16x768xf32, #tpu.memory_space<vmem>>
          %dma_start3A_549 = arith.constant 0 : i32
          %dma_start3A_550 = tpu.memref_slice %arg2[%mul3A_536, %dma_start3A_549] : memref<32768x768xf32, #tpu.memory_space<hbm>> -> memref<16x768xf32, #tpu.memory_space<hbm>>
          tpu.enqueue_dma source(%dma_start3A_550 : memref<16x768xf32, #tpu.memory_space<hbm>>) target(%dma_start3A_548 : memref<16x768xf32, #tpu.memory_space<vmem>>) target_semaphore(%dma_start3A_544 : memref<!tpu.dma_semaphore, #tpu.memory_space<semaphore_mem>>)
          "tpu.trace_stop"() : () -> ()
        } else {
        }
        %and3A_300 = arith.constant true
        %and3A_301 = arith.andi %and3A, %and3A_300 : i1
        %add3A_302 = arith.constant 1 : i32
        %add3A_303 = arith.addi %scan3A_219, %add3A_302 : i32
        %select_n3A_304 = arith.select %and3A_301, %add3A_303, %scan3A_219 : i32
        %ne3A_305 = arith.cmpi ne, %add3A_231, %add3A_267 : i32
        %or3A_306 = arith.constant false
        %or3A_307 = arith.ori %or3A_306, %ne3A_305 : i1
        %or3A_308 = arith.constant false
        %or3A_309 = arith.ori %or3A_307, %or3A_308 : i1
        %ge3A_310 = arith.constant 63 : i32
        %ge3A_311 = arith.cmpi sge, %scan3A_218, %ge3A_310 : i32
        %not3A_312 = arith.constant true
        %not3A_313 = arith.xori %ge3A_311, %not3A_312 : i1
        %and3A_314 = arith.andi %or3A_309, %not3A_313 : i1
        %convert_element_type3A_315 = arith.extui %and3A_314 : i1 to i32
        %cond3A_316 = arith.constant 0 : i32
        %cond3A_317 = arith.cmpi ne, %convert_element_type3A_315, %cond3A_316 : i32
        scf.if %cond3A_317 {
          "tpu.trace_start"() <{level = 10 : i32, message = "ep_copy_in"}> : () -> ()
          %rem3A_530 = arith.constant 2 : i32
          %rem3A_531 = arith.remui %scan3A_221, %rem3A_530 : i32
          %mul3A_532 = arith.constant 16 : i32
          %mul3A_533 = arith.muli %mul3A_532, %add3A_267 : i32
          %dma_start3A_534 = arith.constant 0 : i32
          %dma_start3A_535 = arith.constant 0 : i32
          %dma_start3A_536 = tpu.memref_slice %run_scoped3A_8[%rem3A_531, %dma_start3A_534, %dma_start3A_535] : memref<2x16x768xf32, #tpu.memory_space<vmem>> -> memref<1x16x768xf32, #tpu.memory_space<vmem>>
          %dma_start3A_537 = tpu.memref_squeeze %dma_start3A_536 : memref<1x16x768xf32, #tpu.memory_space<vmem>> -> memref<16x768xf32, #tpu.memory_space<vmem>>
          %dma_start3A_538 = arith.constant 0 : i32
          %dma_start3A_539 = tpu.memref_slice %arg3[%mul3A_533, %dma_start3A_538] : memref<8192x768xf32, #tpu.memory_space<hbm>> -> memref<16x768xf32, #tpu.memory_space<hbm>>
          %dma_start3A_540 = tpu.memref_slice %run_scoped3A_9[%rem3A_531] : memref<2x!tpu.dma_semaphore, #tpu.memory_space<semaphore_mem>> -> memref<1x!tpu.dma_semaphore, #tpu.memory_space<semaphore_mem>>
          %dma_start3A_541 = tpu.memref_squeeze %dma_start3A_540 : memref<1x!tpu.dma_semaphore, #tpu.memory_space<semaphore_mem>> -> memref<!tpu.dma_semaphore, #tpu.memory_space<semaphore_mem>>
          %dma_start3A_542 = arith.constant 0 : i32
          %dma_start3A_543 = arith.constant 0 : i32
          %dma_start3A_544 = tpu.memref_slice %run_scoped3A_8[%rem3A_531, %dma_start3A_542, %dma_start3A_543] : memref<2x16x768xf32, #tpu.memory_space<vmem>> -> memref<1x16x768xf32, #tpu.memory_space<vmem>>
          %dma_start3A_545 = tpu.memref_squeeze %dma_start3A_544 : memref<1x16x768xf32, #tpu.memory_space<vmem>> -> memref<16x768xf32, #tpu.memory_space<vmem>>
          %dma_start3A_546 = arith.constant 0 : i32
          %dma_start3A_547 = tpu.memref_slice %arg3[%mul3A_533, %dma_start3A_546] : memref<8192x768xf32, #tpu.memory_space<hbm>> -> memref<16x768xf32, #tpu.memory_space<hbm>>
          tpu.enqueue_dma source(%dma_start3A_547 : memref<16x768xf32, #tpu.memory_space<hbm>>) target(%dma_start3A_545 : memref<16x768xf32, #tpu.memory_space<vmem>>) target_semaphore(%dma_start3A_541 : memref<!tpu.dma_semaphore, #tpu.memory_space<semaphore_mem>>)
          "tpu.trace_stop"() : () -> ()
        } else {
        }
        %and3A_318 = arith.constant true
        %and3A_319 = arith.andi %and3A_314, %and3A_318 : i1
        %add3A_320 = arith.constant 1 : i32
        %add3A_321 = arith.addi %scan3A_221, %add3A_320 : i32
        %select_n3A_322 = arith.select %and3A_319, %add3A_321, %scan3A_221 : i32
        %mul3A_323 = arith.constant 512 : i32
        %mul3A_324 = arith.muli %add3A_233, %mul3A_323 : i32
        %add3A_325 = arith.addi %mul3A_324, %add3A_231 : i32
        %mul3A_326 = arith.constant 512 : i32
        %mul3A_327 = arith.muli %add3A_269, %mul3A_326 : i32
        %add3A_328 = arith.addi %mul3A_327, %add3A_267 : i32
        %ne3A_329 = arith.cmpi ne, %add3A_325, %add3A_328 : i32
        %or3A_330 = arith.constant false
        %or3A_331 = arith.ori %or3A_330, %ne3A_329 : i1
        %or3A_332 = arith.constant false
        %or3A_333 = arith.ori %or3A_331, %or3A_332 : i1
        %ge3A_334 = arith.constant 63 : i32
        %ge3A_335 = arith.cmpi sge, %scan3A_218, %ge3A_334 : i32
        %not3A_336 = arith.constant true
        %not3A_337 = arith.xori %ge3A_335, %not3A_336 : i1
        %and3A_338 = arith.andi %or3A_333, %not3A_337 : i1
        %mul3A_339 = arith.constant 512 : i32
        %mul3A_340 = arith.muli %add3A_233, %mul3A_339 : i32
        %add3A_341 = arith.addi %mul3A_340, %add3A_231 : i32
        %mul3A_342 = arith.constant 512 : i32
        %mul3A_343 = arith.muli %add3A_251, %mul3A_342 : i32
        %add3A_344 = arith.addi %mul3A_343, %add3A_249 : i32
        %ne3A_345 = arith.cmpi ne, %add3A_341, %add3A_344 : i32
        %or3A_346 = arith.constant false
        %or3A_347 = arith.ori %or3A_346, %ne3A_345 : i1
        %or3A_348 = arith.constant false
        %or3A_349 = arith.ori %or3A_347, %or3A_348 : i1
        %or3A_350 = arith.ori %or3A_349, %eq3A_228 : i1
        %convert_element_type3A_351 = arith.extui %or3A_350 : i1 to i32
        %cond3A_352 = arith.constant 0 : i32
        %cond3A_353 = arith.cmpi ne, %convert_element_type3A_351, %cond3A_352 : i32
        scf.if %cond3A_353 {
          "tpu.trace_start"() <{level = 10 : i32, message = "ep_wait_in"}> : () -> ()
          %mul3A_530 = arith.constant 512 : i32
          %mul3A_531 = arith.muli %add3A_233, %mul3A_530 : i32
          %add3A_532 = arith.addi %mul3A_531, %add3A_231 : i32
          %mul3A_533 = arith.constant 16 : i32
          %mul3A_534 = arith.muli %mul3A_533, %add3A_532 : i32
          %rem3A_535 = arith.constant 2 : i32
          %rem3A_536 = arith.remui %scan3A_220, %rem3A_535 : i32
          %dma_wait3A_537 = arith.constant 0 : i32
          %dma_wait3A_538 = arith.constant 0 : i32
          %dma_wait3A_539 = tpu.memref_slice %run_scoped3A[%rem3A_536, %dma_wait3A_537, %dma_wait3A_538] : memref<2x16x768xf32, #tpu.memory_space<vmem>> -> memref<1x16x768xf32, #tpu.memory_space<vmem>>
          %dma_wait3A_540 = tpu.memref_squeeze %dma_wait3A_539 : memref<1x16x768xf32, #tpu.memory_space<vmem>> -> memref<16x768xf32, #tpu.memory_space<vmem>>
          %dma_wait3A_541 = arith.constant 0 : i32
          %dma_wait3A_542 = tpu.memref_slice %arg2[%mul3A_534, %dma_wait3A_541] : memref<32768x768xf32, #tpu.memory_space<hbm>> -> memref<16x768xf32, #tpu.memory_space<hbm>>
          %dma_wait3A_543 = tpu.memref_slice %run_scoped3A_7[%rem3A_536] : memref<2x!tpu.dma_semaphore, #tpu.memory_space<semaphore_mem>> -> memref<1x!tpu.dma_semaphore, #tpu.memory_space<semaphore_mem>>
          %dma_wait3A_544 = tpu.memref_squeeze %dma_wait3A_543 : memref<1x!tpu.dma_semaphore, #tpu.memory_space<semaphore_mem>> -> memref<!tpu.dma_semaphore, #tpu.memory_space<semaphore_mem>>
          %dma_wait3A_545 = arith.constant 0 : i32
          %dma_wait3A_546 = arith.constant 0 : i32
          %dma_wait3A_547 = tpu.memref_slice %run_scoped3A[%rem3A_536, %dma_wait3A_545, %dma_wait3A_546] : memref<2x16x768xf32, #tpu.memory_space<vmem>> -> memref<1x16x768xf32, #tpu.memory_space<vmem>>
          %dma_wait3A_548 = tpu.memref_squeeze %dma_wait3A_547 : memref<1x16x768xf32, #tpu.memory_space<vmem>> -> memref<16x768xf32, #tpu.memory_space<vmem>>
          %dma_wait3A_549 = arith.constant 0 : i32
          %dma_wait3A_550 = tpu.memref_slice %arg2[%mul3A_534, %dma_wait3A_549] : memref<32768x768xf32, #tpu.memory_space<hbm>> -> memref<16x768xf32, #tpu.memory_space<hbm>>
          tpu.wait_dma2 semaphore(%dma_wait3A_544 : memref<!tpu.dma_semaphore, #tpu.memory_space<semaphore_mem>>) src(%dma_wait3A_550 : memref<16x768xf32, #tpu.memory_space<hbm>>) dst(%dma_wait3A_548 : memref<16x768xf32, #tpu.memory_space<vmem>>)
          "tpu.trace_stop"() : () -> ()
        } else {
        }
        %ne3A_354 = arith.cmpi ne, %add3A_231, %add3A_249 : i32
        %or3A_355 = arith.constant false
        %or3A_356 = arith.ori %or3A_355, %ne3A_354 : i1
        %or3A_357 = arith.constant false
        %or3A_358 = arith.ori %or3A_356, %or3A_357 : i1
        %or3A_359 = arith.ori %or3A_358, %eq3A_228 : i1
        %convert_element_type3A_360 = arith.extui %or3A_359 : i1 to i32
        %cond3A_361 = arith.constant 0 : i32
        %cond3A_362 = arith.cmpi ne, %convert_element_type3A_360, %cond3A_361 : i32
        scf.if %cond3A_362 {
          "tpu.trace_start"() <{level = 10 : i32, message = "ep_wait_in"}> : () -> ()
          %mul3A_530 = arith.constant 16 : i32
          %mul3A_531 = arith.muli %mul3A_530, %add3A_231 : i32
          %rem3A_532 = arith.constant 2 : i32
          %rem3A_533 = arith.remui %scan3A_222, %rem3A_532 : i32
          %dma_wait3A_534 = arith.constant 0 : i32
          %dma_wait3A_535 = arith.constant 0 : i32
          %dma_wait3A_536 = tpu.memref_slice %run_scoped3A_8[%rem3A_533, %dma_wait3A_534, %dma_wait3A_535] : memref<2x16x768xf32, #tpu.memory_space<vmem>> -> memref<1x16x768xf32, #tpu.memory_space<vmem>>
          %dma_wait3A_537 = tpu.memref_squeeze %dma_wait3A_536 : memref<1x16x768xf32, #tpu.memory_space<vmem>> -> memref<16x768xf32, #tpu.memory_space<vmem>>
          %dma_wait3A_538 = arith.constant 0 : i32
          %dma_wait3A_539 = tpu.memref_slice %arg3[%mul3A_531, %dma_wait3A_538] : memref<8192x768xf32, #tpu.memory_space<hbm>> -> memref<16x768xf32, #tpu.memory_space<hbm>>
          %dma_wait3A_540 = tpu.memref_slice %run_scoped3A_9[%rem3A_533] : memref<2x!tpu.dma_semaphore, #tpu.memory_space<semaphore_mem>> -> memref<1x!tpu.dma_semaphore, #tpu.memory_space<semaphore_mem>>
          %dma_wait3A_541 = tpu.memref_squeeze %dma_wait3A_540 : memref<1x!tpu.dma_semaphore, #tpu.memory_space<semaphore_mem>> -> memref<!tpu.dma_semaphore, #tpu.memory_space<semaphore_mem>>
          %dma_wait3A_542 = arith.constant 0 : i32
          %dma_wait3A_543 = arith.constant 0 : i32
          %dma_wait3A_544 = tpu.memref_slice %run_scoped3A_8[%rem3A_533, %dma_wait3A_542, %dma_wait3A_543] : memref<2x16x768xf32, #tpu.memory_space<vmem>> -> memref<1x16x768xf32, #tpu.memory_space<vmem>>
          %dma_wait3A_545 = tpu.memref_squeeze %dma_wait3A_544 : memref<1x16x768xf32, #tpu.memory_space<vmem>> -> memref<16x768xf32, #tpu.memory_space<vmem>>
          %dma_wait3A_546 = arith.constant 0 : i32
          %dma_wait3A_547 = tpu.memref_slice %arg3[%mul3A_531, %dma_wait3A_546] : memref<8192x768xf32, #tpu.memory_space<hbm>> -> memref<16x768xf32, #tpu.memory_space<hbm>>
          tpu.wait_dma2 semaphore(%dma_wait3A_541 : memref<!tpu.dma_semaphore, #tpu.memory_space<semaphore_mem>>) src(%dma_wait3A_547 : memref<16x768xf32, #tpu.memory_space<hbm>>) dst(%dma_wait3A_545 : memref<16x768xf32, #tpu.memory_space<vmem>>)
          "tpu.trace_stop"() : () -> ()
        } else {
        }
        %mul3A_363 = arith.constant 512 : i32
        %mul3A_364 = arith.muli %add3A_233, %mul3A_363 : i32
        %add3A_365 = arith.addi %mul3A_364, %add3A_231 : i32
        %mul3A_366 = arith.constant 512 : i32
        %mul3A_367 = arith.muli %add3A_251, %mul3A_366 : i32
        %add3A_368 = arith.addi %mul3A_367, %add3A_249 : i32
        %ne3A_369 = arith.cmpi ne, %add3A_365, %add3A_368 : i32
        %or3A_370 = arith.constant false
        %or3A_371 = arith.ori %or3A_370, %ne3A_369 : i1
        %or3A_372 = arith.constant false
        %or3A_373 = arith.ori %or3A_371, %or3A_372 : i1
        %or3A_374 = arith.ori %or3A_373, %eq3A_228 : i1
        %convert_element_type3A_375 = arith.extui %or3A_374 : i1 to i32
        %cond3A_376 = arith.constant 0 : i32
        %cond3A_377 = arith.cmpi ne, %convert_element_type3A_375, %cond3A_376 : i32
        scf.if %cond3A_377 {
        } else {
        }
        %rem3A_378 = arith.constant 2 : i32
        %rem3A_379 = arith.remui %scan3A_220, %rem3A_378 : i32
        %rem3A_380 = arith.constant 2 : i32
        %rem3A_381 = arith.remui %scan3A_222, %rem3A_380 : i32
        %rem3A_382 = arith.constant 2 : i32
        %rem3A_383 = arith.remui %scan3A_223, %rem3A_382 : i32
        "tpu.trace_start"() <{level = 10 : i32, message = "ep_run_kernel"}> : () -> ()
        %scan3A_384 = arith.constant 0 : i32
        %scan3A_385 = arith.constant 16 : i32
        %scan3A_386 = arith.addi %scan3A_384, %scan3A_385 : i32
        %scan3A_387 = arith.constant 1 : i32
        scf.for %scan3A_530 = %scan3A_384 to %scan3A_386 step %scan3A_387  : i32 {
          %mul3A_531 = arith.constant 1 : i32
          %mul3A_532 = arith.muli %scan3A_530, %mul3A_531 : i32
          %add3A_533 = arith.constant 0 : i32
          %add3A_534 = arith.addi %add3A_533, %mul3A_532 : i32
          %get3A = arith.constant 0 : i32
          %get3A_535 = arith.constant 0 : i32
          %get3A_536 = tpu.memref_slice %run_scoped3A[%rem3A_379, %get3A, %get3A_535] : memref<2x16x768xf32, #tpu.memory_space<vmem>> -> memref<1x16x768xf32, #tpu.memory_space<vmem>>
          %get3A_537 = tpu.memref_squeeze %get3A_536 : memref<1x16x768xf32, #tpu.memory_space<vmem>> -> memref<16x768xf32, #tpu.memory_space<vmem>>
          %get3A_538 = arith.index_cast %add3A_534 : i32 to index
          %get3A_539 = arith.constant 0 : index
          %get3A_540 = tpu.vector_load %get3A_537[%get3A_538, %get3A_539] {strides = array<i32>} : memref<16x768xf32, #tpu.memory_space<vmem>>, vector<1x16xf32>,
          %get3A_541 = vector.shape_cast %get3A_540 : vector<1x16xf32> to vector<1x16xf32>
          %get3A_542 = arith.constant 0 : i32
          %get3A_543 = arith.constant 0 : i32
          %get3A_544 = tpu.memref_slice %run_scoped3A_8[%rem3A_381, %get3A_542, %get3A_543] : memref<2x16x768xf32, #tpu.memory_space<vmem>> -> memref<1x16x768xf32, #tpu.memory_space<vmem>>
          %get3A_545 = tpu.memref_squeeze %get3A_544 : memref<1x16x768xf32, #tpu.memory_space<vmem>> -> memref<16x768xf32, #tpu.memory_space<vmem>>
          %get3A_546 = arith.index_cast %add3A_534 : i32 to index
          %get3A_547 = arith.constant 0 : index
          %get3A_548 = tpu.vector_load %get3A_545[%get3A_546, %get3A_547] {strides = array<i32>} : memref<16x768xf32, #tpu.memory_space<vmem>>, vector<1x16xf32>,
          %get3A_549 = vector.shape_cast %get3A_548 : vector<1x16xf32> to vector<1x16xf32>
          %add3A_550 = arith.addf %get3A_541, %get3A_549 : vector<1x16xf32>
          %swap3A = arith.constant 0 : i32
          %swap3A_551 = arith.constant 0 : i32
          %swap3A_552 = tpu.memref_slice %run_scoped3A_10[%rem3A_383, %swap3A, %swap3A_551] : memref<2x16x768xf32, #tpu.memory_space<vmem>> -> memref<1x16x768xf32, #tpu.memory_space<vmem>>
          %swap3A_553 = tpu.memref_squeeze %swap3A_552 : memref<1x16x768xf32, #tpu.memory_space<vmem>> -> memref<16x768xf32, #tpu.memory_space<vmem>>
          %swap3A_554 = arith.index_cast %add3A_534 : i32 to index
          %swap3A_555 = arith.constant 0 : index
          %swap3A_556 = tpu.vector_load %swap3A_553[%swap3A_554, %swap3A_555] {strides = array<i32>} : memref<16x768xf32, #tpu.memory_space<vmem>>, vector<1x16xf32>,
          %swap3A_557 = vector.shape_cast %swap3A_556 : vector<1x16xf32> to vector<1x16xf32>
          %swap3A_558 = vector.shape_cast %add3A_550 : vector<1x16xf32> to vector<1x16xf32>
          tpu.vector_store %swap3A_553[%swap3A_554, %swap3A_555], %swap3A_558 {strides = array<i32>} : memref<16x768xf32, #tpu.memory_space<vmem>>, vector<1x16xf32>,
          %get3A_559 = arith.constant 0 : i32
          %get3A_560 = arith.constant 0 : i32
          %get3A_561 = tpu.memref_slice %run_scoped3A[%rem3A_379, %get3A_559, %get3A_560] : memref<2x16x768xf32, #tpu.memory_space<vmem>> -> memref<1x16x768xf32, #tpu.memory_space<vmem>>
          %get3A_562 = tpu.memref_squeeze %get3A_561 : memref<1x16x768xf32, #tpu.memory_space<vmem>> -> memref<16x768xf32, #tpu.memory_space<vmem>>
          %get3A_563 = arith.index_cast %add3A_534 : i32 to index
          %get3A_564 = arith.constant 16 : index
          %get3A_565 = tpu.vector_load %get3A_562[%get3A_563, %get3A_564] {strides = array<i32>} : memref<16x768xf32, #tpu.memory_space<vmem>>, vector<1x16xf32>,
          %get3A_566 = vector.shape_cast %get3A_565 : vector<1x16xf32> to vector<1x16xf32>
          %get3A_567 = arith.constant 0 : i32
          %get3A_568 = arith.constant 0 : i32
          %get3A_569 = tpu.memref_slice %run_scoped3A_8[%rem3A_381, %get3A_567, %get3A_568] : memref<2x16x768xf32, #tpu.memory_space<vmem>> -> memref<1x16x768xf32, #tpu.memory_space<vmem>>
          %get3A_570 = tpu.memref_squeeze %get3A_569 : memref<1x16x768xf32, #tpu.memory_space<vmem>> -> memref<16x768xf32, #tpu.memory_space<vmem>>
          %get3A_571 = arith.index_cast %add3A_534 : i32 to index
          %get3A_572 = arith.constant 16 : index
          %get3A_573 = tpu.vector_load %get3A_570[%get3A_571, %get3A_572] {strides = array<i32>} : memref<16x768xf32, #tpu.memory_space<vmem>>, vector<1x16xf32>,
          %get3A_574 = vector.shape_cast %get3A_573 : vector<1x16xf32> to vector<1x16xf32>
          %add3A_575 = arith.addf %get3A_566, %get3A_574 : vector<1x16xf32>
          %swap3A_576 = arith.constant 0 : i32
          %swap3A_577 = arith.constant 0 : i32
          %swap3A_578 = tpu.memref_slice %run_scoped3A_10[%rem3A_383, %swap3A_576, %swap3A_577] : memref<2x16x768xf32, #tpu.memory_space<vmem>> -> memref<1x16x768xf32, #tpu.memory_space<vmem>>
          %swap3A_579 = tpu.memref_squeeze %swap3A_578 : memref<1x16x768xf32, #tpu.memory_space<vmem>> -> memref<16x768xf32, #tpu.memory_space<vmem>>
          %swap3A_580 = arith.index_cast %add3A_534 : i32 to index
          %swap3A_581 = arith.constant 16 : index
          %swap3A_582 = tpu.vector_load %swap3A_579[%swap3A_580, %swap3A_581] {strides = array<i32>} : memref<16x768xf32, #tpu.memory_space<vmem>>, vector<1x16xf32>,
          %swap3A_583 = vector.shape_cast %swap3A_582 : vector<1x16xf32> to vector<1x16xf32>
          %swap3A_584 = vector.shape_cast %add3A_575 : vector<1x16xf32> to vector<1x16xf32>
          tpu.vector_store %swap3A_579[%swap3A_580, %swap3A_581], %swap3A_584 {strides = array<i32>} : memref<16x768xf32, #tpu.memory_space<vmem>>, vector<1x16xf32>,
          %get3A_585 = arith.constant 0 : i32
          %get3A_586 = arith.constant 0 : i32
          %get3A_587 = tpu.memref_slice %run_scoped3A[%rem3A_379, %get3A_585, %get3A_586] : memref<2x16x768xf32, #tpu.memory_space<vmem>> -> memref<1x16x768xf32, #tpu.memory_space<vmem>>
          %get3A_588 = tpu.memref_squeeze %get3A_587 : memref<1x16x768xf32, #tpu.memory_space<vmem>> -> memref<16x768xf32, #tpu.memory_space<vmem>>
          %get3A_589 = arith.index_cast %add3A_534 : i32 to index
          %get3A_590 = arith.constant 32 : index
          %get3A_591 = tpu.vector_load %get3A_588[%get3A_589, %get3A_590] {strides = array<i32>} : memref<16x768xf32, #tpu.memory_space<vmem>>, vector<1x16xf32>,
          %get3A_592 = vector.shape_cast %get3A_591 : vector<1x16xf32> to vector<1x16xf32>
          %get3A_593 = arith.constant 0 : i32
          %get3A_594 = arith.constant 0 : i32
          %get3A_595 = tpu.memref_slice %run_scoped3A_8[%rem3A_381, %get3A_593, %get3A_594] : memref<2x16x768xf32, #tpu.memory_space<vmem>> -> memref<1x16x768xf32, #tpu.memory_space<vmem>>
          %get3A_596 = tpu.memref_squeeze %get3A_595 : memref<1x16x768xf32, #tpu.memory_space<vmem>> -> memref<16x768xf32, #tpu.memory_space<vmem>>
          %get3A_597 = arith.index_cast %add3A_534 : i32 to index
          %get3A_598 = arith.constant 32 : index
          %get3A_599 = tpu.vector_load %get3A_596[%get3A_597, %get3A_598] {strides = array<i32>} : memref<16x768xf32, #tpu.memory_space<vmem>>, vector<1x16xf32>,
          %get3A_600 = vector.shape_cast %get3A_599 : vector<1x16xf32> to vector<1x16xf32>
          %add3A_601 = arith.addf %get3A_592, %get3A_600 : vector<1x16xf32>
          %swap3A_602 = arith.constant 0 : i32
          %swap3A_603 = arith.constant 0 : i32
          %swap3A_604 = tpu.memref_slice %run_scoped3A_10[%rem3A_383, %swap3A_602, %swap3A_603] : memref<2x16x768xf32, #tpu.memory_space<vmem>> -> memref<1x16x768xf32, #tpu.memory_space<vmem>>
          %swap3A_605 = tpu.memref_squeeze %swap3A_604 : memref<1x16x768xf32, #tpu.memory_space<vmem>> -> memref<16x768xf32, #tpu.memory_space<vmem>>
          %swap3A_606 = arith.index_cast %add3A_534 : i32 to index
          %swap3A_607 = arith.constant 32 : index
          %swap3A_608 = tpu.vector_load %swap3A_605[%swap3A_606, %swap3A_607] {strides = array<i32>} : memref<16x768xf32, #tpu.memory_space<vmem>>, vector<1x16xf32>,
          %swap3A_609 = vector.shape_cast %swap3A_608 : vector<1x16xf32> to vector<1x16xf32>
          %swap3A_610 = vector.shape_cast %add3A_601 : vector<1x16xf32> to vector<1x16xf32>
          tpu.vector_store %swap3A_605[%swap3A_606, %swap3A_607], %swap3A_610 {strides = array<i32>} : memref<16x768xf32, #tpu.memory_space<vmem>>, vector<1x16xf32>,
          %get3A_611 = arith.constant 0 : i32
          %get3A_612 = arith.constant 0 : i32
          %get3A_613 = tpu.memref_slice %run_scoped3A[%rem3A_379, %get3A_611, %get3A_612] : memref<2x16x768xf32, #tpu.memory_space<vmem>> -> memref<1x16x768xf32, #tpu.memory_space<vmem>>
          %get3A_614 = tpu.memref_squeeze %get3A_613 : memref<1x16x768xf32, #tpu.memory_space<vmem>> -> memref<16x768xf32, #tpu.memory_space<vmem>>
          %get3A_615 = arith.index_cast %add3A_534 : i32 to index
          %get3A_616 = arith.constant 48 : index
          %get3A_617 = tpu.vector_load %get3A_614[%get3A_615, %get3A_616] {strides = array<i32>} : memref<16x768xf32, #tpu.memory_space<vmem>>, vector<1x16xf32>,
          %get3A_618 = vector.shape_cast %get3A_617 : vector<1x16xf32> to vector<1x16xf32>
          %get3A_619 = arith.constant 0 : i32
          %get3A_620 = arith.constant 0 : i32
          %get3A_621 = tpu.memref_slice %run_scoped3A_8[%rem3A_381, %get3A_619, %get3A_620] : memref<2x16x768xf32, #tpu.memory_space<vmem>> -> memref<1x16x768xf32, #tpu.memory_space<vmem>>
          %get3A_622 = tpu.memref_squeeze %get3A_621 : memref<1x16x768xf32, #tpu.memory_space<vmem>> -> memref<16x768xf32, #tpu.memory_space<vmem>>
          %get3A_623 = arith.index_cast %add3A_534 : i32 to index
          %get3A_624 = arith.constant 48 : index
          %get3A_625 = tpu.vector_load %get3A_622[%get3A_623, %get3A_624] {strides = array<i32>} : memref<16x768xf32, #tpu.memory_space<vmem>>, vector<1x16xf32>,
          %get3A_626 = vector.shape_cast %get3A_625 : vector<1x16xf32> to vector<1x16xf32>
          %add3A_627 = arith.addf %get3A_618, %get3A_626 : vector<1x16xf32>
          %swap3A_628 = arith.constant 0 : i32
          %swap3A_629 = arith.constant 0 : i32
          %swap3A_630 = tpu.memref_slice %run_scoped3A_10[%rem3A_383, %swap3A_628, %swap3A_629] : memref<2x16x768xf32, #tpu.memory_space<vmem>> -> memref<1x16x768xf32, #tpu.memory_space<vmem>>
          %swap3A_631 = tpu.memref_squeeze %swap3A_630 : memref<1x16x768xf32, #tpu.memory_space<vmem>> -> memref<16x768xf32, #tpu.memory_space<vmem>>
          %swap3A_632 = arith.index_cast %add3A_534 : i32 to index
          %swap3A_633 = arith.constant 48 : index
          %swap3A_634 = tpu.vector_load %swap3A_631[%swap3A_632, %swap3A_633] {strides = array<i32>} : memref<16x768xf32, #tpu.memory_space<vmem>>, vector<1x16xf32>,
          %swap3A_635 = vector.shape_cast %swap3A_634 : vector<1x16xf32> to vector<1x16xf32>
          %swap3A_636 = vector.shape_cast %add3A_627 : vector<1x16xf32> to vector<1x16xf32>
          tpu.vector_store %swap3A_631[%swap3A_632, %swap3A_633], %swap3A_636 {strides = array<i32>} : memref<16x768xf32, #tpu.memory_space<vmem>>, vector<1x16xf32>,
          %get3A_637 = arith.constant 0 : i32
          %get3A_638 = arith.constant 0 : i32
          %get3A_639 = tpu.memref_slice %run_scoped3A[%rem3A_379, %get3A_637, %get3A_638] : memref<2x16x768xf32, #tpu.memory_space<vmem>> -> memref<1x16x768xf32, #tpu.memory_space<vmem>>
          %get3A_640 = tpu.memref_squeeze %get3A_639 : memref<1x16x768xf32, #tpu.memory_space<vmem>> -> memref<16x768xf32, #tpu.memory_space<vmem>>
          %get3A_641 = arith.index_cast %add3A_534 : i32 to index
          %get3A_642 = arith.constant 64 : index
          %get3A_643 = tpu.vector_load %get3A_640[%get3A_641, %get3A_642] {strides = array<i32>} : memref<16x768xf32, #tpu.memory_space<vmem>>, vector<1x16xf32>,
          %get3A_644 = vector.shape_cast %get3A_643 : vector<1x16xf32> to vector<1x16xf32>
          %get3A_645 = arith.constant 0 : i32
          %get3A_646 = arith.constant 0 : i32
          %get3A_647 = tpu.memref_slice %run_scoped3A_8[%rem3A_381, %get3A_645, %get3A_646] : memref<2x16x768xf32, #tpu.memory_space<vmem>> -> memref<1x16x768xf32, #tpu.memory_space<vmem>>
          %get3A_648 = tpu.memref_squeeze %get3A_647 : memref<1x16x768xf32, #tpu.memory_space<vmem>> -> memref<16x768xf32, #tpu.memory_space<vmem>>
          %get3A_649 = arith.index_cast %add3A_534 : i32 to index
          %get3A_650 = arith.constant 64 : index
          %get3A_651 = tpu.vector_load %get3A_648[%get3A_649, %get3A_650] {strides = array<i32>} : memref<16x768xf32, #tpu.memory_space<vmem>>, vector<1x16xf32>,
          %get3A_652 = vector.shape_cast %get3A_651 : vector<1x16xf32> to vector<1x16xf32>
          %add3A_653 = arith.addf %get3A_644, %get3A_652 : vector<1x16xf32>
          %swap3A_654 = arith.constant 0 : i32
          %swap3A_655 = arith.constant 0 : i32
          %swap3A_656 = tpu.memref_slice %run_scoped3A_10[%rem3A_383, %swap3A_654, %swap3A_655] : memref<2x16x768xf32, #tpu.memory_space<vmem>> -> memref<1x16x768xf32, #tpu.memory_space<vmem>>
          %swap3A_657 = tpu.memref_squeeze %swap3A_656 : memref<1x16x768xf32, #tpu.memory_space<vmem>> -> memref<16x768xf32, #tpu.memory_space<vmem>>
          %swap3A_658 = arith.index_cast %add3A_534 : i32 to index
          %swap3A_659 = arith.constant 64 : index
          %swap3A_660 = tpu.vector_load %swap3A_657[%swap3A_658, %swap3A_659] {strides = array<i32>} : memref<16x768xf32, #tpu.memory_space<vmem>>, vector<1x16xf32>,
          %swap3A_661 = vector.shape_cast %swap3A_660 : vector<1x16xf32> to vector<1x16xf32>
          %swap3A_662 = vector.shape_cast %add3A_653 : vector<1x16xf32> to vector<1x16xf32>
          tpu.vector_store %swap3A_657[%swap3A_658, %swap3A_659], %swap3A_662 {strides = array<i32>} : memref<16x768xf32, #tpu.memory_space<vmem>>, vector<1x16xf32>,
          %get3A_663 = arith.constant 0 : i32
          %get3A_664 = arith.constant 0 : i32
          %get3A_665 = tpu.memref_slice %run_scoped3A[%rem3A_379, %get3A_663, %get3A_664] : memref<2x16x768xf32, #tpu.memory_space<vmem>> -> memref<1x16x768xf32, #tpu.memory_space<vmem>>
          %get3A_666 = tpu.memref_squeeze %get3A_665 : memref<1x16x768xf32, #tpu.memory_space<vmem>> -> memref<16x768xf32, #tpu.memory_space<vmem>>
          %get3A_667 = arith.index_cast %add3A_534 : i32 to index
          %get3A_668 = arith.constant 80 : index
          %get3A_669 = tpu.vector_load %get3A_666[%get3A_667, %get3A_668] {strides = array<i32>} : memref<16x768xf32, #tpu.memory_space<vmem>>, vector<1x16xf32>,
          %get3A_670 = vector.shape_cast %get3A_669 : vector<1x16xf32> to vector<1x16xf32>
          %get3A_671 = arith.constant 0 : i32
          %get3A_672 = arith.constant 0 : i32
          %get3A_673 = tpu.memref_slice %run_scoped3A_8[%rem3A_381, %get3A_671, %get3A_672] : memref<2x16x768xf32, #tpu.memory_space<vmem>> -> memref<1x16x768xf32, #tpu.memory_space<vmem>>
          %get3A_674 = tpu.memref_squeeze %get3A_673 : memref<1x16x768xf32, #tpu.memory_space<vmem>> -> memref<16x768xf32, #tpu.memory_space<vmem>>
          %get3A_675 = arith.index_cast %add3A_534 : i32 to index
          %get3A_676 = arith.constant 80 : index
          %get3A_677 = tpu.vector_load %get3A_674[%get3A_675, %get3A_676] {strides = array<i32>} : memref<16x768xf32, #tpu.memory_space<vmem>>, vector<1x16xf32>,
          %get3A_678 = vector.shape_cast %get3A_677 : vector<1x16xf32> to vector<1x16xf32>
          %add3A_679 = arith.addf %get3A_670, %get3A_678 : vector<1x16xf32>
          %swap3A_680 = arith.constant 0 : i32
          %swap3A_681 = arith.constant 0 : i32
          %swap3A_682 = tpu.memref_slice %run_scoped3A_10[%rem3A_383, %swap3A_680, %swap3A_681] : memref<2x16x768xf32, #tpu.memory_space<vmem>> -> memref<1x16x768xf32, #tpu.memory_space<vmem>>
          %swap3A_683 = tpu.memref_squeeze %swap3A_682 : memref<1x16x768xf32, #tpu.memory_space<vmem>> -> memref<16x768xf32, #tpu.memory_space<vmem>>
          %swap3A_684 = arith.index_cast %add3A_534 : i32 to index
          %swap3A_685 = arith.constant 80 : index
          %swap3A_686 = tpu.vector_load %swap3A_683[%swap3A_684, %swap3A_685] {strides = array<i32>} : memref<16x768xf32, #tpu.memory_space<vmem>>, vector<1x16xf32>,
          %swap3A_687 = vector.shape_cast %swap3A_686 : vector<1x16xf32> to vector<1x16xf32>
          %swap3A_688 = vector.shape_cast %add3A_679 : vector<1x16xf32> to vector<1x16xf32>
          tpu.vector_store %swap3A_683[%swap3A_684, %swap3A_685], %swap3A_688 {strides = array<i32>} : memref<16x768xf32, #tpu.memory_space<vmem>>, vector<1x16xf32>,
          %get3A_689 = arith.constant 0 : i32
          %get3A_690 = arith.constant 0 : i32
          %get3A_691 = tpu.memref_slice %run_scoped3A[%rem3A_379, %get3A_689, %get3A_690] : memref<2x16x768xf32, #tpu.memory_space<vmem>> -> memref<1x16x768xf32, #tpu.memory_space<vmem>>
          %get3A_692 = tpu.memref_squeeze %get3A_691 : memref<1x16x768xf32, #tpu.memory_space<vmem>> -> memref<16x768xf32, #tpu.memory_space<vmem>>
          %get3A_693 = arith.index_cast %add3A_534 : i32 to index
          %get3A_694 = arith.constant 96 : index
          %get3A_695 = tpu.vector_load %get3A_692[%get3A_693, %get3A_694] {strides = array<i32>} : memref<16x768xf32, #tpu.memory_space<vmem>>, vector<1x16xf32>,
          %get3A_696 = vector.shape_cast %get3A_695 : vector<1x16xf32> to vector<1x16xf32>
          %get3A_697 = arith.constant 0 : i32
          %get3A_698 = arith.constant 0 : i32
          %get3A_699 = tpu.memref_slice %run_scoped3A_8[%rem3A_381, %get3A_697, %get3A_698] : memref<2x16x768xf32, #tpu.memory_space<vmem>> -> memref<1x16x768xf32, #tpu.memory_space<vmem>>
          %get3A_700 = tpu.memref_squeeze %get3A_699 : memref<1x16x768xf32, #tpu.memory_space<vmem>> -> memref<16x768xf32, #tpu.memory_space<vmem>>
          %get3A_701 = arith.index_cast %add3A_534 : i32 to index
          %get3A_702 = arith.constant 96 : index
          %get3A_703 = tpu.vector_load %get3A_700[%get3A_701, %get3A_702] {strides = array<i32>} : memref<16x768xf32, #tpu.memory_space<vmem>>, vector<1x16xf32>,
          %get3A_704 = vector.shape_cast %get3A_703 : vector<1x16xf32> to vector<1x16xf32>
          %add3A_705 = arith.addf %get3A_696, %get3A_704 : vector<1x16xf32>
          %swap3A_706 = arith.constant 0 : i32
          %swap3A_707 = arith.constant 0 : i32
          %swap3A_708 = tpu.memref_slice %run_scoped3A_10[%rem3A_383, %swap3A_706, %swap3A_707] : memref<2x16x768xf32, #tpu.memory_space<vmem>> -> memref<1x16x768xf32, #tpu.memory_space<vmem>>
          %swap3A_709 = tpu.memref_squeeze %swap3A_708 : memref<1x16x768xf32, #tpu.memory_space<vmem>> -> memref<16x768xf32, #tpu.memory_space<vmem>>
          %swap3A_710 = arith.index_cast %add3A_534 : i32 to index
          %swap3A_711 = arith.constant 96 : index
          %swap3A_712 = tpu.vector_load %swap3A_709[%swap3A_710, %swap3A_711] {strides = array<i32>} : memref<16x768xf32, #tpu.memory_space<vmem>>, vector<1x16xf32>,
          %swap3A_713 = vector.shape_cast %swap3A_712 : vector<1x16xf32> to vector<1x16xf32>
          %swap3A_714 = vector.shape_cast %add3A_705 : vector<1x16xf32> to vector<1x16xf32>
          tpu.vector_store %swap3A_709[%swap3A_710, %swap3A_711], %swap3A_714 {strides = array<i32>} : memref<16x768xf32, #tpu.memory_space<vmem>>, vector<1x16xf32>,
          %get3A_715 = arith.constant 0 : i32
          %get3A_716 = arith.constant 0 : i32
          %get3A_717 = tpu.memref_slice %run_scoped3A[%rem3A_379, %get3A_715, %get3A_716] : memref<2x16x768xf32, #tpu.memory_space<vmem>> -> memref<1x16x768xf32, #tpu.memory_space<vmem>>
          %get3A_718 = tpu.memref_squeeze %get3A_717 : memref<1x16x768xf32, #tpu.memory_space<vmem>> -> memref<16x768xf32, #tpu.memory_space<vmem>>
          %get3A_719 = arith.index_cast %add3A_534 : i32 to index
          %get3A_720 = arith.constant 112 : index
          %get3A_721 = tpu.vector_load %get3A_718[%get3A_719, %get3A_720] {strides = array<i32>} : memref<16x768xf32, #tpu.memory_space<vmem>>, vector<1x16xf32>,
          %get3A_722 = vector.shape_cast %get3A_721 : vector<1x16xf32> to vector<1x16xf32>
          %get3A_723 = arith.constant 0 : i32
          %get3A_724 = arith.constant 0 : i32
          %get3A_725 = tpu.memref_slice %run_scoped3A_8[%rem3A_381, %get3A_723, %get3A_724] : memref<2x16x768xf32, #tpu.memory_space<vmem>> -> memref<1x16x768xf32, #tpu.memory_space<vmem>>
          %get3A_726 = tpu.memref_squeeze %get3A_725 : memref<1x16x768xf32, #tpu.memory_space<vmem>> -> memref<16x768xf32, #tpu.memory_space<vmem>>
          %get3A_727 = arith.index_cast %add3A_534 : i32 to index
          %get3A_728 = arith.constant 112 : index
          %get3A_729 = tpu.vector_load %get3A_726[%get3A_727, %get3A_728] {strides = array<i32>} : memref<16x768xf32, #tpu.memory_space<vmem>>, vector<1x16xf32>,
          %get3A_730 = vector.shape_cast %get3A_729 : vector<1x16xf32> to vector<1x16xf32>
          %add3A_731 = arith.addf %get3A_722, %get3A_730 : vector<1x16xf32>
          %swap3A_732 = arith.constant 0 : i32
          %swap3A_733 = arith.constant 0 : i32
          %swap3A_734 = tpu.memref_slice %run_scoped3A_10[%rem3A_383, %swap3A_732, %swap3A_733] : memref<2x16x768xf32, #tpu.memory_space<vmem>> -> memref<1x16x768xf32, #tpu.memory_space<vmem>>
          %swap3A_735 = tpu.memref_squeeze %swap3A_734 : memref<1x16x768xf32, #tpu.memory_space<vmem>> -> memref<16x768xf32, #tpu.memory_space<vmem>>
          %swap3A_736 = arith.index_cast %add3A_534 : i32 to index
          %swap3A_737 = arith.constant 112 : index
          %swap3A_738 = tpu.vector_load %swap3A_735[%swap3A_736, %swap3A_737] {strides = array<i32>} : memref<16x768xf32, #tpu.memory_space<vmem>>, vector<1x16xf32>,
          %swap3A_739 = vector.shape_cast %swap3A_738 : vector<1x16xf32> to vector<1x16xf32>
          %swap3A_740 = vector.shape_cast %add3A_731 : vector<1x16xf32> to vector<1x16xf32>
          tpu.vector_store %swap3A_735[%swap3A_736, %swap3A_737], %swap3A_740 {strides = array<i32>} : memref<16x768xf32, #tpu.memory_space<vmem>>, vector<1x16xf32>,
          %get3A_741 = arith.constant 0 : i32
          %get3A_742 = arith.constant 0 : i32
          %get3A_743 = tpu.memref_slice %run_scoped3A[%rem3A_379, %get3A_741, %get3A_742] : memref<2x16x768xf32, #tpu.memory_space<vmem>> -> memref<1x16x768xf32, #tpu.memory_space<vmem>>
          %get3A_744 = tpu.memref_squeeze %get3A_743 : memref<1x16x768xf32, #tpu.memory_space<vmem>> -> memref<16x768xf32, #tpu.memory_space<vmem>>
          %get3A_745 = arith.index_cast %add3A_534 : i32 to index
          %get3A_746 = arith.constant 128 : index
          %get3A_747 = tpu.vector_load %get3A_744[%get3A_745, %get3A_746] {strides = array<i32>} : memref<16x768xf32, #tpu.memory_space<vmem>>, vector<1x16xf32>,
          %get3A_748 = vector.shape_cast %get3A_747 : vector<1x16xf32> to vector<1x16xf32>
          %get3A_749 = arith.constant 0 : i32
          %get3A_750 = arith.constant 0 : i32
          %get3A_751 = tpu.memref_slice %run_scoped3A_8[%rem3A_381, %get3A_749, %get3A_750] : memref<2x16x768xf32, #tpu.memory_space<vmem>> -> memref<1x16x768xf32, #tpu.memory_space<vmem>>
          %get3A_752 = tpu.memref_squeeze %get3A_751 : memref<1x16x768xf32, #tpu.memory_space<vmem>> -> memref<16x768xf32, #tpu.memory_space<vmem>>
          %get3A_753 = arith.index_cast %add3A_534 : i32 to index
          %get3A_754 = arith.constant 128 : index
          %get3A_755 = tpu.vector_load %get3A_752[%get3A_753, %get3A_754] {strides = array<i32>} : memref<16x768xf32, #tpu.memory_space<vmem>>, vector<1x16xf32>,
          %get3A_756 = vector.shape_cast %get3A_755 : vector<1x16xf32> to vector<1x16xf32>
          %add3A_757 = arith.addf %get3A_748, %get3A_756 : vector<1x16xf32>
          %swap3A_758 = arith.constant 0 : i32
          %swap3A_759 = arith.constant 0 : i32
          %swap3A_760 = tpu.memref_slice %run_scoped3A_10[%rem3A_383, %swap3A_758, %swap3A_759] : memref<2x16x768xf32, #tpu.memory_space<vmem>> -> memref<1x16x768xf32, #tpu.memory_space<vmem>>
          %swap3A_761 = tpu.memref_squeeze %swap3A_760 : memref<1x16x768xf32, #tpu.memory_space<vmem>> -> memref<16x768xf32, #tpu.memory_space<vmem>>
          %swap3A_762 = arith.index_cast %add3A_534 : i32 to index
          %swap3A_763 = arith.constant 128 : index
          %swap3A_764 = tpu.vector_load %swap3A_761[%swap3A_762, %swap3A_763] {strides = array<i32>} : memref<16x768xf32, #tpu.memory_space<vmem>>, vector<1x16xf32>,
          %swap3A_765 = vector.shape_cast %swap3A_764 : vector<1x16xf32> to vector<1x16xf32>
          %swap3A_766 = vector.shape_cast %add3A_757 : vector<1x16xf32> to vector<1x16xf32>
          tpu.vector_store %swap3A_761[%swap3A_762, %swap3A_763], %swap3A_766 {strides = array<i32>} : memref<16x768xf32, #tpu.memory_space<vmem>>, vector<1x16xf32>,
          %get3A_767 = arith.constant 0 : i32
          %get3A_768 = arith.constant 0 : i32
          %get3A_769 = tpu.memref_slice %run_scoped3A[%rem3A_379, %get3A_767, %get3A_768] : memref<2x16x768xf32, #tpu.memory_space<vmem>> -> memref<1x16x768xf32, #tpu.memory_space<vmem>>
          %get3A_770 = tpu.memref_squeeze %get3A_769 : memref<1x16x768xf32, #tpu.memory_space<vmem>> -> memref<16x768xf32, #tpu.memory_space<vmem>>
          %get3A_771 = arith.index_cast %add3A_534 : i32 to index
          %get3A_772 = arith.constant 144 : index
          %get3A_773 = tpu.vector_load %get3A_770[%get3A_771, %get3A_772] {strides = array<i32>} : memref<16x768xf32, #tpu.memory_space<vmem>>, vector<1x16xf32>,
          %get3A_774 = vector.shape_cast %get3A_773 : vector<1x16xf32> to vector<1x16xf32>
          %get3A_775 = arith.constant 0 : i32
          %get3A_776 = arith.constant 0 : i32
          %get3A_777 = tpu.memref_slice %run_scoped3A_8[%rem3A_381, %get3A_775, %get3A_776] : memref<2x16x768xf32, #tpu.memory_space<vmem>> -> memref<1x16x768xf32, #tpu.memory_space<vmem>>
          %get3A_778 = tpu.memref_squeeze %get3A_777 : memref<1x16x768xf32, #tpu.memory_space<vmem>> -> memref<16x768xf32, #tpu.memory_space<vmem>>
          %get3A_779 = arith.index_cast %add3A_534 : i32 to index
          %get3A_780 = arith.constant 144 : index
          %get3A_781 = tpu.vector_load %get3A_778[%get3A_779, %get3A_780] {strides = array<i32>} : memref<16x768xf32, #tpu.memory_space<vmem>>, vector<1x16xf32>,
          %get3A_782 = vector.shape_cast %get3A_781 : vector<1x16xf32> to vector<1x16xf32>
          %add3A_783 = arith.addf %get3A_774, %get3A_782 : vector<1x16xf32>
          %swap3A_784 = arith.constant 0 : i32
          %swap3A_785 = arith.constant 0 : i32
          %swap3A_786 = tpu.memref_slice %run_scoped3A_10[%rem3A_383, %swap3A_784, %swap3A_785] : memref<2x16x768xf32, #tpu.memory_space<vmem>> -> memref<1x16x768xf32, #tpu.memory_space<vmem>>
          %swap3A_787 = tpu.memref_squeeze %swap3A_786 : memref<1x16x768xf32, #tpu.memory_space<vmem>> -> memref<16x768xf32, #tpu.memory_space<vmem>>
          %swap3A_788 = arith.index_cast %add3A_534 : i32 to index
          %swap3A_789 = arith.constant 144 : index
          %swap3A_790 = tpu.vector_load %swap3A_787[%swap3A_788, %swap3A_789] {strides = array<i32>} : memref<16x768xf32, #tpu.memory_space<vmem>>, vector<1x16xf32>,
          %swap3A_791 = vector.shape_cast %swap3A_790 : vector<1x16xf32> to vector<1x16xf32>
          %swap3A_792 = vector.shape_cast %add3A_783 : vector<1x16xf32> to vector<1x16xf32>
          tpu.vector_store %swap3A_787[%swap3A_788, %swap3A_789], %swap3A_792 {strides = array<i32>} : memref<16x768xf32, #tpu.memory_space<vmem>>, vector<1x16xf32>,
          %get3A_793 = arith.constant 0 : i32
          %get3A_794 = arith.constant 0 : i32
          %get3A_795 = tpu.memref_slice %run_scoped3A[%rem3A_379, %get3A_793, %get3A_794] : memref<2x16x768xf32, #tpu.memory_space<vmem>> -> memref<1x16x768xf32, #tpu.memory_space<vmem>>
          %get3A_796 = tpu.memref_squeeze %get3A_795 : memref<1x16x768xf32, #tpu.memory_space<vmem>> -> memref<16x768xf32, #tpu.memory_space<vmem>>
          %get3A_797 = arith.index_cast %add3A_534 : i32 to index
          %get3A_798 = arith.constant 160 : index
          %get3A_799 = tpu.vector_load %get3A_796[%get3A_797, %get3A_798] {strides = array<i32>} : memref<16x768xf32, #tpu.memory_space<vmem>>, vector<1x16xf32>,
          %get3A_800 = vector.shape_cast %get3A_799 : vector<1x16xf32> to vector<1x16xf32>
          %get3A_801 = arith.constant 0 : i32
          %get3A_802 = arith.constant 0 : i32
          %get3A_803 = tpu.memref_slice %run_scoped3A_8[%rem3A_381, %get3A_801, %get3A_802] : memref<2x16x768xf32, #tpu.memory_space<vmem>> -> memref<1x16x768xf32, #tpu.memory_space<vmem>>
          %get3A_804 = tpu.memref_squeeze %get3A_803 : memref<1x16x768xf32, #tpu.memory_space<vmem>> -> memref<16x768xf32, #tpu.memory_space<vmem>>
          %get3A_805 = arith.index_cast %add3A_534 : i32 to index
          %get3A_806 = arith.constant 160 : index
          %get3A_807 = tpu.vector_load %get3A_804[%get3A_805, %get3A_806] {strides = array<i32>} : memref<16x768xf32, #tpu.memory_space<vmem>>, vector<1x16xf32>,
          %get3A_808 = vector.shape_cast %get3A_807 : vector<1x16xf32> to vector<1x16xf32>
          %add3A_809 = arith.addf %get3A_800, %get3A_808 : vector<1x16xf32>
          %swap3A_810 = arith.constant 0 : i32
          %swap3A_811 = arith.constant 0 : i32
          %swap3A_812 = tpu.memref_slice %run_scoped3A_10[%rem3A_383, %swap3A_810, %swap3A_811] : memref<2x16x768xf32, #tpu.memory_space<vmem>> -> memref<1x16x768xf32, #tpu.memory_space<vmem>>
          %swap3A_813 = tpu.memref_squeeze %swap3A_812 : memref<1x16x768xf32, #tpu.memory_space<vmem>> -> memref<16x768xf32, #tpu.memory_space<vmem>>
          %swap3A_814 = arith.index_cast %add3A_534 : i32 to index
          %swap3A_815 = arith.constant 160 : index
          %swap3A_816 = tpu.vector_load %swap3A_813[%swap3A_814, %swap3A_815] {strides = array<i32>} : memref<16x768xf32, #tpu.memory_space<vmem>>, vector<1x16xf32>,
          %swap3A_817 = vector.shape_cast %swap3A_816 : vector<1x16xf32> to vector<1x16xf32>
          %swap3A_818 = vector.shape_cast %add3A_809 : vector<1x16xf32> to vector<1x16xf32>
          tpu.vector_store %swap3A_813[%swap3A_814, %swap3A_815], %swap3A_818 {strides = array<i32>} : memref<16x768xf32, #tpu.memory_space<vmem>>, vector<1x16xf32>,
          %get3A_819 = arith.constant 0 : i32
          %get3A_820 = arith.constant 0 : i32
          %get3A_821 = tpu.memref_slice %run_scoped3A[%rem3A_379, %get3A_819, %get3A_820] : memref<2x16x768xf32, #tpu.memory_space<vmem>> -> memref<1x16x768xf32, #tpu.memory_space<vmem>>
          %get3A_822 = tpu.memref_squeeze %get3A_821 : memref<1x16x768xf32, #tpu.memory_space<vmem>> -> memref<16x768xf32, #tpu.memory_space<vmem>>
          %get3A_823 = arith.index_cast %add3A_534 : i32 to index
          %get3A_824 = arith.constant 176 : index
          %get3A_825 = tpu.vector_load %get3A_822[%get3A_823, %get3A_824] {strides = array<i32>} : memref<16x768xf32, #tpu.memory_space<vmem>>, vector<1x16xf32>,
          %get3A_826 = vector.shape_cast %get3A_825 : vector<1x16xf32> to vector<1x16xf32>
          %get3A_827 = arith.constant 0 : i32
          %get3A_828 = arith.constant 0 : i32
          %get3A_829 = tpu.memref_slice %run_scoped3A_8[%rem3A_381, %get3A_827, %get3A_828] : memref<2x16x768xf32, #tpu.memory_space<vmem>> -> memref<1x16x768xf32, #tpu.memory_space<vmem>>
          %get3A_830 = tpu.memref_squeeze %get3A_829 : memref<1x16x768xf32, #tpu.memory_space<vmem>> -> memref<16x768xf32, #tpu.memory_space<vmem>>
          %get3A_831 = arith.index_cast %add3A_534 : i32 to index
          %get3A_832 = arith.constant 176 : index
          %get3A_833 = tpu.vector_load %get3A_830[%get3A_831, %get3A_832] {strides = array<i32>} : memref<16x768xf32, #tpu.memory_space<vmem>>, vector<1x16xf32>,
          %get3A_834 = vector.shape_cast %get3A_833 : vector<1x16xf32> to vector<1x16xf32>
          %add3A_835 = arith.addf %get3A_826, %get3A_834 : vector<1x16xf32>
          %swap3A_836 = arith.constant 0 : i32
          %swap3A_837 = arith.constant 0 : i32
          %swap3A_838 = tpu.memref_slice %run_scoped3A_10[%rem3A_383, %swap3A_836, %swap3A_837] : memref<2x16x768xf32, #tpu.memory_space<vmem>> -> memref<1x16x768xf32, #tpu.memory_space<vmem>>
          %swap3A_839 = tpu.memref_squeeze %swap3A_838 : memref<1x16x768xf32, #tpu.memory_space<vmem>> -> memref<16x768xf32, #tpu.memory_space<vmem>>
          %swap3A_840 = arith.index_cast %add3A_534 : i32 to index
          %swap3A_841 = arith.constant 176 : index
          %swap3A_842 = tpu.vector_load %swap3A_839[%swap3A_840, %swap3A_841] {strides = array<i32>} : memref<16x768xf32, #tpu.memory_space<vmem>>, vector<1x16xf32>,
          %swap3A_843 = vector.shape_cast %swap3A_842 : vector<1x16xf32> to vector<1x16xf32>
          %swap3A_844 = vector.shape_cast %add3A_835 : vector<1x16xf32> to vector<1x16xf32>
          tpu.vector_store %swap3A_839[%swap3A_840, %swap3A_841], %swap3A_844 {strides = array<i32>} : memref<16x768xf32, #tpu.memory_space<vmem>>, vector<1x16xf32>,
          %get3A_845 = arith.constant 0 : i32
          %get3A_846 = arith.constant 0 : i32
          %get3A_847 = tpu.memref_slice %run_scoped3A[%rem3A_379, %get3A_845, %get3A_846] : memref<2x16x768xf32, #tpu.memory_space<vmem>> -> memref<1x16x768xf32, #tpu.memory_space<vmem>>
          %get3A_848 = tpu.memref_squeeze %get3A_847 : memref<1x16x768xf32, #tpu.memory_space<vmem>> -> memref<16x768xf32, #tpu.memory_space<vmem>>
          %get3A_849 = arith.index_cast %add3A_534 : i32 to index
          %get3A_850 = arith.constant 192 : index
          %get3A_851 = tpu.vector_load %get3A_848[%get3A_849, %get3A_850] {strides = array<i32>} : memref<16x768xf32, #tpu.memory_space<vmem>>, vector<1x16xf32>,
          %get3A_852 = vector.shape_cast %get3A_851 : vector<1x16xf32> to vector<1x16xf32>
          %get3A_853 = arith.constant 0 : i32
          %get3A_854 = arith.constant 0 : i32
          %get3A_855 = tpu.memref_slice %run_scoped3A_8[%rem3A_381, %get3A_853, %get3A_854] : memref<2x16x768xf32, #tpu.memory_space<vmem>> -> memref<1x16x768xf32, #tpu.memory_space<vmem>>
          %get3A_856 = tpu.memref_squeeze %get3A_855 : memref<1x16x768xf32, #tpu.memory_space<vmem>> -> memref<16x768xf32, #tpu.memory_space<vmem>>
          %get3A_857 = arith.index_cast %add3A_534 : i32 to index
          %get3A_858 = arith.constant 192 : index
          %get3A_859 = tpu.vector_load %get3A_856[%get3A_857, %get3A_858] {strides = array<i32>} : memref<16x768xf32, #tpu.memory_space<vmem>>, vector<1x16xf32>,
          %get3A_860 = vector.shape_cast %get3A_859 : vector<1x16xf32> to vector<1x16xf32>
          %add3A_861 = arith.addf %get3A_852, %get3A_860 : vector<1x16xf32>
          %swap3A_862 = arith.constant 0 : i32
          %swap3A_863 = arith.constant 0 : i32
          %swap3A_864 = tpu.memref_slice %run_scoped3A_10[%rem3A_383, %swap3A_862, %swap3A_863] : memref<2x16x768xf32, #tpu.memory_space<vmem>> -> memref<1x16x768xf32, #tpu.memory_space<vmem>>
          %swap3A_865 = tpu.memref_squeeze %swap3A_864 : memref<1x16x768xf32, #tpu.memory_space<vmem>> -> memref<16x768xf32, #tpu.memory_space<vmem>>
          %swap3A_866 = arith.index_cast %add3A_534 : i32 to index
          %swap3A_867 = arith.constant 192 : index
          %swap3A_868 = tpu.vector_load %swap3A_865[%swap3A_866, %swap3A_867] {strides = array<i32>} : memref<16x768xf32, #tpu.memory_space<vmem>>, vector<1x16xf32>,
          %swap3A_869 = vector.shape_cast %swap3A_868 : vector<1x16xf32> to vector<1x16xf32>
          %swap3A_870 = vector.shape_cast %add3A_861 : vector<1x16xf32> to vector<1x16xf32>
          tpu.vector_store %swap3A_865[%swap3A_866, %swap3A_867], %swap3A_870 {strides = array<i32>} : memref<16x768xf32, #tpu.memory_space<vmem>>, vector<1x16xf32>,
          %get3A_871 = arith.constant 0 : i32
          %get3A_872 = arith.constant 0 : i32
          %get3A_873 = tpu.memref_slice %run_scoped3A[%rem3A_379, %get3A_871, %get3A_872] : memref<2x16x768xf32, #tpu.memory_space<vmem>> -> memref<1x16x768xf32, #tpu.memory_space<vmem>>
          %get3A_874 = tpu.memref_squeeze %get3A_873 : memref<1x16x768xf32, #tpu.memory_space<vmem>> -> memref<16x768xf32, #tpu.memory_space<vmem>>
          %get3A_875 = arith.index_cast %add3A_534 : i32 to index
          %get3A_876 = arith.constant 208 : index
          %get3A_877 = tpu.vector_load %get3A_874[%get3A_875, %get3A_876] {strides = array<i32>} : memref<16x768xf32, #tpu.memory_space<vmem>>, vector<1x16xf32>,
          %get3A_878 = vector.shape_cast %get3A_877 : vector<1x16xf32> to vector<1x16xf32>
          %get3A_879 = arith.constant 0 : i32
          %get3A_880 = arith.constant 0 : i32
          %get3A_881 = tpu.memref_slice %run_scoped3A_8[%rem3A_381, %get3A_879, %get3A_880] : memref<2x16x768xf32, #tpu.memory_space<vmem>> -> memref<1x16x768xf32, #tpu.memory_space<vmem>>
          %get3A_882 = tpu.memref_squeeze %get3A_881 : memref<1x16x768xf32, #tpu.memory_space<vmem>> -> memref<16x768xf32, #tpu.memory_space<vmem>>
          %get3A_883 = arith.index_cast %add3A_534 : i32 to index
          %get3A_884 = arith.constant 208 : index
          %get3A_885 = tpu.vector_load %get3A_882[%get3A_883, %get3A_884] {strides = array<i32>} : memref<16x768xf32, #tpu.memory_space<vmem>>, vector<1x16xf32>,
          %get3A_886 = vector.shape_cast %get3A_885 : vector<1x16xf32> to vector<1x16xf32>
          %add3A_887 = arith.addf %get3A_878, %get3A_886 : vector<1x16xf32>
          %swap3A_888 = arith.constant 0 : i32
          %swap3A_889 = arith.constant 0 : i32
          %swap3A_890 = tpu.memref_slice %run_scoped3A_10[%rem3A_383, %swap3A_888, %swap3A_889] : memref<2x16x768xf32, #tpu.memory_space<vmem>> -> memref<1x16x768xf32, #tpu.memory_space<vmem>>
          %swap3A_891 = tpu.memref_squeeze %swap3A_890 : memref<1x16x768xf32, #tpu.memory_space<vmem>> -> memref<16x768xf32, #tpu.memory_space<vmem>>
          %swap3A_892 = arith.index_cast %add3A_534 : i32 to index
          %swap3A_893 = arith.constant 208 : index
          %swap3A_894 = tpu.vector_load %swap3A_891[%swap3A_892, %swap3A_893] {strides = array<i32>} : memref<16x768xf32, #tpu.memory_space<vmem>>, vector<1x16xf32>,
          %swap3A_895 = vector.shape_cast %swap3A_894 : vector<1x16xf32> to vector<1x16xf32>
          %swap3A_896 = vector.shape_cast %add3A_887 : vector<1x16xf32> to vector<1x16xf32>
          tpu.vector_store %swap3A_891[%swap3A_892, %swap3A_893], %swap3A_896 {strides = array<i32>} : memref<16x768xf32, #tpu.memory_space<vmem>>, vector<1x16xf32>,
          %get3A_897 = arith.constant 0 : i32
          %get3A_898 = arith.constant 0 : i32
          %get3A_899 = tpu.memref_slice %run_scoped3A[%rem3A_379, %get3A_897, %get3A_898] : memref<2x16x768xf32, #tpu.memory_space<vmem>> -> memref<1x16x768xf32, #tpu.memory_space<vmem>>
          %get3A_900 = tpu.memref_squeeze %get3A_899 : memref<1x16x768xf32, #tpu.memory_space<vmem>> -> memref<16x768xf32, #tpu.memory_space<vmem>>
          %get3A_901 = arith.index_cast %add3A_534 : i32 to index
          %get3A_902 = arith.constant 224 : index
          %get3A_903 = tpu.vector_load %get3A_900[%get3A_901, %get3A_902] {strides = array<i32>} : memref<16x768xf32, #tpu.memory_space<vmem>>, vector<1x16xf32>,
          %get3A_904 = vector.shape_cast %get3A_903 : vector<1x16xf32> to vector<1x16xf32>
          %get3A_905 = arith.constant 0 : i32
          %get3A_906 = arith.constant 0 : i32
          %get3A_907 = tpu.memref_slice %run_scoped3A_8[%rem3A_381, %get3A_905, %get3A_906] : memref<2x16x768xf32, #tpu.memory_space<vmem>> -> memref<1x16x768xf32, #tpu.memory_space<vmem>>
          %get3A_908 = tpu.memref_squeeze %get3A_907 : memref<1x16x768xf32, #tpu.memory_space<vmem>> -> memref<16x768xf32, #tpu.memory_space<vmem>>
          %get3A_909 = arith.index_cast %add3A_534 : i32 to index
          %get3A_910 = arith.constant 224 : index
          %get3A_911 = tpu.vector_load %get3A_908[%get3A_909, %get3A_910] {strides = array<i32>} : memref<16x768xf32, #tpu.memory_space<vmem>>, vector<1x16xf32>,
          %get3A_912 = vector.shape_cast %get3A_911 : vector<1x16xf32> to vector<1x16xf32>
          %add3A_913 = arith.addf %get3A_904, %get3A_912 : vector<1x16xf32>
          %swap3A_914 = arith.constant 0 : i32
          %swap3A_915 = arith.constant 0 : i32
          %swap3A_916 = tpu.memref_slice %run_scoped3A_10[%rem3A_383, %swap3A_914, %swap3A_915] : memref<2x16x768xf32, #tpu.memory_space<vmem>> -> memref<1x16x768xf32, #tpu.memory_space<vmem>>
          %swap3A_917 = tpu.memref_squeeze %swap3A_916 : memref<1x16x768xf32, #tpu.memory_space<vmem>> -> memref<16x768xf32, #tpu.memory_space<vmem>>
          %swap3A_918 = arith.index_cast %add3A_534 : i32 to index
          %swap3A_919 = arith.constant 224 : index
          %swap3A_920 = tpu.vector_load %swap3A_917[%swap3A_918, %swap3A_919] {strides = array<i32>} : memref<16x768xf32, #tpu.memory_space<vmem>>, vector<1x16xf32>,
          %swap3A_921 = vector.shape_cast %swap3A_920 : vector<1x16xf32> to vector<1x16xf32>
          %swap3A_922 = vector.shape_cast %add3A_913 : vector<1x16xf32> to vector<1x16xf32>
          tpu.vector_store %swap3A_917[%swap3A_918, %swap3A_919], %swap3A_922 {strides = array<i32>} : memref<16x768xf32, #tpu.memory_space<vmem>>, vector<1x16xf32>,
          %get3A_923 = arith.constant 0 : i32
          %get3A_924 = arith.constant 0 : i32
          %get3A_925 = tpu.memref_slice %run_scoped3A[%rem3A_379, %get3A_923, %get3A_924] : memref<2x16x768xf32, #tpu.memory_space<vmem>> -> memref<1x16x768xf32, #tpu.memory_space<vmem>>
          %get3A_926 = tpu.memref_squeeze %get3A_925 : memref<1x16x768xf32, #tpu.memory_space<vmem>> -> memref<16x768xf32, #tpu.memory_space<vmem>>
          %get3A_927 = arith.index_cast %add3A_534 : i32 to index
          %get3A_928 = arith.constant 240 : index
          %get3A_929 = tpu.vector_load %get3A_926[%get3A_927, %get3A_928] {strides = array<i32>} : memref<16x768xf32, #tpu.memory_space<vmem>>, vector<1x16xf32>,
          %get3A_930 = vector.shape_cast %get3A_929 : vector<1x16xf32> to vector<1x16xf32>
          %get3A_931 = arith.constant 0 : i32
          %get3A_932 = arith.constant 0 : i32
          %get3A_933 = tpu.memref_slice %run_scoped3A_8[%rem3A_381, %get3A_931, %get3A_932] : memref<2x16x768xf32, #tpu.memory_space<vmem>> -> memref<1x16x768xf32, #tpu.memory_space<vmem>>
          %get3A_934 = tpu.memref_squeeze %get3A_933 : memref<1x16x768xf32, #tpu.memory_space<vmem>> -> memref<16x768xf32, #tpu.memory_space<vmem>>
          %get3A_935 = arith.index_cast %add3A_534 : i32 to index
          %get3A_936 = arith.constant 240 : index
          %get3A_937 = tpu.vector_load %get3A_934[%get3A_935, %get3A_936] {strides = array<i32>} : memref<16x768xf32, #tpu.memory_space<vmem>>, vector<1x16xf32>,
          %get3A_938 = vector.shape_cast %get3A_937 : vector<1x16xf32> to vector<1x16xf32>
          %add3A_939 = arith.addf %get3A_930, %get3A_938 : vector<1x16xf32>
          %swap3A_940 = arith.constant 0 : i32
          %swap3A_941 = arith.constant 0 : i32
          %swap3A_942 = tpu.memref_slice %run_scoped3A_10[%rem3A_383, %swap3A_940, %swap3A_941] : memref<2x16x768xf32, #tpu.memory_space<vmem>> -> memref<1x16x768xf32, #tpu.memory_space<vmem>>
          %swap3A_943 = tpu.memref_squeeze %swap3A_942 : memref<1x16x768xf32, #tpu.memory_space<vmem>> -> memref<16x768xf32, #tpu.memory_space<vmem>>
          %swap3A_944 = arith.index_cast %add3A_534 : i32 to index
          %swap3A_945 = arith.constant 240 : index
          %swap3A_946 = tpu.vector_load %swap3A_943[%swap3A_944, %swap3A_945] {strides = array<i32>} : memref<16x768xf32, #tpu.memory_space<vmem>>, vector<1x16xf32>,
          %swap3A_947 = vector.shape_cast %swap3A_946 : vector<1x16xf32> to vector<1x16xf32>
          %swap3A_948 = vector.shape_cast %add3A_939 : vector<1x16xf32> to vector<1x16xf32>
          tpu.vector_store %swap3A_943[%swap3A_944, %swap3A_945], %swap3A_948 {strides = array<i32>} : memref<16x768xf32, #tpu.memory_space<vmem>>, vector<1x16xf32>,
          %get3A_949 = arith.constant 0 : i32
          %get3A_950 = arith.constant 0 : i32
          %get3A_951 = tpu.memref_slice %run_scoped3A[%rem3A_379, %get3A_949, %get3A_950] : memref<2x16x768xf32, #tpu.memory_space<vmem>> -> memref<1x16x768xf32, #tpu.memory_space<vmem>>
          %get3A_952 = tpu.memref_squeeze %get3A_951 : memref<1x16x768xf32, #tpu.memory_space<vmem>> -> memref<16x768xf32, #tpu.memory_space<vmem>>
          %get3A_953 = arith.index_cast %add3A_534 : i32 to index
          %get3A_954 = arith.constant 256 : index
          %get3A_955 = tpu.vector_load %get3A_952[%get3A_953, %get3A_954] {strides = array<i32>} : memref<16x768xf32, #tpu.memory_space<vmem>>, vector<1x16xf32>,
          %get3A_956 = vector.shape_cast %get3A_955 : vector<1x16xf32> to vector<1x16xf32>
          %get3A_957 = arith.constant 0 : i32
          %get3A_958 = arith.constant 0 : i32
          %get3A_959 = tpu.memref_slice %run_scoped3A_8[%rem3A_381, %get3A_957, %get3A_958] : memref<2x16x768xf32, #tpu.memory_space<vmem>> -> memref<1x16x768xf32, #tpu.memory_space<vmem>>
          %get3A_960 = tpu.memref_squeeze %get3A_959 : memref<1x16x768xf32, #tpu.memory_space<vmem>> -> memref<16x768xf32, #tpu.memory_space<vmem>>
          %get3A_961 = arith.index_cast %add3A_534 : i32 to index
          %get3A_962 = arith.constant 256 : index
          %get3A_963 = tpu.vector_load %get3A_960[%get3A_961, %get3A_962] {strides = array<i32>} : memref<16x768xf32, #tpu.memory_space<vmem>>, vector<1x16xf32>,
          %get3A_964 = vector.shape_cast %get3A_963 : vector<1x16xf32> to vector<1x16xf32>
          %add3A_965 = arith.addf %get3A_956, %get3A_964 : vector<1x16xf32>
          %swap3A_966 = arith.constant 0 : i32
          %swap3A_967 = arith.constant 0 : i32
          %swap3A_968 = tpu.memref_slice %run_scoped3A_10[%rem3A_383, %swap3A_966, %swap3A_967] : memref<2x16x768xf32, #tpu.memory_space<vmem>> -> memref<1x16x768xf32, #tpu.memory_space<vmem>>
          %swap3A_969 = tpu.memref_squeeze %swap3A_968 : memref<1x16x768xf32, #tpu.memory_space<vmem>> -> memref<16x768xf32, #tpu.memory_space<vmem>>
          %swap3A_970 = arith.index_cast %add3A_534 : i32 to index
          %swap3A_971 = arith.constant 256 : index
          %swap3A_972 = tpu.vector_load %swap3A_969[%swap3A_970, %swap3A_971] {strides = array<i32>} : memref<16x768xf32, #tpu.memory_space<vmem>>, vector<1x16xf32>,
          %swap3A_973 = vector.shape_cast %swap3A_972 : vector<1x16xf32> to vector<1x16xf32>
          %swap3A_974 = vector.shape_cast %add3A_965 : vector<1x16xf32> to vector<1x16xf32>
          tpu.vector_store %swap3A_969[%swap3A_970, %swap3A_971], %swap3A_974 {strides = array<i32>} : memref<16x768xf32, #tpu.memory_space<vmem>>, vector<1x16xf32>,
          %get3A_975 = arith.constant 0 : i32
          %get3A_976 = arith.constant 0 : i32
          %get3A_977 = tpu.memref_slice %run_scoped3A[%rem3A_379, %get3A_975, %get3A_976] : memref<2x16x768xf32, #tpu.memory_space<vmem>> -> memref<1x16x768xf32, #tpu.memory_space<vmem>>
          %get3A_978 = tpu.memref_squeeze %get3A_977 : memref<1x16x768xf32, #tpu.memory_space<vmem>> -> memref<16x768xf32, #tpu.memory_space<vmem>>
          %get3A_979 = arith.index_cast %add3A_534 : i32 to index
          %get3A_980 = arith.constant 272 : index
          %get3A_981 = tpu.vector_load %get3A_978[%get3A_979, %get3A_980] {strides = array<i32>} : memref<16x768xf32, #tpu.memory_space<vmem>>, vector<1x16xf32>,
          %get3A_982 = vector.shape_cast %get3A_981 : vector<1x16xf32> to vector<1x16xf32>
          %get3A_983 = arith.constant 0 : i32
          %get3A_984 = arith.constant 0 : i32
          %get3A_985 = tpu.memref_slice %run_scoped3A_8[%rem3A_381, %get3A_983, %get3A_984] : memref<2x16x768xf32, #tpu.memory_space<vmem>> -> memref<1x16x768xf32, #tpu.memory_space<vmem>>
          %get3A_986 = tpu.memref_squeeze %get3A_985 : memref<1x16x768xf32, #tpu.memory_space<vmem>> -> memref<16x768xf32, #tpu.memory_space<vmem>>
          %get3A_987 = arith.index_cast %add3A_534 : i32 to index
          %get3A_988 = arith.constant 272 : index
          %get3A_989 = tpu.vector_load %get3A_986[%get3A_987, %get3A_988] {strides = array<i32>} : memref<16x768xf32, #tpu.memory_space<vmem>>, vector<1x16xf32>,
          %get3A_990 = vector.shape_cast %get3A_989 : vector<1x16xf32> to vector<1x16xf32>
          %add3A_991 = arith.addf %get3A_982, %get3A_990 : vector<1x16xf32>
          %swap3A_992 = arith.constant 0 : i32
          %swap3A_993 = arith.constant 0 : i32
          %swap3A_994 = tpu.memref_slice %run_scoped3A_10[%rem3A_383, %swap3A_992, %swap3A_993] : memref<2x16x768xf32, #tpu.memory_space<vmem>> -> memref<1x16x768xf32, #tpu.memory_space<vmem>>
          %swap3A_995 = tpu.memref_squeeze %swap3A_994 : memref<1x16x768xf32, #tpu.memory_space<vmem>> -> memref<16x768xf32, #tpu.memory_space<vmem>>
          %swap3A_996 = arith.index_cast %add3A_534 : i32 to index
          %swap3A_997 = arith.constant 272 : index
          %swap3A_998 = tpu.vector_load %swap3A_995[%swap3A_996, %swap3A_997] {strides = array<i32>} : memref<16x768xf32, #tpu.memory_space<vmem>>, vector<1x16xf32>,
          %swap3A_999 = vector.shape_cast %swap3A_998 : vector<1x16xf32> to vector<1x16xf32>
          %swap3A_1000 = vector.shape_cast %add3A_991 : vector<1x16xf32> to vector<1x16xf32>
          tpu.vector_store %swap3A_995[%swap3A_996, %swap3A_997], %swap3A_1000 {strides = array<i32>} : memref<16x768xf32, #tpu.memory_space<vmem>>, vector<1x16xf32>,
          %get3A_1001 = arith.constant 0 : i32
          %get3A_1002 = arith.constant 0 : i32
          %get3A_1003 = tpu.memref_slice %run_scoped3A[%rem3A_379, %get3A_1001, %get3A_1002] : memref<2x16x768xf32, #tpu.memory_space<vmem>> -> memref<1x16x768xf32, #tpu.memory_space<vmem>>
          %get3A_1004 = tpu.memref_squeeze %get3A_1003 : memref<1x16x768xf32, #tpu.memory_space<vmem>> -> memref<16x768xf32, #tpu.memory_space<vmem>>
          %get3A_1005 = arith.index_cast %add3A_534 : i32 to index
          %get3A_1006 = arith.constant 288 : index
          %get3A_1007 = tpu.vector_load %get3A_1004[%get3A_1005, %get3A_1006] {strides = array<i32>} : memref<16x768xf32, #tpu.memory_space<vmem>>, vector<1x16xf32>,
          %get3A_1008 = vector.shape_cast %get3A_1007 : vector<1x16xf32> to vector<1x16xf32>
          %get3A_1009 = arith.constant 0 : i32
          %get3A_1010 = arith.constant 0 : i32
          %get3A_1011 = tpu.memref_slice %run_scoped3A_8[%rem3A_381, %get3A_1009, %get3A_1010] : memref<2x16x768xf32, #tpu.memory_space<vmem>> -> memref<1x16x768xf32, #tpu.memory_space<vmem>>
          %get3A_1012 = tpu.memref_squeeze %get3A_1011 : memref<1x16x768xf32, #tpu.memory_space<vmem>> -> memref<16x768xf32, #tpu.memory_space<vmem>>
          %get3A_1013 = arith.index_cast %add3A_534 : i32 to index
          %get3A_1014 = arith.constant 288 : index
          %get3A_1015 = tpu.vector_load %get3A_1012[%get3A_1013, %get3A_1014] {strides = array<i32>} : memref<16x768xf32, #tpu.memory_space<vmem>>, vector<1x16xf32>,
          %get3A_1016 = vector.shape_cast %get3A_1015 : vector<1x16xf32> to vector<1x16xf32>
          %add3A_1017 = arith.addf %get3A_1008, %get3A_1016 : vector<1x16xf32>
          %swap3A_1018 = arith.constant 0 : i32
          %swap3A_1019 = arith.constant 0 : i32
          %swap3A_1020 = tpu.memref_slice %run_scoped3A_10[%rem3A_383, %swap3A_1018, %swap3A_1019] : memref<2x16x768xf32, #tpu.memory_space<vmem>> -> memref<1x16x768xf32, #tpu.memory_space<vmem>>
          %swap3A_1021 = tpu.memref_squeeze %swap3A_1020 : memref<1x16x768xf32, #tpu.memory_space<vmem>> -> memref<16x768xf32, #tpu.memory_space<vmem>>
          %swap3A_1022 = arith.index_cast %add3A_534 : i32 to index
          %swap3A_1023 = arith.constant 288 : index
          %swap3A_1024 = tpu.vector_load %swap3A_1021[%swap3A_1022, %swap3A_1023] {strides = array<i32>} : memref<16x768xf32, #tpu.memory_space<vmem>>, vector<1x16xf32>,
          %swap3A_1025 = vector.shape_cast %swap3A_1024 : vector<1x16xf32> to vector<1x16xf32>
          %swap3A_1026 = vector.shape_cast %add3A_1017 : vector<1x16xf32> to vector<1x16xf32>
          tpu.vector_store %swap3A_1021[%swap3A_1022, %swap3A_1023], %swap3A_1026 {strides = array<i32>} : memref<16x768xf32, #tpu.memory_space<vmem>>, vector<1x16xf32>,
          %get3A_1027 = arith.constant 0 : i32
          %get3A_1028 = arith.constant 0 : i32
          %get3A_1029 = tpu.memref_slice %run_scoped3A[%rem3A_379, %get3A_1027, %get3A_1028] : memref<2x16x768xf32, #tpu.memory_space<vmem>> -> memref<1x16x768xf32, #tpu.memory_space<vmem>>
          %get3A_1030 = tpu.memref_squeeze %get3A_1029 : memref<1x16x768xf32, #tpu.memory_space<vmem>> -> memref<16x768xf32, #tpu.memory_space<vmem>>
          %get3A_1031 = arith.index_cast %add3A_534 : i32 to index
          %get3A_1032 = arith.constant 304 : index
          %get3A_1033 = tpu.vector_load %get3A_1030[%get3A_1031, %get3A_1032] {strides = array<i32>} : memref<16x768xf32, #tpu.memory_space<vmem>>, vector<1x16xf32>,
          %get3A_1034 = vector.shape_cast %get3A_1033 : vector<1x16xf32> to vector<1x16xf32>
          %get3A_1035 = arith.constant 0 : i32
          %get3A_1036 = arith.constant 0 : i32
          %get3A_1037 = tpu.memref_slice %run_scoped3A_8[%rem3A_381, %get3A_1035, %get3A_1036] : memref<2x16x768xf32, #tpu.memory_space<vmem>> -> memref<1x16x768xf32, #tpu.memory_space<vmem>>
          %get3A_1038 = tpu.memref_squeeze %get3A_1037 : memref<1x16x768xf32, #tpu.memory_space<vmem>> -> memref<16x768xf32, #tpu.memory_space<vmem>>
          %get3A_1039 = arith.index_cast %add3A_534 : i32 to index
          %get3A_1040 = arith.constant 304 : index
          %get3A_1041 = tpu.vector_load %get3A_1038[%get3A_1039, %get3A_1040] {strides = array<i32>} : memref<16x768xf32, #tpu.memory_space<vmem>>, vector<1x16xf32>,
          %get3A_1042 = vector.shape_cast %get3A_1041 : vector<1x16xf32> to vector<1x16xf32>
          %add3A_1043 = arith.addf %get3A_1034, %get3A_1042 : vector<1x16xf32>
          %swap3A_1044 = arith.constant 0 : i32
          %swap3A_1045 = arith.constant 0 : i32
          %swap3A_1046 = tpu.memref_slice %run_scoped3A_10[%rem3A_383, %swap3A_1044, %swap3A_1045] : memref<2x16x768xf32, #tpu.memory_space<vmem>> -> memref<1x16x768xf32, #tpu.memory_space<vmem>>
          %swap3A_1047 = tpu.memref_squeeze %swap3A_1046 : memref<1x16x768xf32, #tpu.memory_space<vmem>> -> memref<16x768xf32, #tpu.memory_space<vmem>>
          %swap3A_1048 = arith.index_cast %add3A_534 : i32 to index
          %swap3A_1049 = arith.constant 304 : index
          %swap3A_1050 = tpu.vector_load %swap3A_1047[%swap3A_1048, %swap3A_1049] {strides = array<i32>} : memref<16x768xf32, #tpu.memory_space<vmem>>, vector<1x16xf32>,
          %swap3A_1051 = vector.shape_cast %swap3A_1050 : vector<1x16xf32> to vector<1x16xf32>
          %swap3A_1052 = vector.shape_cast %add3A_1043 : vector<1x16xf32> to vector<1x16xf32>
          tpu.vector_store %swap3A_1047[%swap3A_1048, %swap3A_1049], %swap3A_1052 {strides = array<i32>} : memref<16x768xf32, #tpu.memory_space<vmem>>, vector<1x16xf32>,
          %get3A_1053 = arith.constant 0 : i32
          %get3A_1054 = arith.constant 0 : i32
          %get3A_1055 = tpu.memref_slice %run_scoped3A[%rem3A_379, %get3A_1053, %get3A_1054] : memref<2x16x768xf32, #tpu.memory_space<vmem>> -> memref<1x16x768xf32, #tpu.memory_space<vmem>>
          %get3A_1056 = tpu.memref_squeeze %get3A_1055 : memref<1x16x768xf32, #tpu.memory_space<vmem>> -> memref<16x768xf32, #tpu.memory_space<vmem>>
          %get3A_1057 = arith.index_cast %add3A_534 : i32 to index
          %get3A_1058 = arith.constant 320 : index
          %get3A_1059 = tpu.vector_load %get3A_1056[%get3A_1057, %get3A_1058] {strides = array<i32>} : memref<16x768xf32, #tpu.memory_space<vmem>>, vector<1x16xf32>,
          %get3A_1060 = vector.shape_cast %get3A_1059 : vector<1x16xf32> to vector<1x16xf32>
          %get3A_1061 = arith.constant 0 : i32
          %get3A_1062 = arith.constant 0 : i32
          %get3A_1063 = tpu.memref_slice %run_scoped3A_8[%rem3A_381, %get3A_1061, %get3A_1062] : memref<2x16x768xf32, #tpu.memory_space<vmem>> -> memref<1x16x768xf32, #tpu.memory_space<vmem>>
          %get3A_1064 = tpu.memref_squeeze %get3A_1063 : memref<1x16x768xf32, #tpu.memory_space<vmem>> -> memref<16x768xf32, #tpu.memory_space<vmem>>
          %get3A_1065 = arith.index_cast %add3A_534 : i32 to index
          %get3A_1066 = arith.constant 320 : index
          %get3A_1067 = tpu.vector_load %get3A_1064[%get3A_1065, %get3A_1066] {strides = array<i32>} : memref<16x768xf32, #tpu.memory_space<vmem>>, vector<1x16xf32>,
          %get3A_1068 = vector.shape_cast %get3A_1067 : vector<1x16xf32> to vector<1x16xf32>
          %add3A_1069 = arith.addf %get3A_1060, %get3A_1068 : vector<1x16xf32>
          %swap3A_1070 = arith.constant 0 : i32
          %swap3A_1071 = arith.constant 0 : i32
          %swap3A_1072 = tpu.memref_slice %run_scoped3A_10[%rem3A_383, %swap3A_1070, %swap3A_1071] : memref<2x16x768xf32, #tpu.memory_space<vmem>> -> memref<1x16x768xf32, #tpu.memory_space<vmem>>
          %swap3A_1073 = tpu.memref_squeeze %swap3A_1072 : memref<1x16x768xf32, #tpu.memory_space<vmem>> -> memref<16x768xf32, #tpu.memory_space<vmem>>
          %swap3A_1074 = arith.index_cast %add3A_534 : i32 to index
          %swap3A_1075 = arith.constant 320 : index
          %swap3A_1076 = tpu.vector_load %swap3A_1073[%swap3A_1074, %swap3A_1075] {strides = array<i32>} : memref<16x768xf32, #tpu.memory_space<vmem>>, vector<1x16xf32>,
          %swap3A_1077 = vector.shape_cast %swap3A_1076 : vector<1x16xf32> to vector<1x16xf32>
          %swap3A_1078 = vector.shape_cast %add3A_1069 : vector<1x16xf32> to vector<1x16xf32>
          tpu.vector_store %swap3A_1073[%swap3A_1074, %swap3A_1075], %swap3A_1078 {strides = array<i32>} : memref<16x768xf32, #tpu.memory_space<vmem>>, vector<1x16xf32>,
          %get3A_1079 = arith.constant 0 : i32
          %get3A_1080 = arith.constant 0 : i32
          %get3A_1081 = tpu.memref_slice %run_scoped3A[%rem3A_379, %get3A_1079, %get3A_1080] : memref<2x16x768xf32, #tpu.memory_space<vmem>> -> memref<1x16x768xf32, #tpu.memory_space<vmem>>
          %get3A_1082 = tpu.memref_squeeze %get3A_1081 : memref<1x16x768xf32, #tpu.memory_space<vmem>> -> memref<16x768xf32, #tpu.memory_space<vmem>>
          %get3A_1083 = arith.index_cast %add3A_534 : i32 to index
          %get3A_1084 = arith.constant 336 : index
          %get3A_1085 = tpu.vector_load %get3A_1082[%get3A_1083, %get3A_1084] {strides = array<i32>} : memref<16x768xf32, #tpu.memory_space<vmem>>, vector<1x16xf32>,
          %get3A_1086 = vector.shape_cast %get3A_1085 : vector<1x16xf32> to vector<1x16xf32>
          %get3A_1087 = arith.constant 0 : i32
          %get3A_1088 = arith.constant 0 : i32
          %get3A_1089 = tpu.memref_slice %run_scoped3A_8[%rem3A_381, %get3A_1087, %get3A_1088] : memref<2x16x768xf32, #tpu.memory_space<vmem>> -> memref<1x16x768xf32, #tpu.memory_space<vmem>>
          %get3A_1090 = tpu.memref_squeeze %get3A_1089 : memref<1x16x768xf32, #tpu.memory_space<vmem>> -> memref<16x768xf32, #tpu.memory_space<vmem>>
          %get3A_1091 = arith.index_cast %add3A_534 : i32 to index
          %get3A_1092 = arith.constant 336 : index
          %get3A_1093 = tpu.vector_load %get3A_1090[%get3A_1091, %get3A_1092] {strides = array<i32>} : memref<16x768xf32, #tpu.memory_space<vmem>>, vector<1x16xf32>,
          %get3A_1094 = vector.shape_cast %get3A_1093 : vector<1x16xf32> to vector<1x16xf32>
          %add3A_1095 = arith.addf %get3A_1086, %get3A_1094 : vector<1x16xf32>
          %swap3A_1096 = arith.constant 0 : i32
          %swap3A_1097 = arith.constant 0 : i32
          %swap3A_1098 = tpu.memref_slice %run_scoped3A_10[%rem3A_383, %swap3A_1096, %swap3A_1097] : memref<2x16x768xf32, #tpu.memory_space<vmem>> -> memref<1x16x768xf32, #tpu.memory_space<vmem>>
          %swap3A_1099 = tpu.memref_squeeze %swap3A_1098 : memref<1x16x768xf32, #tpu.memory_space<vmem>> -> memref<16x768xf32, #tpu.memory_space<vmem>>
          %swap3A_1100 = arith.index_cast %add3A_534 : i32 to index
          %swap3A_1101 = arith.constant 336 : index
          %swap3A_1102 = tpu.vector_load %swap3A_1099[%swap3A_1100, %swap3A_1101] {strides = array<i32>} : memref<16x768xf32, #tpu.memory_space<vmem>>, vector<1x16xf32>,
          %swap3A_1103 = vector.shape_cast %swap3A_1102 : vector<1x16xf32> to vector<1x16xf32>
          %swap3A_1104 = vector.shape_cast %add3A_1095 : vector<1x16xf32> to vector<1x16xf32>
          tpu.vector_store %swap3A_1099[%swap3A_1100, %swap3A_1101], %swap3A_1104 {strides = array<i32>} : memref<16x768xf32, #tpu.memory_space<vmem>>, vector<1x16xf32>,
          %get3A_1105 = arith.constant 0 : i32
          %get3A_1106 = arith.constant 0 : i32
          %get3A_1107 = tpu.memref_slice %run_scoped3A[%rem3A_379, %get3A_1105, %get3A_1106] : memref<2x16x768xf32, #tpu.memory_space<vmem>> -> memref<1x16x768xf32, #tpu.memory_space<vmem>>
          %get3A_1108 = tpu.memref_squeeze %get3A_1107 : memref<1x16x768xf32, #tpu.memory_space<vmem>> -> memref<16x768xf32, #tpu.memory_space<vmem>>
          %get3A_1109 = arith.index_cast %add3A_534 : i32 to index
          %get3A_1110 = arith.constant 352 : index
          %get3A_1111 = tpu.vector_load %get3A_1108[%get3A_1109, %get3A_1110] {strides = array<i32>} : memref<16x768xf32, #tpu.memory_space<vmem>>, vector<1x16xf32>,
          %get3A_1112 = vector.shape_cast %get3A_1111 : vector<1x16xf32> to vector<1x16xf32>
          %get3A_1113 = arith.constant 0 : i32
          %get3A_1114 = arith.constant 0 : i32
          %get3A_1115 = tpu.memref_slice %run_scoped3A_8[%rem3A_381, %get3A_1113, %get3A_1114] : memref<2x16x768xf32, #tpu.memory_space<vmem>> -> memref<1x16x768xf32, #tpu.memory_space<vmem>>
          %get3A_1116 = tpu.memref_squeeze %get3A_1115 : memref<1x16x768xf32, #tpu.memory_space<vmem>> -> memref<16x768xf32, #tpu.memory_space<vmem>>
          %get3A_1117 = arith.index_cast %add3A_534 : i32 to index
          %get3A_1118 = arith.constant 352 : index
          %get3A_1119 = tpu.vector_load %get3A_1116[%get3A_1117, %get3A_1118] {strides = array<i32>} : memref<16x768xf32, #tpu.memory_space<vmem>>, vector<1x16xf32>,
          %get3A_1120 = vector.shape_cast %get3A_1119 : vector<1x16xf32> to vector<1x16xf32>
          %add3A_1121 = arith.addf %get3A_1112, %get3A_1120 : vector<1x16xf32>
          %swap3A_1122 = arith.constant 0 : i32
          %swap3A_1123 = arith.constant 0 : i32
          %swap3A_1124 = tpu.memref_slice %run_scoped3A_10[%rem3A_383, %swap3A_1122, %swap3A_1123] : memref<2x16x768xf32, #tpu.memory_space<vmem>> -> memref<1x16x768xf32, #tpu.memory_space<vmem>>
          %swap3A_1125 = tpu.memref_squeeze %swap3A_1124 : memref<1x16x768xf32, #tpu.memory_space<vmem>> -> memref<16x768xf32, #tpu.memory_space<vmem>>
          %swap3A_1126 = arith.index_cast %add3A_534 : i32 to index
          %swap3A_1127 = arith.constant 352 : index
          %swap3A_1128 = tpu.vector_load %swap3A_1125[%swap3A_1126, %swap3A_1127] {strides = array<i32>} : memref<16x768xf32, #tpu.memory_space<vmem>>, vector<1x16xf32>,
          %swap3A_1129 = vector.shape_cast %swap3A_1128 : vector<1x16xf32> to vector<1x16xf32>
          %swap3A_1130 = vector.shape_cast %add3A_1121 : vector<1x16xf32> to vector<1x16xf32>
          tpu.vector_store %swap3A_1125[%swap3A_1126, %swap3A_1127], %swap3A_1130 {strides = array<i32>} : memref<16x768xf32, #tpu.memory_space<vmem>>, vector<1x16xf32>,
          %get3A_1131 = arith.constant 0 : i32
          %get3A_1132 = arith.constant 0 : i32
          %get3A_1133 = tpu.memref_slice %run_scoped3A[%rem3A_379, %get3A_1131, %get3A_1132] : memref<2x16x768xf32, #tpu.memory_space<vmem>> -> memref<1x16x768xf32, #tpu.memory_space<vmem>>
          %get3A_1134 = tpu.memref_squeeze %get3A_1133 : memref<1x16x768xf32, #tpu.memory_space<vmem>> -> memref<16x768xf32, #tpu.memory_space<vmem>>
          %get3A_1135 = arith.index_cast %add3A_534 : i32 to index
          %get3A_1136 = arith.constant 368 : index
          %get3A_1137 = tpu.vector_load %get3A_1134[%get3A_1135, %get3A_1136] {strides = array<i32>} : memref<16x768xf32, #tpu.memory_space<vmem>>, vector<1x16xf32>,
          %get3A_1138 = vector.shape_cast %get3A_1137 : vector<1x16xf32> to vector<1x16xf32>
          %get3A_1139 = arith.constant 0 : i32
          %get3A_1140 = arith.constant 0 : i32
          %get3A_1141 = tpu.memref_slice %run_scoped3A_8[%rem3A_381, %get3A_1139, %get3A_1140] : memref<2x16x768xf32, #tpu.memory_space<vmem>> -> memref<1x16x768xf32, #tpu.memory_space<vmem>>
          %get3A_1142 = tpu.memref_squeeze %get3A_1141 : memref<1x16x768xf32, #tpu.memory_space<vmem>> -> memref<16x768xf32, #tpu.memory_space<vmem>>
          %get3A_1143 = arith.index_cast %add3A_534 : i32 to index
          %get3A_1144 = arith.constant 368 : index
          %get3A_1145 = tpu.vector_load %get3A_1142[%get3A_1143, %get3A_1144] {strides = array<i32>} : memref<16x768xf32, #tpu.memory_space<vmem>>, vector<1x16xf32>,
          %get3A_1146 = vector.shape_cast %get3A_1145 : vector<1x16xf32> to vector<1x16xf32>
          %add3A_1147 = arith.addf %get3A_1138, %get3A_1146 : vector<1x16xf32>
          %swap3A_1148 = arith.constant 0 : i32
          %swap3A_1149 = arith.constant 0 : i32
          %swap3A_1150 = tpu.memref_slice %run_scoped3A_10[%rem3A_383, %swap3A_1148, %swap3A_1149] : memref<2x16x768xf32, #tpu.memory_space<vmem>> -> memref<1x16x768xf32, #tpu.memory_space<vmem>>
          %swap3A_1151 = tpu.memref_squeeze %swap3A_1150 : memref<1x16x768xf32, #tpu.memory_space<vmem>> -> memref<16x768xf32, #tpu.memory_space<vmem>>
          %swap3A_1152 = arith.index_cast %add3A_534 : i32 to index
          %swap3A_1153 = arith.constant 368 : index
          %swap3A_1154 = tpu.vector_load %swap3A_1151[%swap3A_1152, %swap3A_1153] {strides = array<i32>} : memref<16x768xf32, #tpu.memory_space<vmem>>, vector<1x16xf32>,
          %swap3A_1155 = vector.shape_cast %swap3A_1154 : vector<1x16xf32> to vector<1x16xf32>
          %swap3A_1156 = vector.shape_cast %add3A_1147 : vector<1x16xf32> to vector<1x16xf32>
          tpu.vector_store %swap3A_1151[%swap3A_1152, %swap3A_1153], %swap3A_1156 {strides = array<i32>} : memref<16x768xf32, #tpu.memory_space<vmem>>, vector<1x16xf32>,
          %get3A_1157 = arith.constant 0 : i32
          %get3A_1158 = arith.constant 0 : i32
          %get3A_1159 = tpu.memref_slice %run_scoped3A[%rem3A_379, %get3A_1157, %get3A_1158] : memref<2x16x768xf32, #tpu.memory_space<vmem>> -> memref<1x16x768xf32, #tpu.memory_space<vmem>>
          %get3A_1160 = tpu.memref_squeeze %get3A_1159 : memref<1x16x768xf32, #tpu.memory_space<vmem>> -> memref<16x768xf32, #tpu.memory_space<vmem>>
          %get3A_1161 = arith.index_cast %add3A_534 : i32 to index
          %get3A_1162 = arith.constant 384 : index
          %get3A_1163 = tpu.vector_load %get3A_1160[%get3A_1161, %get3A_1162] {strides = array<i32>} : memref<16x768xf32, #tpu.memory_space<vmem>>, vector<1x16xf32>,
          %get3A_1164 = vector.shape_cast %get3A_1163 : vector<1x16xf32> to vector<1x16xf32>
          %get3A_1165 = arith.constant 0 : i32
          %get3A_1166 = arith.constant 0 : i32
          %get3A_1167 = tpu.memref_slice %run_scoped3A_8[%rem3A_381, %get3A_1165, %get3A_1166] : memref<2x16x768xf32, #tpu.memory_space<vmem>> -> memref<1x16x768xf32, #tpu.memory_space<vmem>>
          %get3A_1168 = tpu.memref_squeeze %get3A_1167 : memref<1x16x768xf32, #tpu.memory_space<vmem>> -> memref<16x768xf32, #tpu.memory_space<vmem>>
          %get3A_1169 = arith.index_cast %add3A_534 : i32 to index
          %get3A_1170 = arith.constant 384 : index
          %get3A_1171 = tpu.vector_load %get3A_1168[%get3A_1169, %get3A_1170] {strides = array<i32>} : memref<16x768xf32, #tpu.memory_space<vmem>>, vector<1x16xf32>,
          %get3A_1172 = vector.shape_cast %get3A_1171 : vector<1x16xf32> to vector<1x16xf32>
          %add3A_1173 = arith.addf %get3A_1164, %get3A_1172 : vector<1x16xf32>
          %swap3A_1174 = arith.constant 0 : i32
          %swap3A_1175 = arith.constant 0 : i32
          %swap3A_1176 = tpu.memref_slice %run_scoped3A_10[%rem3A_383, %swap3A_1174, %swap3A_1175] : memref<2x16x768xf32, #tpu.memory_space<vmem>> -> memref<1x16x768xf32, #tpu.memory_space<vmem>>
          %swap3A_1177 = tpu.memref_squeeze %swap3A_1176 : memref<1x16x768xf32, #tpu.memory_space<vmem>> -> memref<16x768xf32, #tpu.memory_space<vmem>>
          %swap3A_1178 = arith.index_cast %add3A_534 : i32 to index
          %swap3A_1179 = arith.constant 384 : index
          %swap3A_1180 = tpu.vector_load %swap3A_1177[%swap3A_1178, %swap3A_1179] {strides = array<i32>} : memref<16x768xf32, #tpu.memory_space<vmem>>, vector<1x16xf32>,
          %swap3A_1181 = vector.shape_cast %swap3A_1180 : vector<1x16xf32> to vector<1x16xf32>
          %swap3A_1182 = vector.shape_cast %add3A_1173 : vector<1x16xf32> to vector<1x16xf32>
          tpu.vector_store %swap3A_1177[%swap3A_1178, %swap3A_1179], %swap3A_1182 {strides = array<i32>} : memref<16x768xf32, #tpu.memory_space<vmem>>, vector<1x16xf32>,
          %get3A_1183 = arith.constant 0 : i32
          %get3A_1184 = arith.constant 0 : i32
          %get3A_1185 = tpu.memref_slice %run_scoped3A[%rem3A_379, %get3A_1183, %get3A_1184] : memref<2x16x768xf32, #tpu.memory_space<vmem>> -> memref<1x16x768xf32, #tpu.memory_space<vmem>>
          %get3A_1186 = tpu.memref_squeeze %get3A_1185 : memref<1x16x768xf32, #tpu.memory_space<vmem>> -> memref<16x768xf32, #tpu.memory_space<vmem>>
          %get3A_1187 = arith.index_cast %add3A_534 : i32 to index
          %get3A_1188 = arith.constant 400 : index
          %get3A_1189 = tpu.vector_load %get3A_1186[%get3A_1187, %get3A_1188] {strides = array<i32>} : memref<16x768xf32, #tpu.memory_space<vmem>>, vector<1x16xf32>,
          %get3A_1190 = vector.shape_cast %get3A_1189 : vector<1x16xf32> to vector<1x16xf32>
          %get3A_1191 = arith.constant 0 : i32
          %get3A_1192 = arith.constant 0 : i32
          %get3A_1193 = tpu.memref_slice %run_scoped3A_8[%rem3A_381, %get3A_1191, %get3A_1192] : memref<2x16x768xf32, #tpu.memory_space<vmem>> -> memref<1x16x768xf32, #tpu.memory_space<vmem>>
          %get3A_1194 = tpu.memref_squeeze %get3A_1193 : memref<1x16x768xf32, #tpu.memory_space<vmem>> -> memref<16x768xf32, #tpu.memory_space<vmem>>
          %get3A_1195 = arith.index_cast %add3A_534 : i32 to index
          %get3A_1196 = arith.constant 400 : index
          %get3A_1197 = tpu.vector_load %get3A_1194[%get3A_1195, %get3A_1196] {strides = array<i32>} : memref<16x768xf32, #tpu.memory_space<vmem>>, vector<1x16xf32>,
          %get3A_1198 = vector.shape_cast %get3A_1197 : vector<1x16xf32> to vector<1x16xf32>
          %add3A_1199 = arith.addf %get3A_1190, %get3A_1198 : vector<1x16xf32>
          %swap3A_1200 = arith.constant 0 : i32
          %swap3A_1201 = arith.constant 0 : i32
          %swap3A_1202 = tpu.memref_slice %run_scoped3A_10[%rem3A_383, %swap3A_1200, %swap3A_1201] : memref<2x16x768xf32, #tpu.memory_space<vmem>> -> memref<1x16x768xf32, #tpu.memory_space<vmem>>
          %swap3A_1203 = tpu.memref_squeeze %swap3A_1202 : memref<1x16x768xf32, #tpu.memory_space<vmem>> -> memref<16x768xf32, #tpu.memory_space<vmem>>
          %swap3A_1204 = arith.index_cast %add3A_534 : i32 to index
          %swap3A_1205 = arith.constant 400 : index
          %swap3A_1206 = tpu.vector_load %swap3A_1203[%swap3A_1204, %swap3A_1205] {strides = array<i32>} : memref<16x768xf32, #tpu.memory_space<vmem>>, vector<1x16xf32>,
          %swap3A_1207 = vector.shape_cast %swap3A_1206 : vector<1x16xf32> to vector<1x16xf32>
          %swap3A_1208 = vector.shape_cast %add3A_1199 : vector<1x16xf32> to vector<1x16xf32>
          tpu.vector_store %swap3A_1203[%swap3A_1204, %swap3A_1205], %swap3A_1208 {strides = array<i32>} : memref<16x768xf32, #tpu.memory_space<vmem>>, vector<1x16xf32>,
          %get3A_1209 = arith.constant 0 : i32
          %get3A_1210 = arith.constant 0 : i32
          %get3A_1211 = tpu.memref_slice %run_scoped3A[%rem3A_379, %get3A_1209, %get3A_1210] : memref<2x16x768xf32, #tpu.memory_space<vmem>> -> memref<1x16x768xf32, #tpu.memory_space<vmem>>
          %get3A_1212 = tpu.memref_squeeze %get3A_1211 : memref<1x16x768xf32, #tpu.memory_space<vmem>> -> memref<16x768xf32, #tpu.memory_space<vmem>>
          %get3A_1213 = arith.index_cast %add3A_534 : i32 to index
          %get3A_1214 = arith.constant 416 : index
          %get3A_1215 = tpu.vector_load %get3A_1212[%get3A_1213, %get3A_1214] {strides = array<i32>} : memref<16x768xf32, #tpu.memory_space<vmem>>, vector<1x16xf32>,
          %get3A_1216 = vector.shape_cast %get3A_1215 : vector<1x16xf32> to vector<1x16xf32>
          %get3A_1217 = arith.constant 0 : i32
          %get3A_1218 = arith.constant 0 : i32
          %get3A_1219 = tpu.memref_slice %run_scoped3A_8[%rem3A_381, %get3A_1217, %get3A_1218] : memref<2x16x768xf32, #tpu.memory_space<vmem>> -> memref<1x16x768xf32, #tpu.memory_space<vmem>>
          %get3A_1220 = tpu.memref_squeeze %get3A_1219 : memref<1x16x768xf32, #tpu.memory_space<vmem>> -> memref<16x768xf32, #tpu.memory_space<vmem>>
          %get3A_1221 = arith.index_cast %add3A_534 : i32 to index
          %get3A_1222 = arith.constant 416 : index
          %get3A_1223 = tpu.vector_load %get3A_1220[%get3A_1221, %get3A_1222] {strides = array<i32>} : memref<16x768xf32, #tpu.memory_space<vmem>>, vector<1x16xf32>,
          %get3A_1224 = vector.shape_cast %get3A_1223 : vector<1x16xf32> to vector<1x16xf32>
          %add3A_1225 = arith.addf %get3A_1216, %get3A_1224 : vector<1x16xf32>
          %swap3A_1226 = arith.constant 0 : i32
          %swap3A_1227 = arith.constant 0 : i32
          %swap3A_1228 = tpu.memref_slice %run_scoped3A_10[%rem3A_383, %swap3A_1226, %swap3A_1227] : memref<2x16x768xf32, #tpu.memory_space<vmem>> -> memref<1x16x768xf32, #tpu.memory_space<vmem>>
          %swap3A_1229 = tpu.memref_squeeze %swap3A_1228 : memref<1x16x768xf32, #tpu.memory_space<vmem>> -> memref<16x768xf32, #tpu.memory_space<vmem>>
          %swap3A_1230 = arith.index_cast %add3A_534 : i32 to index
          %swap3A_1231 = arith.constant 416 : index
          %swap3A_1232 = tpu.vector_load %swap3A_1229[%swap3A_1230, %swap3A_1231] {strides = array<i32>} : memref<16x768xf32, #tpu.memory_space<vmem>>, vector<1x16xf32>,
          %swap3A_1233 = vector.shape_cast %swap3A_1232 : vector<1x16xf32> to vector<1x16xf32>
          %swap3A_1234 = vector.shape_cast %add3A_1225 : vector<1x16xf32> to vector<1x16xf32>
          tpu.vector_store %swap3A_1229[%swap3A_1230, %swap3A_1231], %swap3A_1234 {strides = array<i32>} : memref<16x768xf32, #tpu.memory_space<vmem>>, vector<1x16xf32>,
          %get3A_1235 = arith.constant 0 : i32
          %get3A_1236 = arith.constant 0 : i32
          %get3A_1237 = tpu.memref_slice %run_scoped3A[%rem3A_379, %get3A_1235, %get3A_1236] : memref<2x16x768xf32, #tpu.memory_space<vmem>> -> memref<1x16x768xf32, #tpu.memory_space<vmem>>
          %get3A_1238 = tpu.memref_squeeze %get3A_1237 : memref<1x16x768xf32, #tpu.memory_space<vmem>> -> memref<16x768xf32, #tpu.memory_space<vmem>>
          %get3A_1239 = arith.index_cast %add3A_534 : i32 to index
          %get3A_1240 = arith.constant 432 : index
          %get3A_1241 = tpu.vector_load %get3A_1238[%get3A_1239, %get3A_1240] {strides = array<i32>} : memref<16x768xf32, #tpu.memory_space<vmem>>, vector<1x16xf32>,
          %get3A_1242 = vector.shape_cast %get3A_1241 : vector<1x16xf32> to vector<1x16xf32>
          %get3A_1243 = arith.constant 0 : i32
          %get3A_1244 = arith.constant 0 : i32
          %get3A_1245 = tpu.memref_slice %run_scoped3A_8[%rem3A_381, %get3A_1243, %get3A_1244] : memref<2x16x768xf32, #tpu.memory_space<vmem>> -> memref<1x16x768xf32, #tpu.memory_space<vmem>>
          %get3A_1246 = tpu.memref_squeeze %get3A_1245 : memref<1x16x768xf32, #tpu.memory_space<vmem>> -> memref<16x768xf32, #tpu.memory_space<vmem>>
          %get3A_1247 = arith.index_cast %add3A_534 : i32 to index
          %get3A_1248 = arith.constant 432 : index
          %get3A_1249 = tpu.vector_load %get3A_1246[%get3A_1247, %get3A_1248] {strides = array<i32>} : memref<16x768xf32, #tpu.memory_space<vmem>>, vector<1x16xf32>,
          %get3A_1250 = vector.shape_cast %get3A_1249 : vector<1x16xf32> to vector<1x16xf32>
          %add3A_1251 = arith.addf %get3A_1242, %get3A_1250 : vector<1x16xf32>
          %swap3A_1252 = arith.constant 0 : i32
          %swap3A_1253 = arith.constant 0 : i32
          %swap3A_1254 = tpu.memref_slice %run_scoped3A_10[%rem3A_383, %swap3A_1252, %swap3A_1253] : memref<2x16x768xf32, #tpu.memory_space<vmem>> -> memref<1x16x768xf32, #tpu.memory_space<vmem>>
          %swap3A_1255 = tpu.memref_squeeze %swap3A_1254 : memref<1x16x768xf32, #tpu.memory_space<vmem>> -> memref<16x768xf32, #tpu.memory_space<vmem>>
          %swap3A_1256 = arith.index_cast %add3A_534 : i32 to index
          %swap3A_1257 = arith.constant 432 : index
          %swap3A_1258 = tpu.vector_load %swap3A_1255[%swap3A_1256, %swap3A_1257] {strides = array<i32>} : memref<16x768xf32, #tpu.memory_space<vmem>>, vector<1x16xf32>,
          %swap3A_1259 = vector.shape_cast %swap3A_1258 : vector<1x16xf32> to vector<1x16xf32>
          %swap3A_1260 = vector.shape_cast %add3A_1251 : vector<1x16xf32> to vector<1x16xf32>
          tpu.vector_store %swap3A_1255[%swap3A_1256, %swap3A_1257], %swap3A_1260 {strides = array<i32>} : memref<16x768xf32, #tpu.memory_space<vmem>>, vector<1x16xf32>,
          %get3A_1261 = arith.constant 0 : i32
          %get3A_1262 = arith.constant 0 : i32
          %get3A_1263 = tpu.memref_slice %run_scoped3A[%rem3A_379, %get3A_1261, %get3A_1262] : memref<2x16x768xf32, #tpu.memory_space<vmem>> -> memref<1x16x768xf32, #tpu.memory_space<vmem>>
          %get3A_1264 = tpu.memref_squeeze %get3A_1263 : memref<1x16x768xf32, #tpu.memory_space<vmem>> -> memref<16x768xf32, #tpu.memory_space<vmem>>
          %get3A_1265 = arith.index_cast %add3A_534 : i32 to index
          %get3A_1266 = arith.constant 448 : index
          %get3A_1267 = tpu.vector_load %get3A_1264[%get3A_1265, %get3A_1266] {strides = array<i32>} : memref<16x768xf32, #tpu.memory_space<vmem>>, vector<1x16xf32>,
          %get3A_1268 = vector.shape_cast %get3A_1267 : vector<1x16xf32> to vector<1x16xf32>
          %get3A_1269 = arith.constant 0 : i32
          %get3A_1270 = arith.constant 0 : i32
          %get3A_1271 = tpu.memref_slice %run_scoped3A_8[%rem3A_381, %get3A_1269, %get3A_1270] : memref<2x16x768xf32, #tpu.memory_space<vmem>> -> memref<1x16x768xf32, #tpu.memory_space<vmem>>
          %get3A_1272 = tpu.memref_squeeze %get3A_1271 : memref<1x16x768xf32, #tpu.memory_space<vmem>> -> memref<16x768xf32, #tpu.memory_space<vmem>>
          %get3A_1273 = arith.index_cast %add3A_534 : i32 to index
          %get3A_1274 = arith.constant 448 : index
          %get3A_1275 = tpu.vector_load %get3A_1272[%get3A_1273, %get3A_1274] {strides = array<i32>} : memref<16x768xf32, #tpu.memory_space<vmem>>, vector<1x16xf32>,
          %get3A_1276 = vector.shape_cast %get3A_1275 : vector<1x16xf32> to vector<1x16xf32>
          %add3A_1277 = arith.addf %get3A_1268, %get3A_1276 : vector<1x16xf32>
          %swap3A_1278 = arith.constant 0 : i32
          %swap3A_1279 = arith.constant 0 : i32
          %swap3A_1280 = tpu.memref_slice %run_scoped3A_10[%rem3A_383, %swap3A_1278, %swap3A_1279] : memref<2x16x768xf32, #tpu.memory_space<vmem>> -> memref<1x16x768xf32, #tpu.memory_space<vmem>>
          %swap3A_1281 = tpu.memref_squeeze %swap3A_1280 : memref<1x16x768xf32, #tpu.memory_space<vmem>> -> memref<16x768xf32, #tpu.memory_space<vmem>>
          %swap3A_1282 = arith.index_cast %add3A_534 : i32 to index
          %swap3A_1283 = arith.constant 448 : index
          %swap3A_1284 = tpu.vector_load %swap3A_1281[%swap3A_1282, %swap3A_1283] {strides = array<i32>} : memref<16x768xf32, #tpu.memory_space<vmem>>, vector<1x16xf32>,
          %swap3A_1285 = vector.shape_cast %swap3A_1284 : vector<1x16xf32> to vector<1x16xf32>
          %swap3A_1286 = vector.shape_cast %add3A_1277 : vector<1x16xf32> to vector<1x16xf32>
          tpu.vector_store %swap3A_1281[%swap3A_1282, %swap3A_1283], %swap3A_1286 {strides = array<i32>} : memref<16x768xf32, #tpu.memory_space<vmem>>, vector<1x16xf32>,
          %get3A_1287 = arith.constant 0 : i32
          %get3A_1288 = arith.constant 0 : i32
          %get3A_1289 = tpu.memref_slice %run_scoped3A[%rem3A_379, %get3A_1287, %get3A_1288] : memref<2x16x768xf32, #tpu.memory_space<vmem>> -> memref<1x16x768xf32, #tpu.memory_space<vmem>>
          %get3A_1290 = tpu.memref_squeeze %get3A_1289 : memref<1x16x768xf32, #tpu.memory_space<vmem>> -> memref<16x768xf32, #tpu.memory_space<vmem>>
          %get3A_1291 = arith.index_cast %add3A_534 : i32 to index
          %get3A_1292 = arith.constant 464 : index
          %get3A_1293 = tpu.vector_load %get3A_1290[%get3A_1291, %get3A_1292] {strides = array<i32>} : memref<16x768xf32, #tpu.memory_space<vmem>>, vector<1x16xf32>,
          %get3A_1294 = vector.shape_cast %get3A_1293 : vector<1x16xf32> to vector<1x16xf32>
          %get3A_1295 = arith.constant 0 : i32
          %get3A_1296 = arith.constant 0 : i32
          %get3A_1297 = tpu.memref_slice %run_scoped3A_8[%rem3A_381, %get3A_1295, %get3A_1296] : memref<2x16x768xf32, #tpu.memory_space<vmem>> -> memref<1x16x768xf32, #tpu.memory_space<vmem>>
          %get3A_1298 = tpu.memref_squeeze %get3A_1297 : memref<1x16x768xf32, #tpu.memory_space<vmem>> -> memref<16x768xf32, #tpu.memory_space<vmem>>
          %get3A_1299 = arith.index_cast %add3A_534 : i32 to index
          %get3A_1300 = arith.constant 464 : index
          %get3A_1301 = tpu.vector_load %get3A_1298[%get3A_1299, %get3A_1300] {strides = array<i32>} : memref<16x768xf32, #tpu.memory_space<vmem>>, vector<1x16xf32>,
          %get3A_1302 = vector.shape_cast %get3A_1301 : vector<1x16xf32> to vector<1x16xf32>
          %add3A_1303 = arith.addf %get3A_1294, %get3A_1302 : vector<1x16xf32>
          %swap3A_1304 = arith.constant 0 : i32
          %swap3A_1305 = arith.constant 0 : i32
          %swap3A_1306 = tpu.memref_slice %run_scoped3A_10[%rem3A_383, %swap3A_1304, %swap3A_1305] : memref<2x16x768xf32, #tpu.memory_space<vmem>> -> memref<1x16x768xf32, #tpu.memory_space<vmem>>
          %swap3A_1307 = tpu.memref_squeeze %swap3A_1306 : memref<1x16x768xf32, #tpu.memory_space<vmem>> -> memref<16x768xf32, #tpu.memory_space<vmem>>
          %swap3A_1308 = arith.index_cast %add3A_534 : i32 to index
          %swap3A_1309 = arith.constant 464 : index
          %swap3A_1310 = tpu.vector_load %swap3A_1307[%swap3A_1308, %swap3A_1309] {strides = array<i32>} : memref<16x768xf32, #tpu.memory_space<vmem>>, vector<1x16xf32>,
          %swap3A_1311 = vector.shape_cast %swap3A_1310 : vector<1x16xf32> to vector<1x16xf32>
          %swap3A_1312 = vector.shape_cast %add3A_1303 : vector<1x16xf32> to vector<1x16xf32>
          tpu.vector_store %swap3A_1307[%swap3A_1308, %swap3A_1309], %swap3A_1312 {strides = array<i32>} : memref<16x768xf32, #tpu.memory_space<vmem>>, vector<1x16xf32>,
          %get3A_1313 = arith.constant 0 : i32
          %get3A_1314 = arith.constant 0 : i32
          %get3A_1315 = tpu.memref_slice %run_scoped3A[%rem3A_379, %get3A_1313, %get3A_1314] : memref<2x16x768xf32, #tpu.memory_space<vmem>> -> memref<1x16x768xf32, #tpu.memory_space<vmem>>
          %get3A_1316 = tpu.memref_squeeze %get3A_1315 : memref<1x16x768xf32, #tpu.memory_space<vmem>> -> memref<16x768xf32, #tpu.memory_space<vmem>>
          %get3A_1317 = arith.index_cast %add3A_534 : i32 to index
          %get3A_1318 = arith.constant 480 : index
          %get3A_1319 = tpu.vector_load %get3A_1316[%get3A_1317, %get3A_1318] {strides = array<i32>} : memref<16x768xf32, #tpu.memory_space<vmem>>, vector<1x16xf32>,
          %get3A_1320 = vector.shape_cast %get3A_1319 : vector<1x16xf32> to vector<1x16xf32>
          %get3A_1321 = arith.constant 0 : i32
          %get3A_1322 = arith.constant 0 : i32
          %get3A_1323 = tpu.memref_slice %run_scoped3A_8[%rem3A_381, %get3A_1321, %get3A_1322] : memref<2x16x768xf32, #tpu.memory_space<vmem>> -> memref<1x16x768xf32, #tpu.memory_space<vmem>>
          %get3A_1324 = tpu.memref_squeeze %get3A_1323 : memref<1x16x768xf32, #tpu.memory_space<vmem>> -> memref<16x768xf32, #tpu.memory_space<vmem>>
          %get3A_1325 = arith.index_cast %add3A_534 : i32 to index
          %get3A_1326 = arith.constant 480 : index
          %get3A_1327 = tpu.vector_load %get3A_1324[%get3A_1325, %get3A_1326] {strides = array<i32>} : memref<16x768xf32, #tpu.memory_space<vmem>>, vector<1x16xf32>,
          %get3A_1328 = vector.shape_cast %get3A_1327 : vector<1x16xf32> to vector<1x16xf32>
          %add3A_1329 = arith.addf %get3A_1320, %get3A_1328 : vector<1x16xf32>
          %swap3A_1330 = arith.constant 0 : i32
          %swap3A_1331 = arith.constant 0 : i32
          %swap3A_1332 = tpu.memref_slice %run_scoped3A_10[%rem3A_383, %swap3A_1330, %swap3A_1331] : memref<2x16x768xf32, #tpu.memory_space<vmem>> -> memref<1x16x768xf32, #tpu.memory_space<vmem>>
          %swap3A_1333 = tpu.memref_squeeze %swap3A_1332 : memref<1x16x768xf32, #tpu.memory_space<vmem>> -> memref<16x768xf32, #tpu.memory_space<vmem>>
          %swap3A_1334 = arith.index_cast %add3A_534 : i32 to index
          %swap3A_1335 = arith.constant 480 : index
          %swap3A_1336 = tpu.vector_load %swap3A_1333[%swap3A_1334, %swap3A_1335] {strides = array<i32>} : memref<16x768xf32, #tpu.memory_space<vmem>>, vector<1x16xf32>,
          %swap3A_1337 = vector.shape_cast %swap3A_1336 : vector<1x16xf32> to vector<1x16xf32>
          %swap3A_1338 = vector.shape_cast %add3A_1329 : vector<1x16xf32> to vector<1x16xf32>
          tpu.vector_store %swap3A_1333[%swap3A_1334, %swap3A_1335], %swap3A_1338 {strides = array<i32>} : memref<16x768xf32, #tpu.memory_space<vmem>>, vector<1x16xf32>,
          %get3A_1339 = arith.constant 0 : i32
          %get3A_1340 = arith.constant 0 : i32
          %get3A_1341 = tpu.memref_slice %run_scoped3A[%rem3A_379, %get3A_1339, %get3A_1340] : memref<2x16x768xf32, #tpu.memory_space<vmem>> -> memref<1x16x768xf32, #tpu.memory_space<vmem>>
          %get3A_1342 = tpu.memref_squeeze %get3A_1341 : memref<1x16x768xf32, #tpu.memory_space<vmem>> -> memref<16x768xf32, #tpu.memory_space<vmem>>
          %get3A_1343 = arith.index_cast %add3A_534 : i32 to index
          %get3A_1344 = arith.constant 496 : index
          %get3A_1345 = tpu.vector_load %get3A_1342[%get3A_1343, %get3A_1344] {strides = array<i32>} : memref<16x768xf32, #tpu.memory_space<vmem>>, vector<1x16xf32>,
          %get3A_1346 = vector.shape_cast %get3A_1345 : vector<1x16xf32> to vector<1x16xf32>
          %get3A_1347 = arith.constant 0 : i32
          %get3A_1348 = arith.constant 0 : i32
          %get3A_1349 = tpu.memref_slice %run_scoped3A_8[%rem3A_381, %get3A_1347, %get3A_1348] : memref<2x16x768xf32, #tpu.memory_space<vmem>> -> memref<1x16x768xf32, #tpu.memory_space<vmem>>
          %get3A_1350 = tpu.memref_squeeze %get3A_1349 : memref<1x16x768xf32, #tpu.memory_space<vmem>> -> memref<16x768xf32, #tpu.memory_space<vmem>>
          %get3A_1351 = arith.index_cast %add3A_534 : i32 to index
          %get3A_1352 = arith.constant 496 : index
          %get3A_1353 = tpu.vector_load %get3A_1350[%get3A_1351, %get3A_1352] {strides = array<i32>} : memref<16x768xf32, #tpu.memory_space<vmem>>, vector<1x16xf32>,
          %get3A_1354 = vector.shape_cast %get3A_1353 : vector<1x16xf32> to vector<1x16xf32>
          %add3A_1355 = arith.addf %get3A_1346, %get3A_1354 : vector<1x16xf32>
          %swap3A_1356 = arith.constant 0 : i32
          %swap3A_1357 = arith.constant 0 : i32
          %swap3A_1358 = tpu.memref_slice %run_scoped3A_10[%rem3A_383, %swap3A_1356, %swap3A_1357] : memref<2x16x768xf32, #tpu.memory_space<vmem>> -> memref<1x16x768xf32, #tpu.memory_space<vmem>>
          %swap3A_1359 = tpu.memref_squeeze %swap3A_1358 : memref<1x16x768xf32, #tpu.memory_space<vmem>> -> memref<16x768xf32, #tpu.memory_space<vmem>>
          %swap3A_1360 = arith.index_cast %add3A_534 : i32 to index
          %swap3A_1361 = arith.constant 496 : index
          %swap3A_1362 = tpu.vector_load %swap3A_1359[%swap3A_1360, %swap3A_1361] {strides = array<i32>} : memref<16x768xf32, #tpu.memory_space<vmem>>, vector<1x16xf32>,
          %swap3A_1363 = vector.shape_cast %swap3A_1362 : vector<1x16xf32> to vector<1x16xf32>
          %swap3A_1364 = vector.shape_cast %add3A_1355 : vector<1x16xf32> to vector<1x16xf32>
          tpu.vector_store %swap3A_1359[%swap3A_1360, %swap3A_1361], %swap3A_1364 {strides = array<i32>} : memref<16x768xf32, #tpu.memory_space<vmem>>, vector<1x16xf32>,
          %get3A_1365 = arith.constant 0 : i32
          %get3A_1366 = arith.constant 0 : i32
          %get3A_1367 = tpu.memref_slice %run_scoped3A[%rem3A_379, %get3A_1365, %get3A_1366] : memref<2x16x768xf32, #tpu.memory_space<vmem>> -> memref<1x16x768xf32, #tpu.memory_space<vmem>>
          %get3A_1368 = tpu.memref_squeeze %get3A_1367 : memref<1x16x768xf32, #tpu.memory_space<vmem>> -> memref<16x768xf32, #tpu.memory_space<vmem>>
          %get3A_1369 = arith.index_cast %add3A_534 : i32 to index
          %get3A_1370 = arith.constant 512 : index
          %get3A_1371 = tpu.vector_load %get3A_1368[%get3A_1369, %get3A_1370] {strides = array<i32>} : memref<16x768xf32, #tpu.memory_space<vmem>>, vector<1x16xf32>,
          %get3A_1372 = vector.shape_cast %get3A_1371 : vector<1x16xf32> to vector<1x16xf32>
          %get3A_1373 = arith.constant 0 : i32
          %get3A_1374 = arith.constant 0 : i32
          %get3A_1375 = tpu.memref_slice %run_scoped3A_8[%rem3A_381, %get3A_1373, %get3A_1374] : memref<2x16x768xf32, #tpu.memory_space<vmem>> -> memref<1x16x768xf32, #tpu.memory_space<vmem>>
          %get3A_1376 = tpu.memref_squeeze %get3A_1375 : memref<1x16x768xf32, #tpu.memory_space<vmem>> -> memref<16x768xf32, #tpu.memory_space<vmem>>
          %get3A_1377 = arith.index_cast %add3A_534 : i32 to index
          %get3A_1378 = arith.constant 512 : index
          %get3A_1379 = tpu.vector_load %get3A_1376[%get3A_1377, %get3A_1378] {strides = array<i32>} : memref<16x768xf32, #tpu.memory_space<vmem>>, vector<1x16xf32>,
          %get3A_1380 = vector.shape_cast %get3A_1379 : vector<1x16xf32> to vector<1x16xf32>
          %add3A_1381 = arith.addf %get3A_1372, %get3A_1380 : vector<1x16xf32>
          %swap3A_1382 = arith.constant 0 : i32
          %swap3A_1383 = arith.constant 0 : i32
          %swap3A_1384 = tpu.memref_slice %run_scoped3A_10[%rem3A_383, %swap3A_1382, %swap3A_1383] : memref<2x16x768xf32, #tpu.memory_space<vmem>> -> memref<1x16x768xf32, #tpu.memory_space<vmem>>
          %swap3A_1385 = tpu.memref_squeeze %swap3A_1384 : memref<1x16x768xf32, #tpu.memory_space<vmem>> -> memref<16x768xf32, #tpu.memory_space<vmem>>
          %swap3A_1386 = arith.index_cast %add3A_534 : i32 to index
          %swap3A_1387 = arith.constant 512 : index
          %swap3A_1388 = tpu.vector_load %swap3A_1385[%swap3A_1386, %swap3A_1387] {strides = array<i32>} : memref<16x768xf32, #tpu.memory_space<vmem>>, vector<1x16xf32>,
          %swap3A_1389 = vector.shape_cast %swap3A_1388 : vector<1x16xf32> to vector<1x16xf32>
          %swap3A_1390 = vector.shape_cast %add3A_1381 : vector<1x16xf32> to vector<1x16xf32>
          tpu.vector_store %swap3A_1385[%swap3A_1386, %swap3A_1387], %swap3A_1390 {strides = array<i32>} : memref<16x768xf32, #tpu.memory_space<vmem>>, vector<1x16xf32>,
          %get3A_1391 = arith.constant 0 : i32
          %get3A_1392 = arith.constant 0 : i32
          %get3A_1393 = tpu.memref_slice %run_scoped3A[%rem3A_379, %get3A_1391, %get3A_1392] : memref<2x16x768xf32, #tpu.memory_space<vmem>> -> memref<1x16x768xf32, #tpu.memory_space<vmem>>
          %get3A_1394 = tpu.memref_squeeze %get3A_1393 : memref<1x16x768xf32, #tpu.memory_space<vmem>> -> memref<16x768xf32, #tpu.memory_space<vmem>>
          %get3A_1395 = arith.index_cast %add3A_534 : i32 to index
          %get3A_1396 = arith.constant 528 : index
          %get3A_1397 = tpu.vector_load %get3A_1394[%get3A_1395, %get3A_1396] {strides = array<i32>} : memref<16x768xf32, #tpu.memory_space<vmem>>, vector<1x16xf32>,
          %get3A_1398 = vector.shape_cast %get3A_1397 : vector<1x16xf32> to vector<1x16xf32>
          %get3A_1399 = arith.constant 0 : i32
          %get3A_1400 = arith.constant 0 : i32
          %get3A_1401 = tpu.memref_slice %run_scoped3A_8[%rem3A_381, %get3A_1399, %get3A_1400] : memref<2x16x768xf32, #tpu.memory_space<vmem>> -> memref<1x16x768xf32, #tpu.memory_space<vmem>>
          %get3A_1402 = tpu.memref_squeeze %get3A_1401 : memref<1x16x768xf32, #tpu.memory_space<vmem>> -> memref<16x768xf32, #tpu.memory_space<vmem>>
          %get3A_1403 = arith.index_cast %add3A_534 : i32 to index
          %get3A_1404 = arith.constant 528 : index
          %get3A_1405 = tpu.vector_load %get3A_1402[%get3A_1403, %get3A_1404] {strides = array<i32>} : memref<16x768xf32, #tpu.memory_space<vmem>>, vector<1x16xf32>,
          %get3A_1406 = vector.shape_cast %get3A_1405 : vector<1x16xf32> to vector<1x16xf32>
          %add3A_1407 = arith.addf %get3A_1398, %get3A_1406 : vector<1x16xf32>
          %swap3A_1408 = arith.constant 0 : i32
          %swap3A_1409 = arith.constant 0 : i32
          %swap3A_1410 = tpu.memref_slice %run_scoped3A_10[%rem3A_383, %swap3A_1408, %swap3A_1409] : memref<2x16x768xf32, #tpu.memory_space<vmem>> -> memref<1x16x768xf32, #tpu.memory_space<vmem>>
          %swap3A_1411 = tpu.memref_squeeze %swap3A_1410 : memref<1x16x768xf32, #tpu.memory_space<vmem>> -> memref<16x768xf32, #tpu.memory_space<vmem>>
          %swap3A_1412 = arith.index_cast %add3A_534 : i32 to index
          %swap3A_1413 = arith.constant 528 : index
          %swap3A_1414 = tpu.vector_load %swap3A_1411[%swap3A_1412, %swap3A_1413] {strides = array<i32>} : memref<16x768xf32, #tpu.memory_space<vmem>>, vector<1x16xf32>,
          %swap3A_1415 = vector.shape_cast %swap3A_1414 : vector<1x16xf32> to vector<1x16xf32>
          %swap3A_1416 = vector.shape_cast %add3A_1407 : vector<1x16xf32> to vector<1x16xf32>
          tpu.vector_store %swap3A_1411[%swap3A_1412, %swap3A_1413], %swap3A_1416 {strides = array<i32>} : memref<16x768xf32, #tpu.memory_space<vmem>>, vector<1x16xf32>,
          %get3A_1417 = arith.constant 0 : i32
          %get3A_1418 = arith.constant 0 : i32
          %get3A_1419 = tpu.memref_slice %run_scoped3A[%rem3A_379, %get3A_1417, %get3A_1418] : memref<2x16x768xf32, #tpu.memory_space<vmem>> -> memref<1x16x768xf32, #tpu.memory_space<vmem>>
          %get3A_1420 = tpu.memref_squeeze %get3A_1419 : memref<1x16x768xf32, #tpu.memory_space<vmem>> -> memref<16x768xf32, #tpu.memory_space<vmem>>
          %get3A_1421 = arith.index_cast %add3A_534 : i32 to index
          %get3A_1422 = arith.constant 544 : index
          %get3A_1423 = tpu.vector_load %get3A_1420[%get3A_1421, %get3A_1422] {strides = array<i32>} : memref<16x768xf32, #tpu.memory_space<vmem>>, vector<1x16xf32>,
          %get3A_1424 = vector.shape_cast %get3A_1423 : vector<1x16xf32> to vector<1x16xf32>
          %get3A_1425 = arith.constant 0 : i32
          %get3A_1426 = arith.constant 0 : i32
          %get3A_1427 = tpu.memref_slice %run_scoped3A_8[%rem3A_381, %get3A_1425, %get3A_1426] : memref<2x16x768xf32, #tpu.memory_space<vmem>> -> memref<1x16x768xf32, #tpu.memory_space<vmem>>
          %get3A_1428 = tpu.memref_squeeze %get3A_1427 : memref<1x16x768xf32, #tpu.memory_space<vmem>> -> memref<16x768xf32, #tpu.memory_space<vmem>>
          %get3A_1429 = arith.index_cast %add3A_534 : i32 to index
          %get3A_1430 = arith.constant 544 : index
          %get3A_1431 = tpu.vector_load %get3A_1428[%get3A_1429, %get3A_1430] {strides = array<i32>} : memref<16x768xf32, #tpu.memory_space<vmem>>, vector<1x16xf32>,
          %get3A_1432 = vector.shape_cast %get3A_1431 : vector<1x16xf32> to vector<1x16xf32>
          %add3A_1433 = arith.addf %get3A_1424, %get3A_1432 : vector<1x16xf32>
          %swap3A_1434 = arith.constant 0 : i32
          %swap3A_1435 = arith.constant 0 : i32
          %swap3A_1436 = tpu.memref_slice %run_scoped3A_10[%rem3A_383, %swap3A_1434, %swap3A_1435] : memref<2x16x768xf32, #tpu.memory_space<vmem>> -> memref<1x16x768xf32, #tpu.memory_space<vmem>>
          %swap3A_1437 = tpu.memref_squeeze %swap3A_1436 : memref<1x16x768xf32, #tpu.memory_space<vmem>> -> memref<16x768xf32, #tpu.memory_space<vmem>>
          %swap3A_1438 = arith.index_cast %add3A_534 : i32 to index
          %swap3A_1439 = arith.constant 544 : index
          %swap3A_1440 = tpu.vector_load %swap3A_1437[%swap3A_1438, %swap3A_1439] {strides = array<i32>} : memref<16x768xf32, #tpu.memory_space<vmem>>, vector<1x16xf32>,
          %swap3A_1441 = vector.shape_cast %swap3A_1440 : vector<1x16xf32> to vector<1x16xf32>
          %swap3A_1442 = vector.shape_cast %add3A_1433 : vector<1x16xf32> to vector<1x16xf32>
          tpu.vector_store %swap3A_1437[%swap3A_1438, %swap3A_1439], %swap3A_1442 {strides = array<i32>} : memref<16x768xf32, #tpu.memory_space<vmem>>, vector<1x16xf32>,
          %get3A_1443 = arith.constant 0 : i32
          %get3A_1444 = arith.constant 0 : i32
          %get3A_1445 = tpu.memref_slice %run_scoped3A[%rem3A_379, %get3A_1443, %get3A_1444] : memref<2x16x768xf32, #tpu.memory_space<vmem>> -> memref<1x16x768xf32, #tpu.memory_space<vmem>>
          %get3A_1446 = tpu.memref_squeeze %get3A_1445 : memref<1x16x768xf32, #tpu.memory_space<vmem>> -> memref<16x768xf32, #tpu.memory_space<vmem>>
          %get3A_1447 = arith.index_cast %add3A_534 : i32 to index
          %get3A_1448 = arith.constant 560 : index
          %get3A_1449 = tpu.vector_load %get3A_1446[%get3A_1447, %get3A_1448] {strides = array<i32>} : memref<16x768xf32, #tpu.memory_space<vmem>>, vector<1x16xf32>,
          %get3A_1450 = vector.shape_cast %get3A_1449 : vector<1x16xf32> to vector<1x16xf32>
          %get3A_1451 = arith.constant 0 : i32
          %get3A_1452 = arith.constant 0 : i32
          %get3A_1453 = tpu.memref_slice %run_scoped3A_8[%rem3A_381, %get3A_1451, %get3A_1452] : memref<2x16x768xf32, #tpu.memory_space<vmem>> -> memref<1x16x768xf32, #tpu.memory_space<vmem>>
          %get3A_1454 = tpu.memref_squeeze %get3A_1453 : memref<1x16x768xf32, #tpu.memory_space<vmem>> -> memref<16x768xf32, #tpu.memory_space<vmem>>
          %get3A_1455 = arith.index_cast %add3A_534 : i32 to index
          %get3A_1456 = arith.constant 560 : index
          %get3A_1457 = tpu.vector_load %get3A_1454[%get3A_1455, %get3A_1456] {strides = array<i32>} : memref<16x768xf32, #tpu.memory_space<vmem>>, vector<1x16xf32>,
          %get3A_1458 = vector.shape_cast %get3A_1457 : vector<1x16xf32> to vector<1x16xf32>
          %add3A_1459 = arith.addf %get3A_1450, %get3A_1458 : vector<1x16xf32>
          %swap3A_1460 = arith.constant 0 : i32
          %swap3A_1461 = arith.constant 0 : i32
          %swap3A_1462 = tpu.memref_slice %run_scoped3A_10[%rem3A_383, %swap3A_1460, %swap3A_1461] : memref<2x16x768xf32, #tpu.memory_space<vmem>> -> memref<1x16x768xf32, #tpu.memory_space<vmem>>
          %swap3A_1463 = tpu.memref_squeeze %swap3A_1462 : memref<1x16x768xf32, #tpu.memory_space<vmem>> -> memref<16x768xf32, #tpu.memory_space<vmem>>
          %swap3A_1464 = arith.index_cast %add3A_534 : i32 to index
          %swap3A_1465 = arith.constant 560 : index
          %swap3A_1466 = tpu.vector_load %swap3A_1463[%swap3A_1464, %swap3A_1465] {strides = array<i32>} : memref<16x768xf32, #tpu.memory_space<vmem>>, vector<1x16xf32>,
          %swap3A_1467 = vector.shape_cast %swap3A_1466 : vector<1x16xf32> to vector<1x16xf32>
          %swap3A_1468 = vector.shape_cast %add3A_1459 : vector<1x16xf32> to vector<1x16xf32>
          tpu.vector_store %swap3A_1463[%swap3A_1464, %swap3A_1465], %swap3A_1468 {strides = array<i32>} : memref<16x768xf32, #tpu.memory_space<vmem>>, vector<1x16xf32>,
          %get3A_1469 = arith.constant 0 : i32
          %get3A_1470 = arith.constant 0 : i32
          %get3A_1471 = tpu.memref_slice %run_scoped3A[%rem3A_379, %get3A_1469, %get3A_1470] : memref<2x16x768xf32, #tpu.memory_space<vmem>> -> memref<1x16x768xf32, #tpu.memory_space<vmem>>
          %get3A_1472 = tpu.memref_squeeze %get3A_1471 : memref<1x16x768xf32, #tpu.memory_space<vmem>> -> memref<16x768xf32, #tpu.memory_space<vmem>>
          %get3A_1473 = arith.index_cast %add3A_534 : i32 to index
          %get3A_1474 = arith.constant 576 : index
          %get3A_1475 = tpu.vector_load %get3A_1472[%get3A_1473, %get3A_1474] {strides = array<i32>} : memref<16x768xf32, #tpu.memory_space<vmem>>, vector<1x16xf32>,
          %get3A_1476 = vector.shape_cast %get3A_1475 : vector<1x16xf32> to vector<1x16xf32>
          %get3A_1477 = arith.constant 0 : i32
          %get3A_1478 = arith.constant 0 : i32
          %get3A_1479 = tpu.memref_slice %run_scoped3A_8[%rem3A_381, %get3A_1477, %get3A_1478] : memref<2x16x768xf32, #tpu.memory_space<vmem>> -> memref<1x16x768xf32, #tpu.memory_space<vmem>>
          %get3A_1480 = tpu.memref_squeeze %get3A_1479 : memref<1x16x768xf32, #tpu.memory_space<vmem>> -> memref<16x768xf32, #tpu.memory_space<vmem>>
          %get3A_1481 = arith.index_cast %add3A_534 : i32 to index
          %get3A_1482 = arith.constant 576 : index
          %get3A_1483 = tpu.vector_load %get3A_1480[%get3A_1481, %get3A_1482] {strides = array<i32>} : memref<16x768xf32, #tpu.memory_space<vmem>>, vector<1x16xf32>,
          %get3A_1484 = vector.shape_cast %get3A_1483 : vector<1x16xf32> to vector<1x16xf32>
          %add3A_1485 = arith.addf %get3A_1476, %get3A_1484 : vector<1x16xf32>
          %swap3A_1486 = arith.constant 0 : i32
          %swap3A_1487 = arith.constant 0 : i32
          %swap3A_1488 = tpu.memref_slice %run_scoped3A_10[%rem3A_383, %swap3A_1486, %swap3A_1487] : memref<2x16x768xf32, #tpu.memory_space<vmem>> -> memref<1x16x768xf32, #tpu.memory_space<vmem>>
          %swap3A_1489 = tpu.memref_squeeze %swap3A_1488 : memref<1x16x768xf32, #tpu.memory_space<vmem>> -> memref<16x768xf32, #tpu.memory_space<vmem>>
          %swap3A_1490 = arith.index_cast %add3A_534 : i32 to index
          %swap3A_1491 = arith.constant 576 : index
          %swap3A_1492 = tpu.vector_load %swap3A_1489[%swap3A_1490, %swap3A_1491] {strides = array<i32>} : memref<16x768xf32, #tpu.memory_space<vmem>>, vector<1x16xf32>,
          %swap3A_1493 = vector.shape_cast %swap3A_1492 : vector<1x16xf32> to vector<1x16xf32>
          %swap3A_1494 = vector.shape_cast %add3A_1485 : vector<1x16xf32> to vector<1x16xf32>
          tpu.vector_store %swap3A_1489[%swap3A_1490, %swap3A_1491], %swap3A_1494 {strides = array<i32>} : memref<16x768xf32, #tpu.memory_space<vmem>>, vector<1x16xf32>,
          %get3A_1495 = arith.constant 0 : i32
          %get3A_1496 = arith.constant 0 : i32
          %get3A_1497 = tpu.memref_slice %run_scoped3A[%rem3A_379, %get3A_1495, %get3A_1496] : memref<2x16x768xf32, #tpu.memory_space<vmem>> -> memref<1x16x768xf32, #tpu.memory_space<vmem>>
          %get3A_1498 = tpu.memref_squeeze %get3A_1497 : memref<1x16x768xf32, #tpu.memory_space<vmem>> -> memref<16x768xf32, #tpu.memory_space<vmem>>
          %get3A_1499 = arith.index_cast %add3A_534 : i32 to index
          %get3A_1500 = arith.constant 592 : index
          %get3A_1501 = tpu.vector_load %get3A_1498[%get3A_1499, %get3A_1500] {strides = array<i32>} : memref<16x768xf32, #tpu.memory_space<vmem>>, vector<1x16xf32>,
          %get3A_1502 = vector.shape_cast %get3A_1501 : vector<1x16xf32> to vector<1x16xf32>
          %get3A_1503 = arith.constant 0 : i32
          %get3A_1504 = arith.constant 0 : i32
          %get3A_1505 = tpu.memref_slice %run_scoped3A_8[%rem3A_381, %get3A_1503, %get3A_1504] : memref<2x16x768xf32, #tpu.memory_space<vmem>> -> memref<1x16x768xf32, #tpu.memory_space<vmem>>
          %get3A_1506 = tpu.memref_squeeze %get3A_1505 : memref<1x16x768xf32, #tpu.memory_space<vmem>> -> memref<16x768xf32, #tpu.memory_space<vmem>>
          %get3A_1507 = arith.index_cast %add3A_534 : i32 to index
          %get3A_1508 = arith.constant 592 : index
          %get3A_1509 = tpu.vector_load %get3A_1506[%get3A_1507, %get3A_1508] {strides = array<i32>} : memref<16x768xf32, #tpu.memory_space<vmem>>, vector<1x16xf32>,
          %get3A_1510 = vector.shape_cast %get3A_1509 : vector<1x16xf32> to vector<1x16xf32>
          %add3A_1511 = arith.addf %get3A_1502, %get3A_1510 : vector<1x16xf32>
          %swap3A_1512 = arith.constant 0 : i32
          %swap3A_1513 = arith.constant 0 : i32
          %swap3A_1514 = tpu.memref_slice %run_scoped3A_10[%rem3A_383, %swap3A_1512, %swap3A_1513] : memref<2x16x768xf32, #tpu.memory_space<vmem>> -> memref<1x16x768xf32, #tpu.memory_space<vmem>>
          %swap3A_1515 = tpu.memref_squeeze %swap3A_1514 : memref<1x16x768xf32, #tpu.memory_space<vmem>> -> memref<16x768xf32, #tpu.memory_space<vmem>>
          %swap3A_1516 = arith.index_cast %add3A_534 : i32 to index
          %swap3A_1517 = arith.constant 592 : index
          %swap3A_1518 = tpu.vector_load %swap3A_1515[%swap3A_1516, %swap3A_1517] {strides = array<i32>} : memref<16x768xf32, #tpu.memory_space<vmem>>, vector<1x16xf32>,
          %swap3A_1519 = vector.shape_cast %swap3A_1518 : vector<1x16xf32> to vector<1x16xf32>
          %swap3A_1520 = vector.shape_cast %add3A_1511 : vector<1x16xf32> to vector<1x16xf32>
          tpu.vector_store %swap3A_1515[%swap3A_1516, %swap3A_1517], %swap3A_1520 {strides = array<i32>} : memref<16x768xf32, #tpu.memory_space<vmem>>, vector<1x16xf32>,
          %get3A_1521 = arith.constant 0 : i32
          %get3A_1522 = arith.constant 0 : i32
          %get3A_1523 = tpu.memref_slice %run_scoped3A[%rem3A_379, %get3A_1521, %get3A_1522] : memref<2x16x768xf32, #tpu.memory_space<vmem>> -> memref<1x16x768xf32, #tpu.memory_space<vmem>>
          %get3A_1524 = tpu.memref_squeeze %get3A_1523 : memref<1x16x768xf32, #tpu.memory_space<vmem>> -> memref<16x768xf32, #tpu.memory_space<vmem>>
          %get3A_1525 = arith.index_cast %add3A_534 : i32 to index
          %get3A_1526 = arith.constant 608 : index
          %get3A_1527 = tpu.vector_load %get3A_1524[%get3A_1525, %get3A_1526] {strides = array<i32>} : memref<16x768xf32, #tpu.memory_space<vmem>>, vector<1x16xf32>,
          %get3A_1528 = vector.shape_cast %get3A_1527 : vector<1x16xf32> to vector<1x16xf32>
          %get3A_1529 = arith.constant 0 : i32
          %get3A_1530 = arith.constant 0 : i32
          %get3A_1531 = tpu.memref_slice %run_scoped3A_8[%rem3A_381, %get3A_1529, %get3A_1530] : memref<2x16x768xf32, #tpu.memory_space<vmem>> -> memref<1x16x768xf32, #tpu.memory_space<vmem>>
          %get3A_1532 = tpu.memref_squeeze %get3A_1531 : memref<1x16x768xf32, #tpu.memory_space<vmem>> -> memref<16x768xf32, #tpu.memory_space<vmem>>
          %get3A_1533 = arith.index_cast %add3A_534 : i32 to index
          %get3A_1534 = arith.constant 608 : index
          %get3A_1535 = tpu.vector_load %get3A_1532[%get3A_1533, %get3A_1534] {strides = array<i32>} : memref<16x768xf32, #tpu.memory_space<vmem>>, vector<1x16xf32>,
          %get3A_1536 = vector.shape_cast %get3A_1535 : vector<1x16xf32> to vector<1x16xf32>
          %add3A_1537 = arith.addf %get3A_1528, %get3A_1536 : vector<1x16xf32>
          %swap3A_1538 = arith.constant 0 : i32
          %swap3A_1539 = arith.constant 0 : i32
          %swap3A_1540 = tpu.memref_slice %run_scoped3A_10[%rem3A_383, %swap3A_1538, %swap3A_1539] : memref<2x16x768xf32, #tpu.memory_space<vmem>> -> memref<1x16x768xf32, #tpu.memory_space<vmem>>
          %swap3A_1541 = tpu.memref_squeeze %swap3A_1540 : memref<1x16x768xf32, #tpu.memory_space<vmem>> -> memref<16x768xf32, #tpu.memory_space<vmem>>
          %swap3A_1542 = arith.index_cast %add3A_534 : i32 to index
          %swap3A_1543 = arith.constant 608 : index
          %swap3A_1544 = tpu.vector_load %swap3A_1541[%swap3A_1542, %swap3A_1543] {strides = array<i32>} : memref<16x768xf32, #tpu.memory_space<vmem>>, vector<1x16xf32>,
          %swap3A_1545 = vector.shape_cast %swap3A_1544 : vector<1x16xf32> to vector<1x16xf32>
          %swap3A_1546 = vector.shape_cast %add3A_1537 : vector<1x16xf32> to vector<1x16xf32>
          tpu.vector_store %swap3A_1541[%swap3A_1542, %swap3A_1543], %swap3A_1546 {strides = array<i32>} : memref<16x768xf32, #tpu.memory_space<vmem>>, vector<1x16xf32>,
          %get3A_1547 = arith.constant 0 : i32
          %get3A_1548 = arith.constant 0 : i32
          %get3A_1549 = tpu.memref_slice %run_scoped3A[%rem3A_379, %get3A_1547, %get3A_1548] : memref<2x16x768xf32, #tpu.memory_space<vmem>> -> memref<1x16x768xf32, #tpu.memory_space<vmem>>
          %get3A_1550 = tpu.memref_squeeze %get3A_1549 : memref<1x16x768xf32, #tpu.memory_space<vmem>> -> memref<16x768xf32, #tpu.memory_space<vmem>>
          %get3A_1551 = arith.index_cast %add3A_534 : i32 to index
          %get3A_1552 = arith.constant 624 : index
          %get3A_1553 = tpu.vector_load %get3A_1550[%get3A_1551, %get3A_1552] {strides = array<i32>} : memref<16x768xf32, #tpu.memory_space<vmem>>, vector<1x16xf32>,
          %get3A_1554 = vector.shape_cast %get3A_1553 : vector<1x16xf32> to vector<1x16xf32>
          %get3A_1555 = arith.constant 0 : i32
          %get3A_1556 = arith.constant 0 : i32
          %get3A_1557 = tpu.memref_slice %run_scoped3A_8[%rem3A_381, %get3A_1555, %get3A_1556] : memref<2x16x768xf32, #tpu.memory_space<vmem>> -> memref<1x16x768xf32, #tpu.memory_space<vmem>>
          %get3A_1558 = tpu.memref_squeeze %get3A_1557 : memref<1x16x768xf32, #tpu.memory_space<vmem>> -> memref<16x768xf32, #tpu.memory_space<vmem>>
          %get3A_1559 = arith.index_cast %add3A_534 : i32 to index
          %get3A_1560 = arith.constant 624 : index
          %get3A_1561 = tpu.vector_load %get3A_1558[%get3A_1559, %get3A_1560] {strides = array<i32>} : memref<16x768xf32, #tpu.memory_space<vmem>>, vector<1x16xf32>,
          %get3A_1562 = vector.shape_cast %get3A_1561 : vector<1x16xf32> to vector<1x16xf32>
          %add3A_1563 = arith.addf %get3A_1554, %get3A_1562 : vector<1x16xf32>
          %swap3A_1564 = arith.constant 0 : i32
          %swap3A_1565 = arith.constant 0 : i32
          %swap3A_1566 = tpu.memref_slice %run_scoped3A_10[%rem3A_383, %swap3A_1564, %swap3A_1565] : memref<2x16x768xf32, #tpu.memory_space<vmem>> -> memref<1x16x768xf32, #tpu.memory_space<vmem>>
          %swap3A_1567 = tpu.memref_squeeze %swap3A_1566 : memref<1x16x768xf32, #tpu.memory_space<vmem>> -> memref<16x768xf32, #tpu.memory_space<vmem>>
          %swap3A_1568 = arith.index_cast %add3A_534 : i32 to index
          %swap3A_1569 = arith.constant 624 : index
          %swap3A_1570 = tpu.vector_load %swap3A_1567[%swap3A_1568, %swap3A_1569] {strides = array<i32>} : memref<16x768xf32, #tpu.memory_space<vmem>>, vector<1x16xf32>,
          %swap3A_1571 = vector.shape_cast %swap3A_1570 : vector<1x16xf32> to vector<1x16xf32>
          %swap3A_1572 = vector.shape_cast %add3A_1563 : vector<1x16xf32> to vector<1x16xf32>
          tpu.vector_store %swap3A_1567[%swap3A_1568, %swap3A_1569], %swap3A_1572 {strides = array<i32>} : memref<16x768xf32, #tpu.memory_space<vmem>>, vector<1x16xf32>,
          %get3A_1573 = arith.constant 0 : i32
          %get3A_1574 = arith.constant 0 : i32
          %get3A_1575 = tpu.memref_slice %run_scoped3A[%rem3A_379, %get3A_1573, %get3A_1574] : memref<2x16x768xf32, #tpu.memory_space<vmem>> -> memref<1x16x768xf32, #tpu.memory_space<vmem>>
          %get3A_1576 = tpu.memref_squeeze %get3A_1575 : memref<1x16x768xf32, #tpu.memory_space<vmem>> -> memref<16x768xf32, #tpu.memory_space<vmem>>
          %get3A_1577 = arith.index_cast %add3A_534 : i32 to index
          %get3A_1578 = arith.constant 640 : index
          %get3A_1579 = tpu.vector_load %get3A_1576[%get3A_1577, %get3A_1578] {strides = array<i32>} : memref<16x768xf32, #tpu.memory_space<vmem>>, vector<1x16xf32>,
          %get3A_1580 = vector.shape_cast %get3A_1579 : vector<1x16xf32> to vector<1x16xf32>
          %get3A_1581 = arith.constant 0 : i32
          %get3A_1582 = arith.constant 0 : i32
          %get3A_1583 = tpu.memref_slice %run_scoped3A_8[%rem3A_381, %get3A_1581, %get3A_1582] : memref<2x16x768xf32, #tpu.memory_space<vmem>> -> memref<1x16x768xf32, #tpu.memory_space<vmem>>
          %get3A_1584 = tpu.memref_squeeze %get3A_1583 : memref<1x16x768xf32, #tpu.memory_space<vmem>> -> memref<16x768xf32, #tpu.memory_space<vmem>>
          %get3A_1585 = arith.index_cast %add3A_534 : i32 to index
          %get3A_1586 = arith.constant 640 : index
          %get3A_1587 = tpu.vector_load %get3A_1584[%get3A_1585, %get3A_1586] {strides = array<i32>} : memref<16x768xf32, #tpu.memory_space<vmem>>, vector<1x16xf32>,
          %get3A_1588 = vector.shape_cast %get3A_1587 : vector<1x16xf32> to vector<1x16xf32>
          %add3A_1589 = arith.addf %get3A_1580, %get3A_1588 : vector<1x16xf32>
          %swap3A_1590 = arith.constant 0 : i32
          %swap3A_1591 = arith.constant 0 : i32
          %swap3A_1592 = tpu.memref_slice %run_scoped3A_10[%rem3A_383, %swap3A_1590, %swap3A_1591] : memref<2x16x768xf32, #tpu.memory_space<vmem>> -> memref<1x16x768xf32, #tpu.memory_space<vmem>>
          %swap3A_1593 = tpu.memref_squeeze %swap3A_1592 : memref<1x16x768xf32, #tpu.memory_space<vmem>> -> memref<16x768xf32, #tpu.memory_space<vmem>>
          %swap3A_1594 = arith.index_cast %add3A_534 : i32 to index
          %swap3A_1595 = arith.constant 640 : index
          %swap3A_1596 = tpu.vector_load %swap3A_1593[%swap3A_1594, %swap3A_1595] {strides = array<i32>} : memref<16x768xf32, #tpu.memory_space<vmem>>, vector<1x16xf32>,
          %swap3A_1597 = vector.shape_cast %swap3A_1596 : vector<1x16xf32> to vector<1x16xf32>
          %swap3A_1598 = vector.shape_cast %add3A_1589 : vector<1x16xf32> to vector<1x16xf32>
          tpu.vector_store %swap3A_1593[%swap3A_1594, %swap3A_1595], %swap3A_1598 {strides = array<i32>} : memref<16x768xf32, #tpu.memory_space<vmem>>, vector<1x16xf32>,
          %get3A_1599 = arith.constant 0 : i32
          %get3A_1600 = arith.constant 0 : i32
          %get3A_1601 = tpu.memref_slice %run_scoped3A[%rem3A_379, %get3A_1599, %get3A_1600] : memref<2x16x768xf32, #tpu.memory_space<vmem>> -> memref<1x16x768xf32, #tpu.memory_space<vmem>>
          %get3A_1602 = tpu.memref_squeeze %get3A_1601 : memref<1x16x768xf32, #tpu.memory_space<vmem>> -> memref<16x768xf32, #tpu.memory_space<vmem>>
          %get3A_1603 = arith.index_cast %add3A_534 : i32 to index
          %get3A_1604 = arith.constant 656 : index
          %get3A_1605 = tpu.vector_load %get3A_1602[%get3A_1603, %get3A_1604] {strides = array<i32>} : memref<16x768xf32, #tpu.memory_space<vmem>>, vector<1x16xf32>,
          %get3A_1606 = vector.shape_cast %get3A_1605 : vector<1x16xf32> to vector<1x16xf32>
          %get3A_1607 = arith.constant 0 : i32
          %get3A_1608 = arith.constant 0 : i32
          %get3A_1609 = tpu.memref_slice %run_scoped3A_8[%rem3A_381, %get3A_1607, %get3A_1608] : memref<2x16x768xf32, #tpu.memory_space<vmem>> -> memref<1x16x768xf32, #tpu.memory_space<vmem>>
          %get3A_1610 = tpu.memref_squeeze %get3A_1609 : memref<1x16x768xf32, #tpu.memory_space<vmem>> -> memref<16x768xf32, #tpu.memory_space<vmem>>
          %get3A_1611 = arith.index_cast %add3A_534 : i32 to index
          %get3A_1612 = arith.constant 656 : index
          %get3A_1613 = tpu.vector_load %get3A_1610[%get3A_1611, %get3A_1612] {strides = array<i32>} : memref<16x768xf32, #tpu.memory_space<vmem>>, vector<1x16xf32>,
          %get3A_1614 = vector.shape_cast %get3A_1613 : vector<1x16xf32> to vector<1x16xf32>
          %add3A_1615 = arith.addf %get3A_1606, %get3A_1614 : vector<1x16xf32>
          %swap3A_1616 = arith.constant 0 : i32
          %swap3A_1617 = arith.constant 0 : i32
          %swap3A_1618 = tpu.memref_slice %run_scoped3A_10[%rem3A_383, %swap3A_1616, %swap3A_1617] : memref<2x16x768xf32, #tpu.memory_space<vmem>> -> memref<1x16x768xf32, #tpu.memory_space<vmem>>
          %swap3A_1619 = tpu.memref_squeeze %swap3A_1618 : memref<1x16x768xf32, #tpu.memory_space<vmem>> -> memref<16x768xf32, #tpu.memory_space<vmem>>
          %swap3A_1620 = arith.index_cast %add3A_534 : i32 to index
          %swap3A_1621 = arith.constant 656 : index
          %swap3A_1622 = tpu.vector_load %swap3A_1619[%swap3A_1620, %swap3A_1621] {strides = array<i32>} : memref<16x768xf32, #tpu.memory_space<vmem>>, vector<1x16xf32>,
          %swap3A_1623 = vector.shape_cast %swap3A_1622 : vector<1x16xf32> to vector<1x16xf32>
          %swap3A_1624 = vector.shape_cast %add3A_1615 : vector<1x16xf32> to vector<1x16xf32>
          tpu.vector_store %swap3A_1619[%swap3A_1620, %swap3A_1621], %swap3A_1624 {strides = array<i32>} : memref<16x768xf32, #tpu.memory_space<vmem>>, vector<1x16xf32>,
          %get3A_1625 = arith.constant 0 : i32
          %get3A_1626 = arith.constant 0 : i32
          %get3A_1627 = tpu.memref_slice %run_scoped3A[%rem3A_379, %get3A_1625, %get3A_1626] : memref<2x16x768xf32, #tpu.memory_space<vmem>> -> memref<1x16x768xf32, #tpu.memory_space<vmem>>
          %get3A_1628 = tpu.memref_squeeze %get3A_1627 : memref<1x16x768xf32, #tpu.memory_space<vmem>> -> memref<16x768xf32, #tpu.memory_space<vmem>>
          %get3A_1629 = arith.index_cast %add3A_534 : i32 to index
          %get3A_1630 = arith.constant 672 : index
          %get3A_1631 = tpu.vector_load %get3A_1628[%get3A_1629, %get3A_1630] {strides = array<i32>} : memref<16x768xf32, #tpu.memory_space<vmem>>, vector<1x16xf32>,
          %get3A_1632 = vector.shape_cast %get3A_1631 : vector<1x16xf32> to vector<1x16xf32>
          %get3A_1633 = arith.constant 0 : i32
          %get3A_1634 = arith.constant 0 : i32
          %get3A_1635 = tpu.memref_slice %run_scoped3A_8[%rem3A_381, %get3A_1633, %get3A_1634] : memref<2x16x768xf32, #tpu.memory_space<vmem>> -> memref<1x16x768xf32, #tpu.memory_space<vmem>>
          %get3A_1636 = tpu.memref_squeeze %get3A_1635 : memref<1x16x768xf32, #tpu.memory_space<vmem>> -> memref<16x768xf32, #tpu.memory_space<vmem>>
          %get3A_1637 = arith.index_cast %add3A_534 : i32 to index
          %get3A_1638 = arith.constant 672 : index
          %get3A_1639 = tpu.vector_load %get3A_1636[%get3A_1637, %get3A_1638] {strides = array<i32>} : memref<16x768xf32, #tpu.memory_space<vmem>>, vector<1x16xf32>,
          %get3A_1640 = vector.shape_cast %get3A_1639 : vector<1x16xf32> to vector<1x16xf32>
          %add3A_1641 = arith.addf %get3A_1632, %get3A_1640 : vector<1x16xf32>
          %swap3A_1642 = arith.constant 0 : i32
          %swap3A_1643 = arith.constant 0 : i32
          %swap3A_1644 = tpu.memref_slice %run_scoped3A_10[%rem3A_383, %swap3A_1642, %swap3A_1643] : memref<2x16x768xf32, #tpu.memory_space<vmem>> -> memref<1x16x768xf32, #tpu.memory_space<vmem>>
          %swap3A_1645 = tpu.memref_squeeze %swap3A_1644 : memref<1x16x768xf32, #tpu.memory_space<vmem>> -> memref<16x768xf32, #tpu.memory_space<vmem>>
          %swap3A_1646 = arith.index_cast %add3A_534 : i32 to index
          %swap3A_1647 = arith.constant 672 : index
          %swap3A_1648 = tpu.vector_load %swap3A_1645[%swap3A_1646, %swap3A_1647] {strides = array<i32>} : memref<16x768xf32, #tpu.memory_space<vmem>>, vector<1x16xf32>,
          %swap3A_1649 = vector.shape_cast %swap3A_1648 : vector<1x16xf32> to vector<1x16xf32>
          %swap3A_1650 = vector.shape_cast %add3A_1641 : vector<1x16xf32> to vector<1x16xf32>
          tpu.vector_store %swap3A_1645[%swap3A_1646, %swap3A_1647], %swap3A_1650 {strides = array<i32>} : memref<16x768xf32, #tpu.memory_space<vmem>>, vector<1x16xf32>,
          %get3A_1651 = arith.constant 0 : i32
          %get3A_1652 = arith.constant 0 : i32
          %get3A_1653 = tpu.memref_slice %run_scoped3A[%rem3A_379, %get3A_1651, %get3A_1652] : memref<2x16x768xf32, #tpu.memory_space<vmem>> -> memref<1x16x768xf32, #tpu.memory_space<vmem>>
          %get3A_1654 = tpu.memref_squeeze %get3A_1653 : memref<1x16x768xf32, #tpu.memory_space<vmem>> -> memref<16x768xf32, #tpu.memory_space<vmem>>
          %get3A_1655 = arith.index_cast %add3A_534 : i32 to index
          %get3A_1656 = arith.constant 688 : index
          %get3A_1657 = tpu.vector_load %get3A_1654[%get3A_1655, %get3A_1656] {strides = array<i32>} : memref<16x768xf32, #tpu.memory_space<vmem>>, vector<1x16xf32>,
          %get3A_1658 = vector.shape_cast %get3A_1657 : vector<1x16xf32> to vector<1x16xf32>
          %get3A_1659 = arith.constant 0 : i32
          %get3A_1660 = arith.constant 0 : i32
          %get3A_1661 = tpu.memref_slice %run_scoped3A_8[%rem3A_381, %get3A_1659, %get3A_1660] : memref<2x16x768xf32, #tpu.memory_space<vmem>> -> memref<1x16x768xf32, #tpu.memory_space<vmem>>
          %get3A_1662 = tpu.memref_squeeze %get3A_1661 : memref<1x16x768xf32, #tpu.memory_space<vmem>> -> memref<16x768xf32, #tpu.memory_space<vmem>>
          %get3A_1663 = arith.index_cast %add3A_534 : i32 to index
          %get3A_1664 = arith.constant 688 : index
          %get3A_1665 = tpu.vector_load %get3A_1662[%get3A_1663, %get3A_1664] {strides = array<i32>} : memref<16x768xf32, #tpu.memory_space<vmem>>, vector<1x16xf32>,
          %get3A_1666 = vector.shape_cast %get3A_1665 : vector<1x16xf32> to vector<1x16xf32>
          %add3A_1667 = arith.addf %get3A_1658, %get3A_1666 : vector<1x16xf32>
          %swap3A_1668 = arith.constant 0 : i32
          %swap3A_1669 = arith.constant 0 : i32
          %swap3A_1670 = tpu.memref_slice %run_scoped3A_10[%rem3A_383, %swap3A_1668, %swap3A_1669] : memref<2x16x768xf32, #tpu.memory_space<vmem>> -> memref<1x16x768xf32, #tpu.memory_space<vmem>>
          %swap3A_1671 = tpu.memref_squeeze %swap3A_1670 : memref<1x16x768xf32, #tpu.memory_space<vmem>> -> memref<16x768xf32, #tpu.memory_space<vmem>>
          %swap3A_1672 = arith.index_cast %add3A_534 : i32 to index
          %swap3A_1673 = arith.constant 688 : index
          %swap3A_1674 = tpu.vector_load %swap3A_1671[%swap3A_1672, %swap3A_1673] {strides = array<i32>} : memref<16x768xf32, #tpu.memory_space<vmem>>, vector<1x16xf32>,
          %swap3A_1675 = vector.shape_cast %swap3A_1674 : vector<1x16xf32> to vector<1x16xf32>
          %swap3A_1676 = vector.shape_cast %add3A_1667 : vector<1x16xf32> to vector<1x16xf32>
          tpu.vector_store %swap3A_1671[%swap3A_1672, %swap3A_1673], %swap3A_1676 {strides = array<i32>} : memref<16x768xf32, #tpu.memory_space<vmem>>, vector<1x16xf32>,
          %get3A_1677 = arith.constant 0 : i32
          %get3A_1678 = arith.constant 0 : i32
          %get3A_1679 = tpu.memref_slice %run_scoped3A[%rem3A_379, %get3A_1677, %get3A_1678] : memref<2x16x768xf32, #tpu.memory_space<vmem>> -> memref<1x16x768xf32, #tpu.memory_space<vmem>>
          %get3A_1680 = tpu.memref_squeeze %get3A_1679 : memref<1x16x768xf32, #tpu.memory_space<vmem>> -> memref<16x768xf32, #tpu.memory_space<vmem>>
          %get3A_1681 = arith.index_cast %add3A_534 : i32 to index
          %get3A_1682 = arith.constant 704 : index
          %get3A_1683 = tpu.vector_load %get3A_1680[%get3A_1681, %get3A_1682] {strides = array<i32>} : memref<16x768xf32, #tpu.memory_space<vmem>>, vector<1x16xf32>,
          %get3A_1684 = vector.shape_cast %get3A_1683 : vector<1x16xf32> to vector<1x16xf32>
          %get3A_1685 = arith.constant 0 : i32
          %get3A_1686 = arith.constant 0 : i32
          %get3A_1687 = tpu.memref_slice %run_scoped3A_8[%rem3A_381, %get3A_1685, %get3A_1686] : memref<2x16x768xf32, #tpu.memory_space<vmem>> -> memref<1x16x768xf32, #tpu.memory_space<vmem>>
          %get3A_1688 = tpu.memref_squeeze %get3A_1687 : memref<1x16x768xf32, #tpu.memory_space<vmem>> -> memref<16x768xf32, #tpu.memory_space<vmem>>
          %get3A_1689 = arith.index_cast %add3A_534 : i32 to index
          %get3A_1690 = arith.constant 704 : index
          %get3A_1691 = tpu.vector_load %get3A_1688[%get3A_1689, %get3A_1690] {strides = array<i32>} : memref<16x768xf32, #tpu.memory_space<vmem>>, vector<1x16xf32>,
          %get3A_1692 = vector.shape_cast %get3A_1691 : vector<1x16xf32> to vector<1x16xf32>
          %add3A_1693 = arith.addf %get3A_1684, %get3A_1692 : vector<1x16xf32>
          %swap3A_1694 = arith.constant 0 : i32
          %swap3A_1695 = arith.constant 0 : i32
          %swap3A_1696 = tpu.memref_slice %run_scoped3A_10[%rem3A_383, %swap3A_1694, %swap3A_1695] : memref<2x16x768xf32, #tpu.memory_space<vmem>> -> memref<1x16x768xf32, #tpu.memory_space<vmem>>
          %swap3A_1697 = tpu.memref_squeeze %swap3A_1696 : memref<1x16x768xf32, #tpu.memory_space<vmem>> -> memref<16x768xf32, #tpu.memory_space<vmem>>
          %swap3A_1698 = arith.index_cast %add3A_534 : i32 to index
          %swap3A_1699 = arith.constant 704 : index
          %swap3A_1700 = tpu.vector_load %swap3A_1697[%swap3A_1698, %swap3A_1699] {strides = array<i32>} : memref<16x768xf32, #tpu.memory_space<vmem>>, vector<1x16xf32>,
          %swap3A_1701 = vector.shape_cast %swap3A_1700 : vector<1x16xf32> to vector<1x16xf32>
          %swap3A_1702 = vector.shape_cast %add3A_1693 : vector<1x16xf32> to vector<1x16xf32>
          tpu.vector_store %swap3A_1697[%swap3A_1698, %swap3A_1699], %swap3A_1702 {strides = array<i32>} : memref<16x768xf32, #tpu.memory_space<vmem>>, vector<1x16xf32>,
          %get3A_1703 = arith.constant 0 : i32
          %get3A_1704 = arith.constant 0 : i32
          %get3A_1705 = tpu.memref_slice %run_scoped3A[%rem3A_379, %get3A_1703, %get3A_1704] : memref<2x16x768xf32, #tpu.memory_space<vmem>> -> memref<1x16x768xf32, #tpu.memory_space<vmem>>
          %get3A_1706 = tpu.memref_squeeze %get3A_1705 : memref<1x16x768xf32, #tpu.memory_space<vmem>> -> memref<16x768xf32, #tpu.memory_space<vmem>>
          %get3A_1707 = arith.index_cast %add3A_534 : i32 to index
          %get3A_1708 = arith.constant 720 : index
          %get3A_1709 = tpu.vector_load %get3A_1706[%get3A_1707, %get3A_1708] {strides = array<i32>} : memref<16x768xf32, #tpu.memory_space<vmem>>, vector<1x16xf32>,
          %get3A_1710 = vector.shape_cast %get3A_1709 : vector<1x16xf32> to vector<1x16xf32>
          %get3A_1711 = arith.constant 0 : i32
          %get3A_1712 = arith.constant 0 : i32
          %get3A_1713 = tpu.memref_slice %run_scoped3A_8[%rem3A_381, %get3A_1711, %get3A_1712] : memref<2x16x768xf32, #tpu.memory_space<vmem>> -> memref<1x16x768xf32, #tpu.memory_space<vmem>>
          %get3A_1714 = tpu.memref_squeeze %get3A_1713 : memref<1x16x768xf32, #tpu.memory_space<vmem>> -> memref<16x768xf32, #tpu.memory_space<vmem>>
          %get3A_1715 = arith.index_cast %add3A_534 : i32 to index
          %get3A_1716 = arith.constant 720 : index
          %get3A_1717 = tpu.vector_load %get3A_1714[%get3A_1715, %get3A_1716] {strides = array<i32>} : memref<16x768xf32, #tpu.memory_space<vmem>>, vector<1x16xf32>,
          %get3A_1718 = vector.shape_cast %get3A_1717 : vector<1x16xf32> to vector<1x16xf32>
          %add3A_1719 = arith.addf %get3A_1710, %get3A_1718 : vector<1x16xf32>
          %swap3A_1720 = arith.constant 0 : i32
          %swap3A_1721 = arith.constant 0 : i32
          %swap3A_1722 = tpu.memref_slice %run_scoped3A_10[%rem3A_383, %swap3A_1720, %swap3A_1721] : memref<2x16x768xf32, #tpu.memory_space<vmem>> -> memref<1x16x768xf32, #tpu.memory_space<vmem>>
          %swap3A_1723 = tpu.memref_squeeze %swap3A_1722 : memref<1x16x768xf32, #tpu.memory_space<vmem>> -> memref<16x768xf32, #tpu.memory_space<vmem>>
          %swap3A_1724 = arith.index_cast %add3A_534 : i32 to index
          %swap3A_1725 = arith.constant 720 : index
          %swap3A_1726 = tpu.vector_load %swap3A_1723[%swap3A_1724, %swap3A_1725] {strides = array<i32>} : memref<16x768xf32, #tpu.memory_space<vmem>>, vector<1x16xf32>,
          %swap3A_1727 = vector.shape_cast %swap3A_1726 : vector<1x16xf32> to vector<1x16xf32>
          %swap3A_1728 = vector.shape_cast %add3A_1719 : vector<1x16xf32> to vector<1x16xf32>
          tpu.vector_store %swap3A_1723[%swap3A_1724, %swap3A_1725], %swap3A_1728 {strides = array<i32>} : memref<16x768xf32, #tpu.memory_space<vmem>>, vector<1x16xf32>,
          %get3A_1729 = arith.constant 0 : i32
          %get3A_1730 = arith.constant 0 : i32
          %get3A_1731 = tpu.memref_slice %run_scoped3A[%rem3A_379, %get3A_1729, %get3A_1730] : memref<2x16x768xf32, #tpu.memory_space<vmem>> -> memref<1x16x768xf32, #tpu.memory_space<vmem>>
          %get3A_1732 = tpu.memref_squeeze %get3A_1731 : memref<1x16x768xf32, #tpu.memory_space<vmem>> -> memref<16x768xf32, #tpu.memory_space<vmem>>
          %get3A_1733 = arith.index_cast %add3A_534 : i32 to index
          %get3A_1734 = arith.constant 736 : index
          %get3A_1735 = tpu.vector_load %get3A_1732[%get3A_1733, %get3A_1734] {strides = array<i32>} : memref<16x768xf32, #tpu.memory_space<vmem>>, vector<1x16xf32>,
          %get3A_1736 = vector.shape_cast %get3A_1735 : vector<1x16xf32> to vector<1x16xf32>
          %get3A_1737 = arith.constant 0 : i32
          %get3A_1738 = arith.constant 0 : i32
          %get3A_1739 = tpu.memref_slice %run_scoped3A_8[%rem3A_381, %get3A_1737, %get3A_1738] : memref<2x16x768xf32, #tpu.memory_space<vmem>> -> memref<1x16x768xf32, #tpu.memory_space<vmem>>
          %get3A_1740 = tpu.memref_squeeze %get3A_1739 : memref<1x16x768xf32, #tpu.memory_space<vmem>> -> memref<16x768xf32, #tpu.memory_space<vmem>>
          %get3A_1741 = arith.index_cast %add3A_534 : i32 to index
          %get3A_1742 = arith.constant 736 : index
          %get3A_1743 = tpu.vector_load %get3A_1740[%get3A_1741, %get3A_1742] {strides = array<i32>} : memref<16x768xf32, #tpu.memory_space<vmem>>, vector<1x16xf32>,
          %get3A_1744 = vector.shape_cast %get3A_1743 : vector<1x16xf32> to vector<1x16xf32>
          %add3A_1745 = arith.addf %get3A_1736, %get3A_1744 : vector<1x16xf32>
          %swap3A_1746 = arith.constant 0 : i32
          %swap3A_1747 = arith.constant 0 : i32
          %swap3A_1748 = tpu.memref_slice %run_scoped3A_10[%rem3A_383, %swap3A_1746, %swap3A_1747] : memref<2x16x768xf32, #tpu.memory_space<vmem>> -> memref<1x16x768xf32, #tpu.memory_space<vmem>>
          %swap3A_1749 = tpu.memref_squeeze %swap3A_1748 : memref<1x16x768xf32, #tpu.memory_space<vmem>> -> memref<16x768xf32, #tpu.memory_space<vmem>>
          %swap3A_1750 = arith.index_cast %add3A_534 : i32 to index
          %swap3A_1751 = arith.constant 736 : index
          %swap3A_1752 = tpu.vector_load %swap3A_1749[%swap3A_1750, %swap3A_1751] {strides = array<i32>} : memref<16x768xf32, #tpu.memory_space<vmem>>, vector<1x16xf32>,
          %swap3A_1753 = vector.shape_cast %swap3A_1752 : vector<1x16xf32> to vector<1x16xf32>
          %swap3A_1754 = vector.shape_cast %add3A_1745 : vector<1x16xf32> to vector<1x16xf32>
          tpu.vector_store %swap3A_1749[%swap3A_1750, %swap3A_1751], %swap3A_1754 {strides = array<i32>} : memref<16x768xf32, #tpu.memory_space<vmem>>, vector<1x16xf32>,
          %get3A_1755 = arith.constant 0 : i32
          %get3A_1756 = arith.constant 0 : i32
          %get3A_1757 = tpu.memref_slice %run_scoped3A[%rem3A_379, %get3A_1755, %get3A_1756] : memref<2x16x768xf32, #tpu.memory_space<vmem>> -> memref<1x16x768xf32, #tpu.memory_space<vmem>>
          %get3A_1758 = tpu.memref_squeeze %get3A_1757 : memref<1x16x768xf32, #tpu.memory_space<vmem>> -> memref<16x768xf32, #tpu.memory_space<vmem>>
          %get3A_1759 = arith.index_cast %add3A_534 : i32 to index
          %get3A_1760 = arith.constant 752 : index
          %get3A_1761 = tpu.vector_load %get3A_1758[%get3A_1759, %get3A_1760] {strides = array<i32>} : memref<16x768xf32, #tpu.memory_space<vmem>>, vector<1x16xf32>,
          %get3A_1762 = vector.shape_cast %get3A_1761 : vector<1x16xf32> to vector<1x16xf32>
          %get3A_1763 = arith.constant 0 : i32
          %get3A_1764 = arith.constant 0 : i32
          %get3A_1765 = tpu.memref_slice %run_scoped3A_8[%rem3A_381, %get3A_1763, %get3A_1764] : memref<2x16x768xf32, #tpu.memory_space<vmem>> -> memref<1x16x768xf32, #tpu.memory_space<vmem>>
          %get3A_1766 = tpu.memref_squeeze %get3A_1765 : memref<1x16x768xf32, #tpu.memory_space<vmem>> -> memref<16x768xf32, #tpu.memory_space<vmem>>
          %get3A_1767 = arith.index_cast %add3A_534 : i32 to index
          %get3A_1768 = arith.constant 752 : index
          %get3A_1769 = tpu.vector_load %get3A_1766[%get3A_1767, %get3A_1768] {strides = array<i32>} : memref<16x768xf32, #tpu.memory_space<vmem>>, vector<1x16xf32>,
          %get3A_1770 = vector.shape_cast %get3A_1769 : vector<1x16xf32> to vector<1x16xf32>
          %add3A_1771 = arith.addf %get3A_1762, %get3A_1770 : vector<1x16xf32>
          %swap3A_1772 = arith.constant 0 : i32
          %swap3A_1773 = arith.constant 0 : i32
          %swap3A_1774 = tpu.memref_slice %run_scoped3A_10[%rem3A_383, %swap3A_1772, %swap3A_1773] : memref<2x16x768xf32, #tpu.memory_space<vmem>> -> memref<1x16x768xf32, #tpu.memory_space<vmem>>
          %swap3A_1775 = tpu.memref_squeeze %swap3A_1774 : memref<1x16x768xf32, #tpu.memory_space<vmem>> -> memref<16x768xf32, #tpu.memory_space<vmem>>
          %swap3A_1776 = arith.index_cast %add3A_534 : i32 to index
          %swap3A_1777 = arith.constant 752 : index
          %swap3A_1778 = tpu.vector_load %swap3A_1775[%swap3A_1776, %swap3A_1777] {strides = array<i32>} : memref<16x768xf32, #tpu.memory_space<vmem>>, vector<1x16xf32>,
          %swap3A_1779 = vector.shape_cast %swap3A_1778 : vector<1x16xf32> to vector<1x16xf32>
          %swap3A_1780 = vector.shape_cast %add3A_1771 : vector<1x16xf32> to vector<1x16xf32>
          tpu.vector_store %swap3A_1775[%swap3A_1776, %swap3A_1777], %swap3A_1780 {strides = array<i32>} : memref<16x768xf32, #tpu.memory_space<vmem>>, vector<1x16xf32>,
        }
        %scan3A_388 = arith.constant 16 : i32
        "tpu.trace_stop"() : () -> ()
        %mul3A_389 = arith.constant 512 : i32
        %mul3A_390 = arith.muli %add3A_233, %mul3A_389 : i32
        %add3A_391 = arith.addi %mul3A_390, %add3A_231 : i32
        %mul3A_392 = arith.constant 512 : i32
        %mul3A_393 = arith.muli %add3A_269, %mul3A_392 : i32
        %add3A_394 = arith.addi %mul3A_393, %add3A_267 : i32
        %ne3A_395 = arith.cmpi ne, %add3A_391, %add3A_394 : i32
        %or3A_396 = arith.constant false
        %or3A_397 = arith.ori %or3A_396, %ne3A_395 : i1
        %or3A_398 = arith.constant false
        %or3A_399 = arith.ori %or3A_397, %or3A_398 : i1
        %or3A_400 = arith.ori %or3A_399, %eq3A_230 : i1
        %convert_element_type3A_401 = arith.extui %or3A_400 : i1 to i32
        %cond3A_402 = arith.constant 0 : i32
        %cond3A_403 = arith.cmpi ne, %convert_element_type3A_401, %cond3A_402 : i32
        scf.if %cond3A_403 {
        } else {
        }
        %and3A_404 = arith.constant false
        %and3A_405 = arith.andi %or3A_400, %and3A_404 : i1
        %ne3A_406 = arith.cmpi ne, %add3A_231, %add3A_267 : i32
        %or3A_407 = arith.constant false
        %or3A_408 = arith.ori %or3A_407, %ne3A_406 : i1
        %or3A_409 = arith.constant false
        %or3A_410 = arith.ori %or3A_408, %or3A_409 : i1
        %or3A_411 = arith.ori %or3A_410, %eq3A_230 : i1
        %convert_element_type3A_412 = arith.extui %or3A_411 : i1 to i32
        %cond3A_413 = arith.constant 0 : i32
        %cond3A_414 = arith.cmpi ne, %convert_element_type3A_412, %cond3A_413 : i32
        scf.if %cond3A_414 {
        } else {
        }
        %and3A_415 = arith.constant false
        %and3A_416 = arith.andi %or3A_411, %and3A_415 : i1
        %mul3A_417 = arith.constant 512 : i32
        %mul3A_418 = arith.muli %add3A_233, %mul3A_417 : i32
        %add3A_419 = arith.addi %mul3A_418, %add3A_231 : i32
        %mul3A_420 = arith.constant 512 : i32
        %mul3A_421 = arith.muli %add3A_269, %mul3A_420 : i32
        %add3A_422 = arith.addi %mul3A_421, %add3A_267 : i32
        %ne3A_423 = arith.cmpi ne, %add3A_419, %add3A_422 : i32
        %or3A_424 = arith.constant false
        %or3A_425 = arith.ori %or3A_424, %ne3A_423 : i1
        %or3A_426 = arith.constant false
        %or3A_427 = arith.ori %or3A_425, %or3A_426 : i1
        %or3A_428 = arith.ori %or3A_427, %eq3A_230 : i1
        %convert_element_type3A_429 = arith.extui %or3A_428 : i1 to i32
        %cond3A_430 = arith.constant 0 : i32
        %cond3A_431 = arith.cmpi ne, %convert_element_type3A_429, %cond3A_430 : i32
        scf.if %cond3A_431 {
          "tpu.trace_start"() <{level = 10 : i32, message = "ep_copy_out"}> : () -> ()
          %rem3A_530 = arith.constant 2 : i32
          %rem3A_531 = arith.remui %scan3A_223, %rem3A_530 : i32
          %mul3A_532 = arith.constant 512 : i32
          %mul3A_533 = arith.muli %add3A_233, %mul3A_532 : i32
          %add3A_534 = arith.addi %mul3A_533, %add3A_231 : i32
          %mul3A_535 = arith.constant 16 : i32
          %mul3A_536 = arith.muli %mul3A_535, %add3A_534 : i32
          %dma_start3A_537 = arith.constant 0 : i32
          %dma_start3A_538 = arith.constant 0 : i32
          %dma_start3A_539 = tpu.memref_slice %run_scoped3A_10[%rem3A_531, %dma_start3A_537, %dma_start3A_538] : memref<2x16x768xf32, #tpu.memory_space<vmem>> -> memref<1x16x768xf32, #tpu.memory_space<vmem>>
          %dma_start3A_540 = tpu.memref_squeeze %dma_start3A_539 : memref<1x16x768xf32, #tpu.memory_space<vmem>> -> memref<16x768xf32, #tpu.memory_space<vmem>>
          %dma_start3A_541 = arith.constant 0 : i32
          %dma_start3A_542 = tpu.memref_slice %arg4[%mul3A_536, %dma_start3A_541] : memref<32768x768xf32, #tpu.memory_space<hbm>> -> memref<16x768xf32, #tpu.memory_space<hbm>>
          %dma_start3A_543 = tpu.memref_slice %run_scoped3A_11[%rem3A_531] : memref<2x!tpu.dma_semaphore, #tpu.memory_space<semaphore_mem>> -> memref<1x!tpu.dma_semaphore, #tpu.memory_space<semaphore_mem>>
          %dma_start3A_544 = tpu.memref_squeeze %dma_start3A_543 : memref<1x!tpu.dma_semaphore, #tpu.memory_space<semaphore_mem>> -> memref<!tpu.dma_semaphore, #tpu.memory_space<semaphore_mem>>
          %dma_start3A_545 = arith.constant 0 : i32
          %dma_start3A_546 = tpu.memref_slice %arg4[%mul3A_536, %dma_start3A_545] : memref<32768x768xf32, #tpu.memory_space<hbm>> -> memref<16x768xf32, #tpu.memory_space<hbm>>
          %dma_start3A_547 = arith.constant 0 : i32
          %dma_start3A_548 = arith.constant 0 : i32
          %dma_start3A_549 = tpu.memref_slice %run_scoped3A_10[%rem3A_531, %dma_start3A_547, %dma_start3A_548] : memref<2x16x768xf32, #tpu.memory_space<vmem>> -> memref<1x16x768xf32, #tpu.memory_space<vmem>>
          %dma_start3A_550 = tpu.memref_squeeze %dma_start3A_549 : memref<1x16x768xf32, #tpu.memory_space<vmem>> -> memref<16x768xf32, #tpu.memory_space<vmem>>
          tpu.enqueue_dma source(%dma_start3A_550 : memref<16x768xf32, #tpu.memory_space<vmem>>) target(%dma_start3A_546 : memref<16x768xf32, #tpu.memory_space<hbm>>) target_semaphore(%dma_start3A_544 : memref<!tpu.dma_semaphore, #tpu.memory_space<semaphore_mem>>)
          "tpu.trace_stop"() : () -> ()
        } else {
        }
        %and3A_432 = arith.constant true
        %and3A_433 = arith.andi %or3A_428, %and3A_432 : i1
        %add3A_434 = arith.constant 1 : i32
        %add3A_435 = arith.addi %scan3A_223, %add3A_434 : i32
        %select_n3A_436 = arith.select %and3A_433, %add3A_435, %scan3A_223 : i32
        %mul3A_437 = arith.constant 512 : i32
        %mul3A_438 = arith.muli %add3A_233, %mul3A_437 : i32
        %add3A_439 = arith.addi %mul3A_438, %add3A_231 : i32
        %mul3A_440 = arith.constant 512 : i32
        %mul3A_441 = arith.muli %add3A_251, %mul3A_440 : i32
        %add3A_442 = arith.addi %mul3A_441, %add3A_249 : i32
        %ne3A_443 = arith.cmpi ne, %add3A_439, %add3A_442 : i32
        %or3A_444 = arith.constant false
        %or3A_445 = arith.ori %or3A_444, %ne3A_443 : i1
        %or3A_446 = arith.constant false
        %or3A_447 = arith.ori %or3A_445, %or3A_446 : i1
        %not3A_448 = arith.constant true
        %not3A_449 = arith.xori %eq3A_228, %not3A_448 : i1
        %and3A_450 = arith.andi %or3A_447, %not3A_449 : i1
        %convert_element_type3A_451 = arith.extui %and3A_450 : i1 to i32
        %cond3A_452 = arith.constant 0 : i32
        %cond3A_453 = arith.cmpi ne, %convert_element_type3A_451, %cond3A_452 : i32
        scf.if %cond3A_453 {
        } else {
        }
        %and3A_454 = arith.constant false
        %and3A_455 = arith.andi %and3A_450, %and3A_454 : i1
        %ne3A_456 = arith.cmpi ne, %add3A_231, %add3A_249 : i32
        %or3A_457 = arith.constant false
        %or3A_458 = arith.ori %or3A_457, %ne3A_456 : i1
        %or3A_459 = arith.constant false
        %or3A_460 = arith.ori %or3A_458, %or3A_459 : i1
        %not3A_461 = arith.constant true
        %not3A_462 = arith.xori %eq3A_228, %not3A_461 : i1
        %and3A_463 = arith.andi %or3A_460, %not3A_462 : i1
        %convert_element_type3A_464 = arith.extui %and3A_463 : i1 to i32
        %cond3A_465 = arith.constant 0 : i32
        %cond3A_466 = arith.cmpi ne, %convert_element_type3A_464, %cond3A_465 : i32
        scf.if %cond3A_466 {
        } else {
        }
        %and3A_467 = arith.constant false
        %and3A_468 = arith.andi %and3A_463, %and3A_467 : i1
        %mul3A_469 = arith.constant 512 : i32
        %mul3A_470 = arith.muli %add3A_233, %mul3A_469 : i32
        %add3A_471 = arith.addi %mul3A_470, %add3A_231 : i32
        %mul3A_472 = arith.constant 512 : i32
        %mul3A_473 = arith.muli %add3A_251, %mul3A_472 : i32
        %add3A_474 = arith.addi %mul3A_473, %add3A_249 : i32
        %ne3A_475 = arith.cmpi ne, %add3A_471, %add3A_474 : i32
        %or3A_476 = arith.constant false
        %or3A_477 = arith.ori %or3A_476, %ne3A_475 : i1
        %or3A_478 = arith.constant false
        %or3A_479 = arith.ori %or3A_477, %or3A_478 : i1
        %not3A_480 = arith.constant true
        %not3A_481 = arith.xori %eq3A_228, %not3A_480 : i1
        %and3A_482 = arith.andi %or3A_479, %not3A_481 : i1
        %convert_element_type3A_483 = arith.extui %and3A_482 : i1 to i32
        %cond3A_484 = arith.constant 0 : i32
        %cond3A_485 = arith.cmpi ne, %convert_element_type3A_483, %cond3A_484 : i32
        scf.if %cond3A_485 {
          "tpu.trace_start"() <{level = 10 : i32, message = "ep_wait_out"}> : () -> ()
          %rem3A_530 = arith.constant 2 : i32
          %rem3A_531 = arith.remui %scan3A_224, %rem3A_530 : i32
          %mul3A_532 = arith.constant 512 : i32
          %mul3A_533 = arith.muli %add3A_251, %mul3A_532 : i32
          %add3A_534 = arith.addi %mul3A_533, %add3A_249 : i32
          %mul3A_535 = arith.constant 16 : i32
          %mul3A_536 = arith.muli %mul3A_535, %add3A_534 : i32
          %dma_wait3A_537 = arith.constant 0 : i32
          %dma_wait3A_538 = arith.constant 0 : i32
          %dma_wait3A_539 = tpu.memref_slice %run_scoped3A_10[%rem3A_531, %dma_wait3A_537, %dma_wait3A_538] : memref<2x16x768xf32, #tpu.memory_space<vmem>> -> memref<1x16x768xf32, #tpu.memory_space<vmem>>
          %dma_wait3A_540 = tpu.memref_squeeze %dma_wait3A_539 : memref<1x16x768xf32, #tpu.memory_space<vmem>> -> memref<16x768xf32, #tpu.memory_space<vmem>>
          %dma_wait3A_541 = arith.constant 0 : i32
          %dma_wait3A_542 = tpu.memref_slice %arg4[%mul3A_536, %dma_wait3A_541] : memref<32768x768xf32, #tpu.memory_space<hbm>> -> memref<16x768xf32, #tpu.memory_space<hbm>>
          %dma_wait3A_543 = tpu.memref_slice %run_scoped3A_11[%rem3A_531] : memref<2x!tpu.dma_semaphore, #tpu.memory_space<semaphore_mem>> -> memref<1x!tpu.dma_semaphore, #tpu.memory_space<semaphore_mem>>
          %dma_wait3A_544 = tpu.memref_squeeze %dma_wait3A_543 : memref<1x!tpu.dma_semaphore, #tpu.memory_space<semaphore_mem>> -> memref<!tpu.dma_semaphore, #tpu.memory_space<semaphore_mem>>
          %dma_wait3A_545 = arith.constant 0 : i32
          %dma_wait3A_546 = tpu.memref_slice %arg4[%mul3A_536, %dma_wait3A_545] : memref<32768x768xf32, #tpu.memory_space<hbm>> -> memref<16x768xf32, #tpu.memory_space<hbm>>
          %dma_wait3A_547 = arith.constant 0 : i32
          %dma_wait3A_548 = arith.constant 0 : i32
          %dma_wait3A_549 = tpu.memref_slice %run_scoped3A_10[%rem3A_531, %dma_wait3A_547, %dma_wait3A_548] : memref<2x16x768xf32, #tpu.memory_space<vmem>> -> memref<1x16x768xf32, #tpu.memory_space<vmem>>
          %dma_wait3A_550 = tpu.memref_squeeze %dma_wait3A_549 : memref<1x16x768xf32, #tpu.memory_space<vmem>> -> memref<16x768xf32, #tpu.memory_space<vmem>>
          tpu.wait_dma2 semaphore(%dma_wait3A_544 : memref<!tpu.dma_semaphore, #tpu.memory_space<semaphore_mem>>) src(%dma_wait3A_550 : memref<16x768xf32, #tpu.memory_space<vmem>>) dst(%dma_wait3A_546 : memref<16x768xf32, #tpu.memory_space<hbm>>)
          "tpu.trace_stop"() : () -> ()
        } else {
        }
        %and3A_486 = arith.constant true
        %and3A_487 = arith.andi %and3A_482, %and3A_486 : i1
        %add3A_488 = arith.constant 1 : i32
        %add3A_489 = arith.addi %scan3A_224, %add3A_488 : i32
        %select_n3A_490 = arith.select %and3A_487, %add3A_489, %scan3A_224 : i32
        %mul3A_491 = arith.constant 512 : i32
        %mul3A_492 = arith.muli %add3A_233, %mul3A_491 : i32
        %add3A_493 = arith.addi %mul3A_492, %add3A_231 : i32
        %mul3A_494 = arith.constant 512 : i32
        %mul3A_495 = arith.muli %add3A_269, %mul3A_494 : i32
        %add3A_496 = arith.addi %mul3A_495, %add3A_267 : i32
        %ne3A_497 = arith.cmpi ne, %add3A_493, %add3A_496 : i32
        %or3A_498 = arith.constant false
        %or3A_499 = arith.ori %or3A_498, %ne3A_497 : i1
        %or3A_500 = arith.constant false
        %or3A_501 = arith.ori %or3A_499, %or3A_500 : i1
        %or3A_502 = arith.ori %or3A_501, %eq3A_230 : i1
        %add3A_503 = arith.constant 1 : i32
        %add3A_504 = arith.addi %scan3A_220, %add3A_503 : i32
        %select_n3A_505 = arith.select %or3A_502, %add3A_504, %scan3A_220 : i32
        %ne3A_506 = arith.cmpi ne, %add3A_231, %add3A_267 : i32
        %or3A_507 = arith.constant false
        %or3A_508 = arith.ori %or3A_507, %ne3A_506 : i1
        %or3A_509 = arith.constant false
        %or3A_510 = arith.ori %or3A_508, %or3A_509 : i1
        %or3A_511 = arith.ori %or3A_510, %eq3A_230 : i1
        %add3A_512 = arith.constant 1 : i32
        %add3A_513 = arith.addi %scan3A_222, %add3A_512 : i32
        %select_n3A_514 = arith.select %or3A_511, %add3A_513, %scan3A_222 : i32
        %add3A_515 = arith.constant 1 : i32
        %add3A_516 = arith.addi %scan3A_226, %add3A_515 : i32
        %select_n3A_517 = arith.constant true
        %select_n3A_518 = arith.select %select_n3A_517, %add3A_516, %scan3A_226 : i32
        %eq3A_519 = arith.constant 4 : i32
        %eq3A_520 = arith.cmpi eq, %select_n3A_518, %eq3A_519 : i32
        %select_n3A_521 = arith.constant 0 : i32
        %select_n3A_522 = arith.select %eq3A_520, %select_n3A_521, %select_n3A_518 : i32
        %add3A_523 = arith.constant 1 : i32
        %add3A_524 = arith.addi %scan3A_225, %add3A_523 : i32
        %select_n3A_525 = arith.select %eq3A_520, %add3A_524, %scan3A_225 : i32
        %eq3A_526 = arith.constant 16 : i32
        %eq3A_527 = arith.cmpi eq, %select_n3A_525, %eq3A_526 : i32
        %select_n3A_528 = arith.constant 0 : i32
        %select_n3A_529 = arith.select %eq3A_527, %select_n3A_528, %select_n3A_525 : i32
        scf.yield %select_n3A_304, %select_n3A_505, %select_n3A_322, %select_n3A_514, %select_n3A_436, %select_n3A_490, %select_n3A_529, %select_n3A_522 : i32, i32, i32, i32, i32, i32, i32, i32
      }
      %scan3A_126 = arith.constant 64 : i32
      %sub3A = arith.constant 1 : i32
      %sub3A_127 = arith.subi %scan3A_125#7, %sub3A : i32
      %select_n3A_128 = arith.constant true
      %select_n3A_129 = arith.select %select_n3A_128, %sub3A_127, %scan3A_125#7 : i32
      %eq3A_130 = arith.constant -1 : i32
      %eq3A_131 = arith.cmpi eq, %select_n3A_129, %eq3A_130 : i32
      %select_n3A_132 = arith.constant 3 : i32
      %select_n3A_133 = arith.select %eq3A_131, %select_n3A_132, %select_n3A_129 : i32
      %sub3A_134 = arith.constant 1 : i32
      %sub3A_135 = arith.subi %scan3A_125#6, %sub3A_134 : i32
      %select_n3A_136 = arith.select %eq3A_131, %sub3A_135, %scan3A_125#6 : i32
      %eq3A_137 = arith.constant -1 : i32
      %eq3A_138 = arith.cmpi eq, %select_n3A_136, %eq3A_137 : i32
      %select_n3A_139 = arith.constant 15 : i32
      %select_n3A_140 = arith.select %eq3A_138, %select_n3A_139, %select_n3A_136 : i32
      %add3A_141 = arith.addi %select_n3A_140, %mul3A_6 : i32
      %add3A_142 = arith.constant 0 : i32
      %add3A_143 = arith.addi %select_n3A_133, %add3A_142 : i32
      %sub3A_144 = arith.constant 1 : i32
      %sub3A_145 = arith.subi %select_n3A_133, %sub3A_144 : i32
      %select_n3A_146 = arith.constant true
      %select_n3A_147 = arith.select %select_n3A_146, %sub3A_145, %select_n3A_133 : i32
      %eq3A_148 = arith.constant -1 : i32
      %eq3A_149 = arith.cmpi eq, %select_n3A_147, %eq3A_148 : i32
      %select_n3A_150 = arith.constant 3 : i32
      %select_n3A_151 = arith.select %eq3A_149, %select_n3A_150, %select_n3A_147 : i32
      %sub3A_152 = arith.constant 1 : i32
      %sub3A_153 = arith.subi %select_n3A_140, %sub3A_152 : i32
      %select_n3A_154 = arith.select %eq3A_149, %sub3A_153, %select_n3A_140 : i32
      %eq3A_155 = arith.constant -1 : i32
      %eq3A_156 = arith.cmpi eq, %select_n3A_154, %eq3A_155 : i32
      %select_n3A_157 = arith.constant 15 : i32
      %select_n3A_158 = arith.select %eq3A_156, %select_n3A_157, %select_n3A_154 : i32
      %add3A_159 = arith.addi %select_n3A_158, %mul3A_6 : i32
      %add3A_160 = arith.constant 0 : i32
      %add3A_161 = arith.addi %select_n3A_151, %add3A_160 : i32
      %add3A_162 = arith.constant 1 : i32
      %add3A_163 = arith.addi %select_n3A_133, %add3A_162 : i32
      %select_n3A_164 = arith.constant true
      %select_n3A_165 = arith.select %select_n3A_164, %add3A_163, %select_n3A_133 : i32
      %eq3A_166 = arith.constant 4 : i32
      %eq3A_167 = arith.cmpi eq, %select_n3A_165, %eq3A_166 : i32
      %select_n3A_168 = arith.constant 0 : i32
      %select_n3A_169 = arith.select %eq3A_167, %select_n3A_168, %select_n3A_165 : i32
      %add3A_170 = arith.constant 1 : i32
      %add3A_171 = arith.addi %select_n3A_140, %add3A_170 : i32
      %select_n3A_172 = arith.select %eq3A_167, %add3A_171, %select_n3A_140 : i32
      %eq3A_173 = arith.constant 16 : i32
      %eq3A_174 = arith.cmpi eq, %select_n3A_172, %eq3A_173 : i32
      %select_n3A_175 = arith.constant 0 : i32
      %select_n3A_176 = arith.select %eq3A_174, %select_n3A_175, %select_n3A_172 : i32
      %add3A_177 = arith.addi %select_n3A_176, %mul3A_6 : i32
      %add3A_178 = arith.constant 0 : i32
      %add3A_179 = arith.addi %select_n3A_169, %add3A_178 : i32
      %add3A_180 = arith.constant 1 : i32
      %add3A_181 = arith.addi %select_n3A_169, %add3A_180 : i32
      %select_n3A_182 = arith.constant true
      %select_n3A_183 = arith.select %select_n3A_182, %add3A_181, %select_n3A_169 : i32
      %eq3A_184 = arith.constant 4 : i32
      %eq3A_185 = arith.cmpi eq, %select_n3A_183, %eq3A_184 : i32
      %select_n3A_186 = arith.constant 0 : i32
      %select_n3A_187 = arith.select %eq3A_185, %select_n3A_186, %select_n3A_183 : i32
      %add3A_188 = arith.constant 1 : i32
      %add3A_189 = arith.addi %select_n3A_176, %add3A_188 : i32
      %select_n3A_190 = arith.select %eq3A_185, %add3A_189, %select_n3A_176 : i32
      %eq3A_191 = arith.constant 16 : i32
      %eq3A_192 = arith.cmpi eq, %select_n3A_190, %eq3A_191 : i32
      %select_n3A_193 = arith.constant 0 : i32
      %select_n3A_194 = arith.select %eq3A_192, %select_n3A_193, %select_n3A_190 : i32
      %add3A_195 = arith.addi %select_n3A_194, %mul3A_6 : i32
      %add3A_196 = arith.constant 0 : i32
      %add3A_197 = arith.addi %select_n3A_187, %add3A_196 : i32
      "tpu.trace_start"() <{level = 10 : i32, message = "ep_finalize"}> : () -> ()
      %rem3A_198 = arith.constant 2 : i32
      %rem3A_199 = arith.remui %scan3A_125#5, %rem3A_198 : i32
      %mul3A_200 = arith.constant 512 : i32
      %mul3A_201 = arith.muli %add3A_143, %mul3A_200 : i32
      %add3A_202 = arith.addi %mul3A_201, %add3A_141 : i32
      %mul3A_203 = arith.constant 16 : i32
      %mul3A_204 = arith.muli %mul3A_203, %add3A_202 : i32
      %dma_wait3A = arith.constant 0 : i32
      %dma_wait3A_205 = arith.constant 0 : i32
      %dma_wait3A_206 = tpu.memref_slice %run_scoped3A_10[%rem3A_199, %dma_wait3A, %dma_wait3A_205] : memref<2x16x768xf32, #tpu.memory_space<vmem>> -> memref<1x16x768xf32, #tpu.memory_space<vmem>>
      %dma_wait3A_207 = tpu.memref_squeeze %dma_wait3A_206 : memref<1x16x768xf32, #tpu.memory_space<vmem>> -> memref<16x768xf32, #tpu.memory_space<vmem>>
      %dma_wait3A_208 = arith.constant 0 : i32
      %dma_wait3A_209 = tpu.memref_slice %arg4[%mul3A_204, %dma_wait3A_208] : memref<32768x768xf32, #tpu.memory_space<hbm>> -> memref<16x768xf32, #tpu.memory_space<hbm>>
      %dma_wait3A_210 = tpu.memref_slice %run_scoped3A_11[%rem3A_199] : memref<2x!tpu.dma_semaphore, #tpu.memory_space<semaphore_mem>> -> memref<1x!tpu.dma_semaphore, #tpu.memory_space<semaphore_mem>>
      %dma_wait3A_211 = tpu.memref_squeeze %dma_wait3A_210 : memref<1x!tpu.dma_semaphore, #tpu.memory_space<semaphore_mem>> -> memref<!tpu.dma_semaphore, #tpu.memory_space<semaphore_mem>>
      %dma_wait3A_212 = arith.constant 0 : i32
      %dma_wait3A_213 = tpu.memref_slice %arg4[%mul3A_204, %dma_wait3A_212] : memref<32768x768xf32, #tpu.memory_space<hbm>> -> memref<16x768xf32, #tpu.memory_space<hbm>>
      %dma_wait3A_214 = arith.constant 0 : i32
      %dma_wait3A_215 = arith.constant 0 : i32
      %dma_wait3A_216 = tpu.memref_slice %run_scoped3A_10[%rem3A_199, %dma_wait3A_214, %dma_wait3A_215] : memref<2x16x768xf32, #tpu.memory_space<vmem>> -> memref<1x16x768xf32, #tpu.memory_space<vmem>>
      %dma_wait3A_217 = tpu.memref_squeeze %dma_wait3A_216 : memref<1x16x768xf32, #tpu.memory_space<vmem>> -> memref<16x768xf32, #tpu.memory_space<vmem>>
      tpu.wait_dma2 semaphore(%dma_wait3A_211 : memref<!tpu.dma_semaphore, #tpu.memory_space<semaphore_mem>>) src(%dma_wait3A_217 : memref<16x768xf32, #tpu.memory_space<vmem>>) dst(%dma_wait3A_213 : memref<16x768xf32, #tpu.memory_space<hbm>>)
      "tpu.trace_stop"() : () -> ()
      tpu.yield
    }) : () -> ()
    return
  }
}

</mosaic_0001>

<sc_bundles>
// kernel: kernel.3.cloned.1.call-start
scs
__scs_entry_jumppad:
0x0: {  	(pc) =	sbr.rel $0x88, $3  }
0x1: {  	(tag) =	ssettag $0x0;
	lr =	simm.s32 $0x1  }
0x2: {  	[smem:$0x3F9F] =	sst lr;
	_ =	strace $0xD0000000  }
0x3: {  	_ = 	snop  }
0x4: {  	_ = 	snop  }
0x5: {  	_ = 	snop  }
0x6: {  	_ = 	snop  }
0x7: {  	_ = 	snop  }
__scs_overlays_trampoline_lowered:
0x8: {  	[smem:$0x3FAE] =	sst s0  }
0x9: {  	[smem:$0x3FAF] =	sst s1  }
0xa: {  	[smem:$0x3FB0] =	sst s2  }
0xb: {  	[smem:$0x3FB1] =	sst s3  }
0xc: {  	[smem:$0x3FB2] =	sst s4  }
0xd: {  	[smem:$0x3FB3] =	sst s5  }
0xe: {  	[smem:$0x3FB4] =	sst s6  }
0xf: {  	[smem:$0x3FB5] =	sst s7  }
0x10: {  	[smem:$0x3FB6] =	sst s8  }
0x11: {  	[smem:$0x3FB7] =	sst s9;
	s0 =	simm.s32 @!p0 $0x0  }
0x12: {  	s1 =	sld [smem:$0x3F9D];
	s0 =	simm.s32 @p0 $0x1  }
0x13: {  	[smem:$0x3FB8] =	sst s0;
	s0 =	simm.s32 @!p1 $0x0  }
0x14: {  	s2 =	sld [smem:$0x3F9C];
	s0 =	simm.s32 @p1 $0x1  }
0x15: {  	[smem:$0x3FB9] =	sst s0;
	s0 =	simm.s32 @!p2 $0x0  }
0x16: {  	s3 =	sld [smem:$0x3FDB];
	s0 =	simm.s32 @p2 $0x1  }
0x17: {  	s4 =	simm.s32 $0x1BF5;
	[smem:$0x3FBB] =	sst s0  }
0x18: {  	s0 =	sld [smem:$0x3F9E];
	_ =	swait.ge [sflag:s4], $0x0  }
0x19: {  	s7 =	sld [smem:$0x3F9F]  }
0x1a: {  	s8 =	sadd.s32 $0xFFFFE003, lr  }
0x1b: {  	s9 =	sadd.s32 $0xFFFFFEF7, lr;
	s5 =	simm.s32 $0xFFFFFFFF;
	p2 =	slt.u32 s8, $0xFFFFF086  }
0x1c: {  	p1 =	slt.u32 s9, $0xF7A;
	s5 =	simm.s32 @!p2 $0x0  }
0x1d: {  	s5 =	simm.s32 @p1 $0x1;
	p0 =	seq.s32 s7, s2  }
0x1e: {  	s7 =	smul.u32 @!p0 $0xF7A, s2;
	p2 =	seq.s32 @!p0 s5, $0x0  }
0x1f: {  	s9 =	smul.u32 $0xF7A, s1;
	s8 =	simm.s32 @!p0 $0x1BF5;
	p2 =	por !p2, p0  }
0x20: {  	[sflag:s8] =	ssyncset.s32 @!p0 $0xFFFFF086;
	s6 =	sadd.s32 @!p0 s3, s7;
	s7 =	simm.s32 @!p0 $0x108  }
0x21: {  	s3 =	sadd.s32 s3, s9;
	s6 =	sadd.s32 @!p0 $0x88, s6;
	s7 =	simm.s32 @p2 $0x1082  }
0x22: {  	[simem:s7], [sflag:s8] =	dma.local @!p0 [hbm:s6], $0xF7A  }
0x23: {  	s9 =	sor.u32 $0xD0000000, s2;
	s6 =	simm.s32 $0x108;
	_ =	swait.ge @!p0 [sflag:s8], $0x0  }
0x24: {  	s3 =	sadd.s32 $0x88, s3;
	s6 =	simm.s32 @!p1 $0x1082;
	[sflag:s4] =	ssyncset.s32 $0xFFFFF086  }
0x25: {  	[simem:s6], [sflag:s4] =	dma.local [hbm:s3], $0xF7A  }
0x26: {  	[smem:$0x3F9F] =	sst s1;
	(tag) =	ssettag s2;
	_ =	strace s9  }
0x27: {  	s1 =	sld [smem:$0x3FAF]  }
0x28: {  	s2 =	sld [smem:$0x3FB0]  }
0x29: {  	s4 =	sld [smem:$0x3FB2]  }
0x2a: {  	p0 =	seq.s32 s5, $0x0;
	s5 =	sld [smem:$0x3FB3]  }
0x2b: {  	s6 =	sld [smem:$0x3FB4]  }
0x2c: {  	s7 =	sld [smem:$0x3FB5]  }
0x2d: {  	s3 =	simm.s32 $0x108;
	s8 =	sld [smem:$0x3FB6]  }
0x2e: {  	s3 =	simm.s32 @!p0 $0x1082;
	s9 =	sld [smem:$0x3FB7]  }
0x2f: {  	lr =	sadd.s32 s0, s3;
	s0 =	sld [smem:$0x3FAE]  }
0x30: {  	s3 =	sld [smem:$0x3FB1]  }
0x31: {  	[smem:$0x3FBA] =	sst s10  }
0x32: {  	s10 =	sld [smem:$0x3FB8];
	_ =	sdelay $0x3  }
0x33: {  	p0 =	seq.s32 s10, $0x1;
	s10 =	sld [smem:$0x3FBA];
	_ =	sdelay $0x3  }
0x34: {  	[smem:$0x3FBA] =	sst s10  }
0x35: {  	s10 =	sld [smem:$0x3FB9];
	_ =	sdelay $0x3  }
0x36: {  	p1 =	seq.s32 s10, $0x1;
	s10 =	sld [smem:$0x3FBA];
	_ =	sdelay $0x3  }
0x37: {  	[smem:$0x3FBA] =	sst s10  }
0x38: {  	s10 =	sld [smem:$0x3FBB]  }
0x39: {  	_ = 	snop;
	(pc) =	sbr.ind lr, $3  }
0x3a: {  	_ = 	snop  }
0x3b: {  	_ = 	snop  }
0x3c: {  	p2 =	seq.s32 s10, $0x1;
	s10 =	sld [smem:$0x3FBA]  }
0x3d: {  	_ =	shalt  }
0x3e: {  	_ =	shalt  }
0x3f: {  	_ =	shalt  }
0x40: {  	_ =	shalt  }
0x41: {  	_ =	shalt  }
0x42: {  	_ =	shalt  }
0x43: {  	_ =	shalt  }
0x44: {  	_ =	shalt  }
0x45: {  	_ =	shalt  }
0x46: {  	_ =	shalt  }
0x47: {  	_ =	shalt  }
0x48: {  	_ =	shalt  }
0x49: {  	_ =	shalt  }
0x4a: {  	_ =	shalt  }
0x4b: {  	_ =	shalt  }
0x4c: {  	_ =	shalt  }
0x4d: {  	_ =	shalt  }
0x4e: {  	_ =	shalt  }
0x4f: {  	_ =	shalt  }
0x50: {  	_ =	shalt  }
0x51: {  	_ =	shalt  }
0x52: {  	_ =	shalt  }
0x53: {  	_ =	shalt  }
0x54: {  	_ =	shalt  }
0x55: {  	_ =	shalt  }
0x56: {  	_ =	shalt  }
0x57: {  	_ =	shalt  }
0x58: {  	_ =	shalt  }
0x59: {  	_ =	shalt  }
0x5a: {  	_ =	shalt  }
0x5b: {  	_ =	shalt  }
0x5c: {  	_ =	shalt  }
0x5d: {  	_ =	shalt  }
0x5e: {  	_ =	shalt  }
0x5f: {  	_ =	shalt  }
0x60: {  	_ =	shalt  }
0x61: {  	_ =	shalt  }
0x62: {  	_ =	shalt  }
0x63: {  	_ =	shalt  }
0x64: {  	_ =	shalt  }
0x65: {  	_ =	shalt  }
0x66: {  	_ =	shalt  }
0x67: {  	_ =	shalt  }
0x68: {  	_ =	shalt  }
0x69: {  	_ =	shalt  }
0x6a: {  	_ =	shalt  }
0x6b: {  	_ =	shalt  }
0x6c: {  	_ =	shalt  }
0x6d: {  	_ =	shalt  }
0x6e: {  	_ =	shalt  }
0x6f: {  	_ =	shalt  }
0x70: {  	_ =	shalt  }
0x71: {  	_ =	shalt  }
0x72: {  	_ =	shalt  }
0x73: {  	_ =	shalt  }
0x74: {  	_ =	shalt  }
0x75: {  	_ =	shalt  }
0x76: {  	_ =	shalt  }
0x77: {  	_ =	shalt  }
0x78: {  	_ =	shalt  }
0x79: {  	_ =	shalt  }
0x7a: {  	_ =	shalt  }
0x7b: {  	_ =	shalt  }
0x7c: {  	_ =	shalt  }
0x7d: {  	_ =	shalt  }
0x7e: {  	_ =	shalt  }
0x7f: {  	_ =	shalt  }
0x80: {  	_ =	shalt  }
0x81: {  	_ =	shalt  }
0x82: {  	_ =	shalt  }
0x83: {  	_ =	shalt  }
0x84: {  	_ =	shalt  }
0x85: {  	_ =	shalt  }
0x86: {  	_ =	shalt  }
0x87: {  	_ =	shalt  }
.Lfunc_end0:
.L_simem_size_0:
called_computation_lowered:
.L_overlay_start_0:
0x88: {  	s2 =	sld [smem:$0x3FD9]  }
0x89: {  	s3 =	sld [smem:$0x3FFE];
	_ =	sdelay $0x1  }
0x8a: {  	s1 =	srdreg.scid  }
0x8b: {  	s0 =	sand.u32 $0x1, s1  }
0x8c: {  	s18 =	sshll.u32 s0, $0xA;
	s2 =	sadd.s32 s3, s2  }
0x8d: {  	s2 =	sadd.s32 s2, s18  }
0x8e: {  	[smem:$0x3FC6] =	sst s2  }
0x8f: {  	_ = 	snop  }
0x90: {  	s2 =	sld [smem:$0x3FC9]  }
0x91: {  	s19 =	sld [smem:$0x3FC8]  }
0x92: {  	s4 =	sld [smem:$0x3FD0];
	(tm) =	ssettm $0x1  }
0x93: {  	s5 =	sld [smem:$0x3FFB];
	_ =	sdelay $0x3  }
0x94: {  	_ =	strace s5  }
0x95: {  	s5 =	sld [smem:$0x3FFC];
	_ =	sdelay $0x3  }
0x96: {  	_ =	strace s5  }
0x97: {  	s5 =	sld [smem:$0x3FFD];
	_ =	sdelay $0x3  }
0x98: {  	_ =	strace s5  }
0x99: {  	_ =	strace $0x8FFFFFFF  }
0x9a: {  	s20 =	sld [smem:$0x3FDB];
	_ =	sdelay $0x1  }
0x9b: {  	s6 =	simm.s32 $_scs_section_size  }
0x9c: {  	s7 =	simm.s32 $_size__tile_overlayer_lowered;
	s8 =	simm.s32 $_tile_overlayer_lowered  }
0x9d: {  	s23 =	simm.s32 $0x1BFF;
	s22 =	sshll.u32 s8, $0x1;
	s5 =	sadd.s32 s6, s20  }
0x9e: {  	s9 =	simm.s32 $0x0;
	s21 =	sshll.u32 s7, $0x1;
	s7 =	sadd.s32 s22, s5  }
0x9f: {  	[timem:s9], [sflag:s23] =	dma.local [hbm:s7], s21  }
0xa0: {  	_ =	swait.ge [sflag:s23], s21  }
0xa1: {  	s6 =	ssub.s32 $0x0, s21;
	[sflag:s23] =	ssyncset.done $0x0  }
0xa2: {  	[sflag:s23] =	ssyncadd.s32 s6;
	_ =	sdelay $0x1  }
0xa3: {  	s24 =	simm.s32 $0x1B8B  }
0xa4: {  	_ =	swait.ge [sflag:s24], $0x1  }
0xa5: {  	[sflag:s24] =	ssyncset.done $0x0  }
0xa6: {  	s25 =	simm.s32 $0x1B8E;
	[sflag:s24] =	ssyncadd.s32 $0xFFFFFFFF  }
0xa7: {  	s26 =	simm.s32 $execute0_lowered;
	[smem:$0x3FD2] =	sst s25  }
0xa8: {  	s6 =	sshll.u32 s26, $0x1;
	_ =	strace $0x80000046;
	[dreg:$0x1] =	wrdreg $0xFFFFFFFF  }
0xa9: {  	s28 =	simm.s32 $_size_execute0_lowered;
	s5 =	sadd.s32 s5, s6;
	[dreg:$0x0] =	wrdreg $0x0  }
0xaa: {  	s6 =	sshll.u32 s28, $0x1;
	[dreg:$0x2] =	wrdreg s5  }
0xab: {  	[dreg:$0x3] =	wrdreg s6  }
0xac: {  	[dreg:$0x4] =	wrdreg $0xC0  }
0xad: {  	_ =	task [dreg:s9], $0x5FFFF  }
0xae: {  	[dreg:$0x1] =	wrdreg $0xFFFFFFFF  }
0xaf: {  	[dreg:$0x0] =	wrdreg $0x60  }
0xb0: {  	[dreg:$0x2] =	wrdreg s2  }
0xb1: {  	[dreg:$0x3] =	wrdreg s19  }
0xb2: {  	[dreg:$0x4] =	wrdreg s4  }
0xb3: {  	[dreg:$0x5] =	wrdreg $0x9  }
0xb4: {  	_ =	task.clear_ibuf [dreg:s9], $0x6FFFF;
	_ =	strace $0x90000046  }
0xb5: {  	s29 =	simm.s32 $0x9;
	_ =	strace $0x80000051  }
0xb6: {  	_ =	swait.ge [sflag:s29], $0x1  }
0xb7: {  	[sflag:s29] =	ssyncadd.s32 $0xFFFFFFFF  }
0xb8: {  	_ =	strace $0x90000051  }
0xb9: {  	_ =	sfence  }
0xba: {  	s30 =	sld [smem:$0x0];
	_ =	sdelay $0x2  }
0xbb: {  	s31 =	sshll.u32 s1, $0xD;
	s1 =	sshrl.u32 s1, $0x2  }
0xbc: {  	s3 =	sand.u32 $0x4000, s31;
	s1 =	sadd.s32 s1, s30  }
0xbd: {  	s0 =	sor.u32 s3, s0;
	s1 =	sshll.u32 s1, $0x11  }
0xbe: {  	s0 =	sor.u32 s1, s0  }
0xbf: {  	s0 =	sadd.s32 $0x8F2B, s0  }
0xc0: {  	[sflag:s0] =	ssyncadd.remote.s32 $0x1  }
0xc1: {  	_ =	sfence.sel $0xFFFF  }
0xc2: {  	[dreg:$0x0] =	wrdreg $0xFFFFFFFF;
	(pc) =	sbr.abs _section_cstart, $3  }
0xc3: {  	[dreg:$0x1] =	wrdreg $0xFFFFFFFF  }
0xc4: {  	_ =	task.clear_ibuf [dreg:s9], $0x2FFFF;
	_ =	strace $0x9FFFFFFF  }
0xc5: {  	(tm) =	ssettm $0x7FFFFFFF  }
tec
execute0_lowered:
.L_overlay_start_1:
0x0: {  	(tag) =	ssettag $0x1  }
0x1: {  	s1 =	rddreg [dreg:$0x0];
	s0 =	srdreg.scid  }
0x2: {  	s2 =	rddreg [dreg:$0x1];
	s6 =	sand.u32 $0x1, s0  }
0x3: {  	s4 =	rddreg [dreg:$0x2];
	s3 =	stileid.u32;
	s7 =	sshll.u32 s6, $0x4  }
0x4: {  	s5 =	simm.s32 $0x0;
	s11 =	simm.s32 $0x0;
	s7 =	sor.u32 s3, s7  }
0x5: {  	[smem:$0x7FF] =	sst s5;
	s6 =	ssub.s32 $0x2, s6;
	s9 =	smul.u32 $0x6000, s7  }
0x6: {  	s0 =	rddreg [dreg:$0x3];
	_ =	strace $0x80000047;
	s8 =	sshrl.u32 s6, $0x1  }
0x7: {  	s10 =	ssub.s32 s6, s8;
	s6 =	sshll.u32 s7, $0x4;
	s7 =	sadd.s32 s1, s9  }
0x8: {  	s8 =	sadd.s32 s2, s9;
	s9 =	smax.u32 s10, $0x1;
	s10 =	simm.s32 $0x6000  }
.LBB2_1:
0x9: {  	_ =	strace $0x80000048;
	s13 =	simm.s32 $0x0  }
0xa: {  	s23 =	simm.s32 $0x0;
	s12 =	simm.s32 $0x0;
	s14 =	simm.s32 $0x0  }
0xb: {  	[tilespmem:s5], [sflag:$0x1] =	stream.linear.gather [hbm4b:s7+s5], $0x3000, $0x200038;
	[tilespmem:$0x12000] =	vst v63  }
0xc: {  	s15 =	simm.s32 $0x0;
	s16 =	simm.s32 $0x1;
	s17 =	simm.s32 $0x0  }
0xd: {  	[tilespmem:s10], [sflag:$0x3] =	stream.linear.gather [hbm4b:s8+s5], $0x3000, $0x200038;
	[tilespmem:$0x12000] =	vst v63  }
0xe: {  	s18 =	simm.s32 $0x1;
	s19 =	simm.s32 $0x0;
	_ =	strace $0x90000048  }
.LBB2_2:
0xf: {  	s22 =	smov.u32 s13;
	s13 =	sadd.s32 $0x1, s13  }
0x10: {  	s20 =	simm.s32 $0x1;
	p0 =	seq.s32 s13, $0x4  }
0x11: {  	s20 =	simm.s32 @!p0 $0x0  }
0x12: {  	s20 =	sadd.s32 s20, s23  }
0x13: {  	p1 =	seq.s32 s20, $0x10  }
0x14: {  	s21 =	sadd.s32 s6, s23;
	s13 =	simm.s32 @p0 $0x0;
	s20 =	simm.s32 @p1 $0x0  }
0x15: {  	s26 =	sshll.u32 s22, $0x9;
	s25 =	sshll.u32 s13, $0x9;
	s24 =	sadd.s32 s6, s20  }
0x16: {  	s21 =	sadd.s32 s26, s21;
	s25 =	sadd.s32 s25, s24  }
0x17: {  	p3 =	sne.s32 s19, $0x3F;
	p1 =	sne.s32 s21, s25  }
0x18: {  	p6 =	por !p3, !p1  }
0x19: {  	p2 =	por !p6, !p6  }
0x1a: {  	p0 =	sne.s32 s23, s20;
	s28 =	sand.u32 @p2 $0x1, s18;
	s25 =	smul.u32 @p2 $0x600, s25  }
0x1b: {  	p3 =	por !p3, !p0;
	s29 =	smul.u32 @p2 $0xC000, s28  }
0x1c: {  	p3 =	por !p3, !p3;
	_ =	strace @p2 $0x80000049;
	s30 =	simm.s32 @p2 $0x0  }
0x1d: {  	s28 =	sadd.s32 @p2 $0x1, s28;
	s25 =	sadd.s32 @p2 s1, s25;
	s29 =	sshrl.u32 @p2 s29, $0x2  }
0x1e: {  	[tilespmem:s29], [sflag:s28] =	stream.linear.gather @p2 [hbm4b:s25+s30], $0x3000, $0x200038;
	[tilespmem:$0x12000] =	vst v63  }
0x1f: {  	s24 =	smul.u32 @p3 $0x600, s24;
	s25 =	sand.u32 @p3 $0x1, s16  }
0x20: {  	p4 =	seq.s32 s22, $0x0;
	s22 =	simm.s32 $0x1;
	s28 =	smul.u32 @p3 $0xC000, s25  }
0x21: {  	s22 =	simm.s32 @!p4 $0x0;
	s24 =	sadd.s32 @p3 s2, s24  }
0x22: {  	s29 =	simm.s32 @p3 $0x0;
	_ =	strace @p2 $0x90000049;
	s28 =	sshrl.u32 @p3 s28, $0x2  }
0x23: {  	s25 =	sadd.s32 @p3 $0x3, s25;
	_ =	strace @p3 $0x8000004A;
	s28 =	sadd.s32 @p3 $0x6000, s28  }
0x24: {  	[tilespmem:s28], [sflag:s25] =	stream.linear.gather @p3 [hbm4b:s24+s29], $0x3000, $0x200038;
	[tilespmem:$0x12000] =	vst v63  }
0x25: {  	s25 =	ssub.s32 s23, s22;
	s22 =	sadd.s32 $0xFFFFFE00, s26  }
0x26: {  	p5 =	seq.s32 s25, $0xFFFFFFFF;
	s22 =	simm.s32 @p4 $0x600  }
0x27: {  	s25 =	simm.s32 @p5 $0xF;
	s22 =	sor.u32 s6, s22  }
0x28: {  	p4 =	seq.s32 s19, $0x0;
	s22 =	sadd.s32 s25, s22  }
0x29: {  	p5 =	seq.s32 @!p4 s21, s22  }
0x2a: {  	s24 =	sand.u32 $0x1, s17;
	_ =	strace @p3 $0x9000004A;
	p5 =	por p4, !p5  }
0x2b: {  	_ =	strace @p5 $0x8000004B;
	s26 =	sadd.s32 @p5 $0x1, s24  }
0x2c: {  	_ =	swait.ge @p5 [sflag:s26], $0x3000  }
0x2d: {  	[sflag:s26] =	ssyncset.done @p5 $0x0  }
0x2e: {  	[sflag:s26] =	ssyncadd.s32 @p5 $0xFFFFD000  }
0x2f: {  	_ =	strace @p5 $0x9000004B;
	p5 =	seq.s32 @!p4 s23, s25  }
0x30: {  	s25 =	sand.u32 $0x1, s15;
	p4 =	por p4, !p5  }
0x31: {  	_ =	strace @p4 $0x8000004C;
	s23 =	sadd.s32 @p4 $0x3, s25  }
0x32: {  	s28 =	simm.s32 $0x1;
	_ =	swait.ge @p4 [sflag:s23], $0x3000  }
0x33: {  	s29 =	simm.s32 $0x9000;
	s28 =	simm.s32 @!p3 $0x0;
	[sflag:s23] =	ssyncset.done @p4 $0x0  }
0x34: {  	s26 =	simm.s32 $0x1;
	[sflag:s23] =	ssyncadd.s32 @p4 $0xFFFFD000;
	s23 =	sand.u32 $0x1, s14  }
0x35: {  	s16 =	sadd.s32 s28, s16;
	s26 =	simm.s32 @!p2 $0x0;
	s30 =	smul.u32 $0xC000, s23  }
0x36: {  	s28 =	simm.s32 $0x3000;
	p2 =	seq.s32 s24, $0x1;
	s18 =	sadd.s32 s26, s18  }
0x37: {  	p3 =	seq.s32 s25, $0x1;
	s28 =	simm.s32 @!p2 $0x0;
	s31 =	sshrl.u32 s30, $0x2  }
0x38: {  	s29 =	simm.s32 @!p3 $0x6000;
	_ =	strace @p4 $0x9000004C;
	s24 =	sor.u32 $0xC000, s31  }
0x39: {  	s26 =	simm.s32 $0x0;
	s25 =	simm.s32 $0x0;
	v0 =	vmov s28;
	v1 =	vmov s29;
	_ =	strace $0x8000004D;
	v2 =	vmov s24  }
.LBB2_3:
0x3a: {  	s28 =	sshrl.u32 s26, $0x3  }
0x3b: {  	s28 =	smul.u32 $0x1800, s28  }
0x3c: {  	s29 =	sand.u32 $0x380, s25  }
0x3d: {  	s28 =	sor.u32 s29, s28  }
0x3e: {  	v3 =	vld.idx.msk [tilespmem:v0+s28+$0x0 ss:$0x1], $0xffff  }
0x3f: {  	v4 =	vld.idx.msk [tilespmem:v1+s28+$0x0 ss:$0x1], $0xffff;
	_ =	sdelay $0x4  }
0x40: {  	v3 =	vadd.f32 v4, v3;
	_ =	sdelay $0x1  }
0x41: {  	s29 =	sor.u32 $0x10, s28;
	[tilespmem:v2+s28+$0x0 ss:$0x1] =	vst.idx.msk $0xffff, v3  }
0x42: {  	v3 =	vld.idx.msk [tilespmem:v0+s29+$0x0 ss:$0x1], $0xffff  }
0x43: {  	v17 =	vld.idx.msk [tilespmem:v1+s29+$0x0 ss:$0x1], $0xffff;
	_ =	sdelay $0x4  }
0x44: {  	v3 =	vadd.f32 v17, v3;
	_ =	sdelay $0x1  }
0x45: {  	s31 =	sor.u32 $0x20, s28;
	[tilespmem:v2+s29+$0x0 ss:$0x1] =	vst.idx.msk $0xffff, v3  }
0x46: {  	v3 =	vld.idx.msk [tilespmem:v0+s31+$0x0 ss:$0x1], $0xffff  }
0x47: {  	v18 =	vld.idx.msk [tilespmem:v1+s31+$0x0 ss:$0x1], $0xffff;
	_ =	sdelay $0x4  }
0x48: {  	v3 =	vadd.f32 v18, v3;
	_ =	sdelay $0x1  }
0x49: {  	s30 =	sor.u32 $0x30, s28;
	[tilespmem:v2+s31+$0x0 ss:$0x1] =	vst.idx.msk $0xffff, v3  }
0x4a: {  	v3 =	vld.idx.msk [tilespmem:v0+s30+$0x0 ss:$0x1], $0xffff  }
0x4b: {  	v19 =	vld.idx.msk [tilespmem:v1+s30+$0x0 ss:$0x1], $0xffff;
	_ =	sdelay $0x4  }
0x4c: {  	v3 =	vadd.f32 v19, v3;
	_ =	sdelay $0x1  }
0x4d: {  	s31 =	sor.u32 $0x40, s28;
	[tilespmem:v2+s30+$0x0 ss:$0x1] =	vst.idx.msk $0xffff, v3  }
0x4e: {  	v3 =	vld.idx.msk [tilespmem:v0+s31+$0x0 ss:$0x1], $0xffff  }
0x4f: {  	v20 =	vld.idx.msk [tilespmem:v1+s31+$0x0 ss:$0x1], $0xffff;
	_ =	sdelay $0x4  }
0x50: {  	v3 =	vadd.f32 v20, v3;
	_ =	sdelay $0x1  }
0x51: {  	s30 =	sor.u32 $0x50, s28;
	[tilespmem:v2+s31+$0x0 ss:$0x1] =	vst.idx.msk $0xffff, v3  }
0x52: {  	v3 =	vld.idx.msk [tilespmem:v0+s30+$0x0 ss:$0x1], $0xffff  }
0x53: {  	v21 =	vld.idx.msk [tilespmem:v1+s30+$0x0 ss:$0x1], $0xffff;
	_ =	sdelay $0x4  }
0x54: {  	v3 =	vadd.f32 v21, v3;
	_ =	sdelay $0x1  }
0x55: {  	s31 =	sor.u32 $0x60, s28;
	[tilespmem:v2+s30+$0x0 ss:$0x1] =	vst.idx.msk $0xffff, v3  }
0x56: {  	v3 =	vld.idx.msk [tilespmem:v0+s31+$0x0 ss:$0x1], $0xffff  }
0x57: {  	v22 =	vld.idx.msk [tilespmem:v1+s31+$0x0 ss:$0x1], $0xffff;
	_ =	sdelay $0x4  }
0x58: {  	v3 =	vadd.f32 v22, v3;
	_ =	sdelay $0x1  }
0x59: {  	s30 =	sor.u32 $0x70, s28;
	[tilespmem:v2+s31+$0x0 ss:$0x1] =	vst.idx.msk $0xffff, v3  }
0x5a: {  	v3 =	vld.idx.msk [tilespmem:v0+s30+$0x0 ss:$0x1], $0xffff  }
0x5b: {  	v23 =	vld.idx.msk [tilespmem:v1+s30+$0x0 ss:$0x1], $0xffff;
	_ =	sdelay $0x4  }
0x5c: {  	v3 =	vadd.f32 v23, v3;
	_ =	sdelay $0x1  }
0x5d: {  	s31 =	sor.u32 $0x400, s28;
	[tilespmem:v2+s30+$0x0 ss:$0x1] =	vst.idx.msk $0xffff, v3  }
0x5e: {  	v3 =	vld.idx.msk [tilespmem:v0+s31+$0x0 ss:$0x1], $0xffff  }
0x5f: {  	v24 =	vld.idx.msk [tilespmem:v1+s31+$0x0 ss:$0x1], $0xffff;
	_ =	sdelay $0x4  }
0x60: {  	v3 =	vadd.f32 v24, v3;
	_ =	sdelay $0x1  }
0x61: {  	s30 =	sor.u32 $0x410, s28;
	[tilespmem:v2+s31+$0x0 ss:$0x1] =	vst.idx.msk $0xffff, v3  }
0x62: {  	v3 =	vld.idx.msk [tilespmem:v0+s30+$0x0 ss:$0x1], $0xffff  }
0x63: {  	v25 =	vld.idx.msk [tilespmem:v1+s30+$0x0 ss:$0x1], $0xffff;
	_ =	sdelay $0x4  }
0x64: {  	v3 =	vadd.f32 v25, v3;
	_ =	sdelay $0x1  }
0x65: {  	s31 =	sor.u32 $0x420, s28;
	[tilespmem:v2+s30+$0x0 ss:$0x1] =	vst.idx.msk $0xffff, v3  }
0x66: {  	v3 =	vld.idx.msk [tilespmem:v0+s31+$0x0 ss:$0x1], $0xffff  }
0x67: {  	v26 =	vld.idx.msk [tilespmem:v1+s31+$0x0 ss:$0x1], $0xffff;
	_ =	sdelay $0x4  }
0x68: {  	v3 =	vadd.f32 v26, v3;
	_ =	sdelay $0x1  }
0x69: {  	s30 =	sor.u32 $0x430, s28;
	[tilespmem:v2+s31+$0x0 ss:$0x1] =	vst.idx.msk $0xffff, v3  }
0x6a: {  	v3 =	vld.idx.msk [tilespmem:v0+s30+$0x0 ss:$0x1], $0xffff  }
0x6b: {  	v27 =	vld.idx.msk [tilespmem:v1+s30+$0x0 ss:$0x1], $0xffff;
	_ =	sdelay $0x4  }
0x6c: {  	v3 =	vadd.f32 v27, v3;
	_ =	sdelay $0x1  }
0x6d: {  	s31 =	sor.u32 $0x440, s28;
	[tilespmem:v2+s30+$0x0 ss:$0x1] =	vst.idx.msk $0xffff, v3  }
0x6e: {  	v3 =	vld.idx.msk [tilespmem:v0+s31+$0x0 ss:$0x1], $0xffff  }
0x6f: {  	v28 =	vld.idx.msk [tilespmem:v1+s31+$0x0 ss:$0x1], $0xffff;
	_ =	sdelay $0x4  }
0x70: {  	v3 =	vadd.f32 v28, v3;
	_ =	sdelay $0x1  }
0x71: {  	s30 =	sor.u32 $0x450, s28;
	[tilespmem:v2+s31+$0x0 ss:$0x1] =	vst.idx.msk $0xffff, v3  }
0x72: {  	v3 =	vld.idx.msk [tilespmem:v0+s30+$0x0 ss:$0x1], $0xffff  }
0x73: {  	v29 =	vld.idx.msk [tilespmem:v1+s30+$0x0 ss:$0x1], $0xffff;
	_ =	sdelay $0x4  }
0x74: {  	v3 =	vadd.f32 v29, v3;
	_ =	sdelay $0x1  }
0x75: {  	s31 =	sor.u32 $0x460, s28;
	[tilespmem:v2+s30+$0x0 ss:$0x1] =	vst.idx.msk $0xffff, v3  }
0x76: {  	v3 =	vld.idx.msk [tilespmem:v0+s31+$0x0 ss:$0x1], $0xffff  }
0x77: {  	v30 =	vld.idx.msk [tilespmem:v1+s31+$0x0 ss:$0x1], $0xffff;
	_ =	sdelay $0x4  }
0x78: {  	v3 =	vadd.f32 v30, v3;
	_ =	sdelay $0x1  }
0x79: {  	s30 =	sor.u32 $0x470, s28;
	[tilespmem:v2+s31+$0x0 ss:$0x1] =	vst.idx.msk $0xffff, v3  }
0x7a: {  	v3 =	vld.idx.msk [tilespmem:v0+s30+$0x0 ss:$0x1], $0xffff  }
0x7b: {  	v31 =	vld.idx.msk [tilespmem:v1+s30+$0x0 ss:$0x1], $0xffff;
	_ =	sdelay $0x4  }
0x7c: {  	v3 =	vadd.f32 v31, v3;
	_ =	sdelay $0x1  }
0x7d: {  	s31 =	sadd.s32 $0x800, s28;
	[tilespmem:v2+s30+$0x0 ss:$0x1] =	vst.idx.msk $0xffff, v3  }
0x7e: {  	v3 =	vld.idx.msk [tilespmem:v0+s31+$0x0 ss:$0x1], $0xffff  }
0x7f: {  	v32 =	vld.idx.msk [tilespmem:v1+s31+$0x0 ss:$0x1], $0xffff;
	_ =	sdelay $0x4  }
0x80: {  	v3 =	vadd.f32 v32, v3;
	_ =	sdelay $0x1  }
0x81: {  	s30 =	sadd.s32 $0x810, s28;
	[tilespmem:v2+s31+$0x0 ss:$0x1] =	vst.idx.msk $0xffff, v3  }
0x82: {  	v3 =	vld.idx.msk [tilespmem:v0+s30+$0x0 ss:$0x1], $0xffff  }
0x83: {  	v33 =	vld.idx.msk [tilespmem:v1+s30+$0x0 ss:$0x1], $0xffff;
	_ =	sdelay $0x4  }
0x84: {  	v3 =	vadd.f32 v33, v3;
	_ =	sdelay $0x1  }
0x85: {  	s31 =	sadd.s32 $0x820, s28;
	[tilespmem:v2+s30+$0x0 ss:$0x1] =	vst.idx.msk $0xffff, v3  }
0x86: {  	v3 =	vld.idx.msk [tilespmem:v0+s31+$0x0 ss:$0x1], $0xffff  }
0x87: {  	v34 =	vld.idx.msk [tilespmem:v1+s31+$0x0 ss:$0x1], $0xffff;
	_ =	sdelay $0x4  }
0x88: {  	v3 =	vadd.f32 v34, v3;
	_ =	sdelay $0x1  }
0x89: {  	s30 =	sadd.s32 $0x830, s28;
	[tilespmem:v2+s31+$0x0 ss:$0x1] =	vst.idx.msk $0xffff, v3  }
0x8a: {  	v3 =	vld.idx.msk [tilespmem:v0+s30+$0x0 ss:$0x1], $0xffff  }
0x8b: {  	v35 =	vld.idx.msk [tilespmem:v1+s30+$0x0 ss:$0x1], $0xffff;
	_ =	sdelay $0x4  }
0x8c: {  	v3 =	vadd.f32 v35, v3;
	_ =	sdelay $0x1  }
0x8d: {  	s31 =	sadd.s32 $0x840, s28;
	[tilespmem:v2+s30+$0x0 ss:$0x1] =	vst.idx.msk $0xffff, v3  }
0x8e: {  	v3 =	vld.idx.msk [tilespmem:v0+s31+$0x0 ss:$0x1], $0xffff  }
0x8f: {  	v36 =	vld.idx.msk [tilespmem:v1+s31+$0x0 ss:$0x1], $0xffff;
	_ =	sdelay $0x4  }
0x90: {  	v3 =	vadd.f32 v36, v3;
	_ =	sdelay $0x1  }
0x91: {  	s30 =	sadd.s32 $0x850, s28;
	[tilespmem:v2+s31+$0x0 ss:$0x1] =	vst.idx.msk $0xffff, v3  }
0x92: {  	v3 =	vld.idx.msk [tilespmem:v0+s30+$0x0 ss:$0x1], $0xffff  }
0x93: {  	v37 =	vld.idx.msk [tilespmem:v1+s30+$0x0 ss:$0x1], $0xffff;
	_ =	sdelay $0x4  }
0x94: {  	v3 =	vadd.f32 v37, v3;
	_ =	sdelay $0x1  }
0x95: {  	s31 =	sadd.s32 $0x860, s28;
	[tilespmem:v2+s30+$0x0 ss:$0x1] =	vst.idx.msk $0xffff, v3  }
0x96: {  	v3 =	vld.idx.msk [tilespmem:v0+s31+$0x0 ss:$0x1], $0xffff  }
0x97: {  	v38 =	vld.idx.msk [tilespmem:v1+s31+$0x0 ss:$0x1], $0xffff;
	_ =	sdelay $0x4  }
0x98: {  	v3 =	vadd.f32 v38, v3;
	_ =	sdelay $0x1  }
0x99: {  	s30 =	sadd.s32 $0x870, s28;
	[tilespmem:v2+s31+$0x0 ss:$0x1] =	vst.idx.msk $0xffff, v3  }
0x9a: {  	v3 =	vld.idx.msk [tilespmem:v0+s30+$0x0 ss:$0x1], $0xffff  }
0x9b: {  	v39 =	vld.idx.msk [tilespmem:v1+s30+$0x0 ss:$0x1], $0xffff;
	_ =	sdelay $0x4  }
0x9c: {  	v3 =	vadd.f32 v39, v3;
	_ =	sdelay $0x1  }
0x9d: {  	s31 =	sadd.s32 $0xC00, s28;
	[tilespmem:v2+s30+$0x0 ss:$0x1] =	vst.idx.msk $0xffff, v3  }
0x9e: {  	v3 =	vld.idx.msk [tilespmem:v0+s31+$0x0 ss:$0x1], $0xffff  }
0x9f: {  	v40 =	vld.idx.msk [tilespmem:v1+s31+$0x0 ss:$0x1], $0xffff;
	_ =	sdelay $0x4  }
0xa0: {  	v3 =	vadd.f32 v40, v3;
	_ =	sdelay $0x1  }
0xa1: {  	s30 =	sadd.s32 $0xC10, s28;
	[tilespmem:v2+s31+$0x0 ss:$0x1] =	vst.idx.msk $0xffff, v3  }
0xa2: {  	v3 =	vld.idx.msk [tilespmem:v0+s30+$0x0 ss:$0x1], $0xffff  }
0xa3: {  	v41 =	vld.idx.msk [tilespmem:v1+s30+$0x0 ss:$0x1], $0xffff;
	_ =	sdelay $0x4  }
0xa4: {  	v3 =	vadd.f32 v41, v3;
	_ =	sdelay $0x1  }
0xa5: {  	s31 =	sadd.s32 $0xC20, s28;
	[tilespmem:v2+s30+$0x0 ss:$0x1] =	vst.idx.msk $0xffff, v3  }
0xa6: {  	v3 =	vld.idx.msk [tilespmem:v0+s31+$0x0 ss:$0x1], $0xffff  }
0xa7: {  	v42 =	vld.idx.msk [tilespmem:v1+s31+$0x0 ss:$0x1], $0xffff;
	_ =	sdelay $0x4  }
0xa8: {  	v3 =	vadd.f32 v42, v3;
	_ =	sdelay $0x1  }
0xa9: {  	s30 =	sadd.s32 $0xC30, s28;
	[tilespmem:v2+s31+$0x0 ss:$0x1] =	vst.idx.msk $0xffff, v3  }
0xaa: {  	v3 =	vld.idx.msk [tilespmem:v0+s30+$0x0 ss:$0x1], $0xffff  }
0xab: {  	v43 =	vld.idx.msk [tilespmem:v1+s30+$0x0 ss:$0x1], $0xffff;
	_ =	sdelay $0x4  }
0xac: {  	v3 =	vadd.f32 v43, v3;
	_ =	sdelay $0x1  }
0xad: {  	s31 =	sadd.s32 $0xC40, s28;
	[tilespmem:v2+s30+$0x0 ss:$0x1] =	vst.idx.msk $0xffff, v3  }
0xae: {  	v3 =	vld.idx.msk [tilespmem:v0+s31+$0x0 ss:$0x1], $0xffff  }
0xaf: {  	v44 =	vld.idx.msk [tilespmem:v1+s31+$0x0 ss:$0x1], $0xffff;
	_ =	sdelay $0x4  }
0xb0: {  	v3 =	vadd.f32 v44, v3;
	_ =	sdelay $0x1  }
0xb1: {  	s30 =	sadd.s32 $0xC50, s28;
	[tilespmem:v2+s31+$0x0 ss:$0x1] =	vst.idx.msk $0xffff, v3  }
0xb2: {  	v3 =	vld.idx.msk [tilespmem:v0+s30+$0x0 ss:$0x1], $0xffff  }
0xb3: {  	v45 =	vld.idx.msk [tilespmem:v1+s30+$0x0 ss:$0x1], $0xffff;
	_ =	sdelay $0x4  }
0xb4: {  	v3 =	vadd.f32 v45, v3;
	_ =	sdelay $0x1  }
0xb5: {  	s31 =	sadd.s32 $0xC60, s28;
	[tilespmem:v2+s30+$0x0 ss:$0x1] =	vst.idx.msk $0xffff, v3  }
0xb6: {  	v3 =	vld.idx.msk [tilespmem:v0+s31+$0x0 ss:$0x1], $0xffff  }
0xb7: {  	v46 =	vld.idx.msk [tilespmem:v1+s31+$0x0 ss:$0x1], $0xffff;
	_ =	sdelay $0x4  }
0xb8: {  	v3 =	vadd.f32 v46, v3;
	_ =	sdelay $0x1  }
0xb9: {  	s30 =	sadd.s32 $0xC70, s28;
	[tilespmem:v2+s31+$0x0 ss:$0x1] =	vst.idx.msk $0xffff, v3  }
0xba: {  	v3 =	vld.idx.msk [tilespmem:v0+s30+$0x0 ss:$0x1], $0xffff  }
0xbb: {  	v47 =	vld.idx.msk [tilespmem:v1+s30+$0x0 ss:$0x1], $0xffff;
	_ =	sdelay $0x4  }
0xbc: {  	v3 =	vadd.f32 v47, v3;
	_ =	sdelay $0x1  }
0xbd: {  	s31 =	sadd.s32 $0x1000, s28;
	[tilespmem:v2+s30+$0x0 ss:$0x1] =	vst.idx.msk $0xffff, v3  }
0xbe: {  	v3 =	vld.idx.msk [tilespmem:v0+s31+$0x0 ss:$0x1], $0xffff  }
0xbf: {  	v48 =	vld.idx.msk [tilespmem:v1+s31+$0x0 ss:$0x1], $0xffff;
	_ =	sdelay $0x4  }
0xc0: {  	v3 =	vadd.f32 v48, v3;
	_ =	sdelay $0x1  }
0xc1: {  	s30 =	sadd.s32 $0x1010, s28;
	[tilespmem:v2+s31+$0x0 ss:$0x1] =	vst.idx.msk $0xffff, v3  }
0xc2: {  	v3 =	vld.idx.msk [tilespmem:v0+s30+$0x0 ss:$0x1], $0xffff  }
0xc3: {  	v49 =	vld.idx.msk [tilespmem:v1+s30+$0x0 ss:$0x1], $0xffff;
	_ =	sdelay $0x4  }
0xc4: {  	v3 =	vadd.f32 v49, v3;
	_ =	sdelay $0x1  }
0xc5: {  	s31 =	sadd.s32 $0x1020, s28;
	[tilespmem:v2+s30+$0x0 ss:$0x1] =	vst.idx.msk $0xffff, v3  }
0xc6: {  	v3 =	vld.idx.msk [tilespmem:v0+s31+$0x0 ss:$0x1], $0xffff  }
0xc7: {  	v50 =	vld.idx.msk [tilespmem:v1+s31+$0x0 ss:$0x1], $0xffff;
	_ =	sdelay $0x4  }
0xc8: {  	v3 =	vadd.f32 v50, v3;
	_ =	sdelay $0x1  }
0xc9: {  	s30 =	sadd.s32 $0x1030, s28;
	[tilespmem:v2+s31+$0x0 ss:$0x1] =	vst.idx.msk $0xffff, v3  }
0xca: {  	v3 =	vld.idx.msk [tilespmem:v0+s30+$0x0 ss:$0x1], $0xffff  }
0xcb: {  	v51 =	vld.idx.msk [tilespmem:v1+s30+$0x0 ss:$0x1], $0xffff;
	_ =	sdelay $0x4  }
0xcc: {  	v3 =	vadd.f32 v51, v3;
	_ =	sdelay $0x1  }
0xcd: {  	s31 =	sadd.s32 $0x1040, s28;
	[tilespmem:v2+s30+$0x0 ss:$0x1] =	vst.idx.msk $0xffff, v3  }
0xce: {  	v3 =	vld.idx.msk [tilespmem:v0+s31+$0x0 ss:$0x1], $0xffff  }
0xcf: {  	v52 =	vld.idx.msk [tilespmem:v1+s31+$0x0 ss:$0x1], $0xffff;
	_ =	sdelay $0x4  }
0xd0: {  	v3 =	vadd.f32 v52, v3;
	_ =	sdelay $0x1  }
0xd1: {  	s30 =	sadd.s32 $0x1050, s28;
	[tilespmem:v2+s31+$0x0 ss:$0x1] =	vst.idx.msk $0xffff, v3  }
0xd2: {  	v3 =	vld.idx.msk [tilespmem:v0+s30+$0x0 ss:$0x1], $0xffff  }
0xd3: {  	v53 =	vld.idx.msk [tilespmem:v1+s30+$0x0 ss:$0x1], $0xffff;
	_ =	sdelay $0x4  }
0xd4: {  	v3 =	vadd.f32 v53, v3;
	_ =	sdelay $0x1  }
0xd5: {  	s31 =	sadd.s32 $0x1060, s28;
	[tilespmem:v2+s30+$0x0 ss:$0x1] =	vst.idx.msk $0xffff, v3  }
0xd6: {  	v3 =	vld.idx.msk [tilespmem:v0+s31+$0x0 ss:$0x1], $0xffff  }
0xd7: {  	v54 =	vld.idx.msk [tilespmem:v1+s31+$0x0 ss:$0x1], $0xffff;
	_ =	sdelay $0x4  }
0xd8: {  	v3 =	vadd.f32 v54, v3;
	_ =	sdelay $0x1  }
0xd9: {  	s30 =	sadd.s32 $0x1070, s28;
	[tilespmem:v2+s31+$0x0 ss:$0x1] =	vst.idx.msk $0xffff, v3  }
0xda: {  	v3 =	vld.idx.msk [tilespmem:v0+s30+$0x0 ss:$0x1], $0xffff  }
0xdb: {  	v55 =	vld.idx.msk [tilespmem:v1+s30+$0x0 ss:$0x1], $0xffff;
	_ =	sdelay $0x4  }
0xdc: {  	v3 =	vadd.f32 v55, v3;
	_ =	sdelay $0x1  }
0xdd: {  	s31 =	sadd.s32 $0x1400, s28;
	[tilespmem:v2+s30+$0x0 ss:$0x1] =	vst.idx.msk $0xffff, v3  }
0xde: {  	v3 =	vld.idx.msk [tilespmem:v0+s31+$0x0 ss:$0x1], $0xffff  }
0xdf: {  	v56 =	vld.idx.msk [tilespmem:v1+s31+$0x0 ss:$0x1], $0xffff;
	_ =	sdelay $0x4  }
0xe0: {  	v3 =	vadd.f32 v56, v3;
	_ =	sdelay $0x1  }
0xe1: {  	s30 =	sadd.s32 $0x1410, s28;
	[tilespmem:v2+s31+$0x0 ss:$0x1] =	vst.idx.msk $0xffff, v3  }
0xe2: {  	v3 =	vld.idx.msk [tilespmem:v0+s30+$0x0 ss:$0x1], $0xffff  }
0xe3: {  	v57 =	vld.idx.msk [tilespmem:v1+s30+$0x0 ss:$0x1], $0xffff;
	_ =	sdelay $0x4  }
0xe4: {  	v3 =	vadd.f32 v57, v3;
	_ =	sdelay $0x1  }
0xe5: {  	s31 =	sadd.s32 $0x1420, s28;
	[tilespmem:v2+s30+$0x0 ss:$0x1] =	vst.idx.msk $0xffff, v3  }
0xe6: {  	v3 =	vld.idx.msk [tilespmem:v0+s31+$0x0 ss:$0x1], $0xffff  }
0xe7: {  	v58 =	vld.idx.msk [tilespmem:v1+s31+$0x0 ss:$0x1], $0xffff;
	_ =	sdelay $0x4  }
0xe8: {  	v3 =	vadd.f32 v58, v3;
	_ =	sdelay $0x1  }
0xe9: {  	s30 =	sadd.s32 $0x1430, s28;
	[tilespmem:v2+s31+$0x0 ss:$0x1] =	vst.idx.msk $0xffff, v3  }
0xea: {  	v3 =	vld.idx.msk [tilespmem:v0+s30+$0x0 ss:$0x1], $0xffff  }
0xeb: {  	v59 =	vld.idx.msk [tilespmem:v1+s30+$0x0 ss:$0x1], $0xffff;
	_ =	sdelay $0x4  }
0xec: {  	v3 =	vadd.f32 v59, v3;
	_ =	sdelay $0x1  }
0xed: {  	s31 =	sadd.s32 $0x1440, s28;
	[tilespmem:v2+s30+$0x0 ss:$0x1] =	vst.idx.msk $0xffff, v3  }
0xee: {  	v3 =	vld.idx.msk [tilespmem:v0+s31+$0x0 ss:$0x1], $0xffff  }
0xef: {  	v60 =	vld.idx.msk [tilespmem:v1+s31+$0x0 ss:$0x1], $0xffff;
	_ =	sdelay $0x4  }
0xf0: {  	v3 =	vadd.f32 v60, v3;
	_ =	sdelay $0x1  }
0xf1: {  	s30 =	sadd.s32 $0x1450, s28;
	[tilespmem:v2+s31+$0x0 ss:$0x1] =	vst.idx.msk $0xffff, v3  }
0xf2: {  	v3 =	vld.idx.msk [tilespmem:v0+s30+$0x0 ss:$0x1], $0xffff  }
0xf3: {  	v61 =	vld.idx.msk [tilespmem:v1+s30+$0x0 ss:$0x1], $0xffff;
	_ =	sdelay $0x4  }
0xf4: {  	v3 =	vadd.f32 v61, v3;
	_ =	sdelay $0x1  }
0xf5: {  	s31 =	sadd.s32 $0x1460, s28;
	[tilespmem:v2+s30+$0x0 ss:$0x1] =	vst.idx.msk $0xffff, v3  }
0xf6: {  	v3 =	vld.idx.msk [tilespmem:v0+s31+$0x0 ss:$0x1], $0xffff  }
0xf7: {  	v62 =	vld.idx.msk [tilespmem:v1+s31+$0x0 ss:$0x1], $0xffff;
	_ =	sdelay $0x4  }
0xf8: {  	v3 =	vadd.f32 v62, v3;
	_ =	sdelay $0x1  }
0xf9: {  	s28 =	sadd.s32 $0x1470, s28;
	[tilespmem:v2+s31+$0x0 ss:$0x1] =	vst.idx.msk $0xffff, v3  }
0xfa: {  	v3 =	vld.idx.msk [tilespmem:v0+s28+$0x0 ss:$0x1], $0xffff  }
0xfb: {  	v63 =	vld.idx.msk [tilespmem:v1+s28+$0x0 ss:$0x1], $0xffff;
	_ =	sdelay $0x1  }
0xfc: {  	p2 =	sne.s32 s26, $0xF  }
.Ltmp0:
0xfd: {  	_ = 	snop;
	(pc) =	sbr.rel @p2 .LBB2_3-.Ltmp0, $3  }
0xfe: {  	_ = 	snop  }
0xff: {  	v3 =	vadd.f32 v63, v3;
	_ =	sdelay $0x1  }
0x100: {  	s25 =	sadd.s32 $0x80, s25;
	s26 =	sadd.s32 $0x1, s26;
	[tilespmem:v2+s28+$0x0 ss:$0x1] =	vst.idx.msk $0xffff, v3  }
0x101: {  	p2 =	seq.s32 s19, $0x3F  }
0x102: {  	_ =	strace $0x9000004D;
	p1 =	por p2, p1  }
0x103: {  	p3 =	sne.s32 s21, s22;
	p4 =	sne.s32 s19, $0x0;
	s25 =	smul.u32 @p1 $0x600, s21  }
0x104: {  	p3 =	por !p4, !p3;
	_ =	strace @p1 $0x8000004E;
	s21 =	sadd.s32 @p1 $0x5, s23  }
0x105: {  	s23 =	simm.s32 @p1 $0x0;
	p3 =	por !p3, !p3;
	s22 =	sadd.s32 @p1 s4, s25  }
0x106: {  	[hbm4b:s22+s23] =	stream.linear.scatter @p1 [tilespmem:s24], [sflag:s21], $0x3000, $0x200038;
	[tilespmem:$0x12000] =	vst v63  }
0x107: {  	s19 =	sadd.s32 $0x1, s19;
	p0 =	por p2, p0;
	s21 =	sand.u32 @p3 $0x1, s12  }
0x108: {  	s23 =	simm.s32 $0x1;
	_ =	strace @p1 $0x9000004E;
	s21 =	sadd.s32 @p3 $0x5, s21  }
0x109: {  	s23 =	simm.s32 @!p0 $0x0;
	p0 =	sne.s32 s19, $0x40;
	_ =	strace @p3 $0x8000004F  }
.Ltmp1:
0x10a: {  	s22 =	simm.s32 $0x1;
	_ =	swait.ge @p3 [sflag:s21], $0x3000;
	(pc) =	sbr.rel @p0 .LBB2_2-.Ltmp1, $4  }
0x10b: {  	s22 =	simm.s32 @!p1 $0x0;
	[sflag:s21] =	ssyncset.done @p3 $0x0  }
0x10c: {  	s14 =	sadd.s32 s22, s14;
	[sflag:s21] =	ssyncadd.s32 @p3 $0xFFFFD000;
	s21 =	simm.s32 $0x1  }
0x10d: {  	s17 =	sadd.s32 s22, s17;
	s15 =	sadd.s32 s23, s15;
	s21 =	simm.s32 @!p3 $0x0  }
0x10e: {  	s23 =	smov.u32 s20;
	_ =	strace @p3 $0x9000004F;
	s12 =	sadd.s32 s21, s12  }
0x10f: {  	s11 =	sadd.s32 $0x1, s11  }
0x110: {  	s12 =	sand.u32 $0x1, s12;
	p0 =	sne.s32 s11, s9  }
.Ltmp2:
0x111: {  	_ =	strace $0x80000050;
	s12 =	sadd.s32 $0x5, s12;
	(pc) =	sbr.rel @p0 .LBB2_1-.Ltmp2, $4  }
0x112: {  	_ =	swait.ge [sflag:s12], $0x3000  }
0x113: {  	[sflag:s12] =	ssyncset.done $0x0  }
0x114: {  	[sflag:s12] =	ssyncadd.s32 $0xFFFFD000  }
0x115: {  	_ =	strace $0x90000050  }
0x116: {  	_ =	sfence.sel $0x180000  }
0x117: {  	[bflag:$0x0] =	sbarrier.arrive $0xFFFF  }
0x118: {  	p0 =	sne.s32 s3, $0x0;
	_ =	strace $0x90000047  }
0x119: {  	s0 =	sadd.s32 @!p0 $0x100000, s0;
	[bflag:$0x2] =	sbarrier.arrive $0xFFFF  }
0x11a: {  	[sflag:s0] =	ssyncadd.tile.s32 @!p0 $0x1;
	_ =	shalt  }
.Lfunc_end2:
_tile_overlayer_lowered:
.L_overlay_start_2:
0x11b: {  	(tag) =	ssettag $0x2  }
0x11c: {  	s0 =	rddreg [dreg:$0x0];
	s2 =	stileid.u32  }
0x11d: {  	s1 =	rddreg [dreg:$0x1];
	p0 =	sne.s32 s2, $0x0  }
0x11e: {  	s3 =	rddreg [dreg:$0x2];
	[bflag:$0x3] =	sbarrier.arrive $0xFFFF;
	s2 =	simm.s32 @!p0 $0x1C01  }
0x11f: {  	[timem:s3], [sflag:s2] =	dma.local @!p0 [hbm:s0], s1  }
0x120: {  	s0 =	simm.s32 @!p0 $0x1  }
0x121: {  	_ =	swait.ge @!p0 [sflag:s0], s1  }
0x122: {  	s1 =	ssub.s32 @!p0 $0x0, s1;
	[sflag:s0] =	ssyncset.done @!p0 $0x0  }
0x123: {  	[sflag:s0] =	ssyncadd.s32 @!p0 s1  }
0x124: {  	[bflag:$0x3] =	sbarrier.arrive $0xFFFF  }
0x125: {  	_ =	shalt  }

</sc_bundles>
